<compile_context>
chip_gen: v7x
topology: tpu7x:2x2x1
jax: 0.10.2.dev20260603
libtpu: 0.0.44.dev20260713+nightly
codegen_flags: <defaults>
</compile_context>

<pallas_src>
import functools

import jax
import jax.numpy as jnp
from jax import lax
from jax.experimental import pallas as pl
from jax.experimental.pallas import tpu as pltpu
from jax.experimental.pallas import tpu_sc as plsc

N = 10000
E = 640000
D = 128
NSUB = 16
N_PAD = 10240
ROWS_PER_SUB = N_PAD // NSUB
CPAD = ROWS_PER_SUB
EDGES_PER_SUB = E // NSUB
CHUNK = 80
NCHUNK = EDGES_PER_SUB // CHUNK

BLK = 2000



def _proj_body(x_ref, w_ref, b_ref, o_ref):
    h = jnp.dot(x_ref[...], w_ref[...], preferred_element_type=jnp.float32)
    o_ref[...] = h + b_ref[...]


def _proj(x, w, b):
    return pl.pallas_call(
        _proj_body,
        grid=(N // BLK,),
        in_specs=[
            pl.BlockSpec((BLK, D), lambda i: (i, 0)),
            pl.BlockSpec((D, D), lambda i: (0, 0)),
            pl.BlockSpec((1, D), lambda i: (0, 0)),
        ],
        out_specs=pl.BlockSpec((BLK, D), lambda i: (i, 0)),
        out_shape=jax.ShapeDtypeStruct((N, D), jnp.float32),
    )(x, w, b.reshape(1, D))


def _update_body(a_ref, c_ref, h_ref, wl_ref, b_ref, wr_ref, o_ref):
    mean = a_ref[...] / jnp.maximum(c_ref[...], 1.0)
    r = jnp.dot(mean, wl_ref[...], preferred_element_type=jnp.float32)
    r = r + b_ref[...]
    r = r + jnp.dot(h_ref[...], wr_ref[...],
                    preferred_element_type=jnp.float32)
    o_ref[...] = jnp.maximum(r, 0.0)


def _update(aggbuf, cnt, h_tab, wl, bl, wr):
    return pl.pallas_call(
        _update_body,
        grid=(N // BLK,),
        in_specs=[
            pl.BlockSpec((BLK, D), lambda i: (i, 0)),
            pl.BlockSpec((BLK, 1), lambda i: (i, 0)),
            pl.BlockSpec((BLK, D), lambda i: (i, 0)),
            pl.BlockSpec((D, D), lambda i: (0, 0)),
            pl.BlockSpec((1, D), lambda i: (0, 0)),
            pl.BlockSpec((D, D), lambda i: (0, 0)),
        ],
        out_specs=pl.BlockSpec((BLK, D), lambda i: (i, 0)),
        out_shape=jax.ShapeDtypeStruct((N, D), jnp.float32),
    )(aggbuf, cnt, h_tab, wl, bl.reshape(1, D), wr)


def _update_final_body(a_ref, c_ref, h_ref, wl_ref, b_ref, wr_ref,
                       wh_ref, bh_ref, o_ref):
    mean = a_ref[...] / jnp.maximum(c_ref[...], 1.0)
    r = jnp.dot(mean, wl_ref[...], preferred_element_type=jnp.float32)
    r = r + b_ref[...]
    r = r + jnp.dot(h_ref[...], wr_ref[...],
                    preferred_element_type=jnp.float32)
    r = jnp.maximum(r, 0.0)
    r = jnp.dot(r, wh_ref[...], preferred_element_type=jnp.float32)
    o_ref[...] = r + bh_ref[...]


def _update_final(aggbuf, cnt, h_tab, wl, bl, wr, wh, bh):
    return pl.pallas_call(
        _update_final_body,
        grid=(N // BLK,),
        in_specs=[
            pl.BlockSpec((BLK, D), lambda i: (i, 0)),
            pl.BlockSpec((BLK, 1), lambda i: (i, 0)),
            pl.BlockSpec((BLK, D), lambda i: (i, 0)),
            pl.BlockSpec((D, D), lambda i: (0, 0)),
            pl.BlockSpec((1, D), lambda i: (0, 0)),
            pl.BlockSpec((D, D), lambda i: (0, 0)),
            pl.BlockSpec((D, D), lambda i: (0, 0)),
            pl.BlockSpec((1, D), lambda i: (0, 0)),
        ],
        out_specs=pl.BlockSpec((BLK, D), lambda i: (i, 0)),
        out_shape=jax.ShapeDtypeStruct((N, D), jnp.float32),
    )(aggbuf, cnt, h_tab, wl, bl.reshape(1, D), wr, wh, bh.reshape(1, D))



def _make_agg(with_counts):
    mesh = plsc.VectorSubcoreMesh(core_axis_name="c", subcore_axis_name="s")

    out_type = [
        jax.ShapeDtypeStruct((N_PAD, D), jnp.float32),
        jax.ShapeDtypeStruct((N_PAD, D), jnp.float32),
    ]
    scratch = [
        pltpu.VMEM((CHUNK,), jnp.int32),
        pltpu.VMEM((CHUNK,), jnp.int32),
        pltpu.VMEM((CHUNK, D), jnp.float32),
        pltpu.VMEM_SHARED((N_PAD, D), jnp.float32),
        pltpu.SemaphoreType.DMA,
    ]
    if with_counts:
        out_type += [
            jax.ShapeDtypeStruct((N_PAD,), jnp.float32),
            jax.ShapeDtypeStruct((N_PAD,), jnp.float32),
        ]
        scratch += [
            pltpu.VMEM((N_PAD,), jnp.int32),
            pltpu.VMEM((NSUB * CPAD,), jnp.int32),
            pltpu.VMEM((CPAD,), jnp.float32),
            pltpu.VMEM_SHARED((NSUB * N_PAD,), jnp.int32),
        ]

    @functools.partial(
        pl.kernel,
        mesh=mesh,
        out_type=tuple(out_type),
        scratch_types=scratch,
        compiler_params=pltpu.CompilerParams(needs_layout_passes=False),
    )
    def agg(tab_u, tab_i, ei_u2i, ei_i2u, zeros_hbm, *refs):
        if with_counts:
            (out_i, out_u, cnt_i, cnt_u,
             src_idx, dst_idx, rows, acc, sem,
             hist, hbuf, cred, hist_sh) = refs
        else:
            (out_i, out_u, src_idx, dst_idx, rows, acc, sem) = refs

        c = lax.axis_index("c")
        s = lax.axis_index("s")
        r0 = s * ROWS_PER_SUB

        pltpu.sync_copy(zeros_hbm.at[pl.ds(r0, ROWS_PER_SUB)],
                        acc.at[pl.ds(r0, ROWS_PER_SUB)])
        if with_counts:
            zero16 = jnp.zeros((16,), jnp.int32)

            def zbody(i, carry):
                hist[pl.ds(i * 16, 16)] = zero16
                return carry

            lax.fori_loop(0, N_PAD // 16, zbody, 0)
        plsc.subcore_barrier()

        def run(tab, ei, out, cnt_out):
            e0 = s * EDGES_PER_SUB

            def body(k, carry):
                base = e0 + k * CHUNK
                pltpu.sync_copy(ei.at[pl.ds(base, CHUNK)], src_idx)
                pltpu.sync_copy(ei.at[pl.ds(E + base, CHUNK)], dst_idx)
                pltpu.async_copy(tab.at[src_idx], rows, sem).wait()
                pltpu.sync_copy(rows, acc.at[dst_idx], add=True)
                if with_counts:
                    for g in range(CHUNK // 16):
                        d = dst_idx[pl.ds(g * 16, 16)]
                        occ, last = plsc.scan_count(d)
                        plsc.addupdate_scatter(hist, [d], occ, mask=last)
                return carry

            lax.fori_loop(0, NCHUNK, body, 0)

            if with_counts:
                pltpu.sync_copy(hist, hist_sh.at[pl.ds(s * N_PAD, N_PAD)])
            plsc.subcore_barrier()
            pltpu.sync_copy(acc.at[pl.ds(r0, ROWS_PER_SUB)],
                            out.at[pl.ds(r0, ROWS_PER_SUB)])
            if with_counts:
                for t in range(NSUB):
                    pltpu.sync_copy(
                        hist_sh.at[pl.ds(t * N_PAD + r0, ROWS_PER_SUB)],
                        hbuf.at[pl.ds(t * CPAD, ROWS_PER_SUB)])

                def rbody(v, carry):
                    tot = hbuf[pl.ds(v * 16, 16)]
                    for t in range(1, NSUB):
                        tot = tot + hbuf[pl.ds(t * CPAD + v * 16, 16)]
                    cred[pl.ds(v * 16, 16)] = tot.astype(jnp.float32)
                    return carry

                lax.fori_loop(0, ROWS_PER_SUB // 16, rbody, 0)
                pltpu.sync_copy(cred.at[pl.ds(0, ROWS_PER_SUB)],
                                cnt_out.at[pl.ds(r0, ROWS_PER_SUB)])

        @pl.when(c == 0)
        def _():
            run(tab_u, ei_u2i, out_i, cnt_i if with_counts else None)

        @pl.when(c == 1)
        def _():
            run(tab_i, ei_i2u, out_u, cnt_u if with_counts else None)

    return agg


_agg0 = _make_agg(with_counts=True)
_agg1 = _make_agg(with_counts=False)



def kernel(x_user, x_item, edge_index_u2i, edge_index_i2u, W_pu, b_pu,
           W_pi, b_pi, Wl0_ui, bl0_ui, Wr0_ui, Wl0_iu, bl0_iu, Wr0_iu,
           Wl1_ui, bl1_ui, Wr1_ui, Wl1_iu, bl1_iu, Wr1_iu, W_hu, b_hu,
           W_hi, b_hi):
    zeros = jnp.zeros((N_PAD, D), jnp.float32)
    ei_u2i = edge_index_u2i.reshape(-1)
    ei_i2u = edge_index_i2u.reshape(-1)

    tab_u = _proj(x_user, W_pu, b_pu)
    tab_i = _proj(x_item, W_pi, b_pi)

    agg_i0, agg_u0, cnt_i, cnt_u = _agg0(tab_u, tab_i, ei_u2i, ei_i2u, zeros)
    cnt_i = cnt_i.reshape(N_PAD, 1)
    cnt_u = cnt_u.reshape(N_PAD, 1)
    tab_i = _update(agg_i0, cnt_i, tab_i, Wl0_ui, bl0_ui, Wr0_ui)
    tab_u = _update(agg_u0, cnt_u, tab_u, Wl0_iu, bl0_iu, Wr0_iu)

    agg_i1, agg_u1 = _agg1(tab_u, tab_i, ei_u2i, ei_i2u, zeros)
    emb_i = _update_final(agg_i1, cnt_i, tab_i, Wl1_ui, bl1_ui, Wr1_ui,
                          W_hi, b_hi)
    emb_u = _update_final(agg_u1, cnt_u, tab_u, Wl1_iu, bl1_iu, Wr1_iu,
                          W_hu, b_hu)
    return (emb_u, emb_i)

# --- scband reference (transcript-rebuilt; emitter-appended) ---
"""Pipeline reference for scband-hetero-gnn-13700945674411 (READ-ONLY COPY).

The authoritative reference and input builder live on the scoring server;
editing this copy changes nothing except your own understanding.
"""

import jax, jax.numpy as jnp
import numpy as np

N = 10000
E = 640000
D = 128
H = 128

def _w(key, shape, fan_in):
    return jax.random.normal(key, shape, jnp.float32) * (1.0 / np.sqrt(fan_in))

def setup_inputs(seed: int = 0):
    key = jax.random.key(seed)
    ks = jax.random.split(key, 32)
    inp = {}
    inp['x_user'] = jax.random.normal(ks[0], (N, D), jnp.float32)
    inp['x_item'] = jax.random.normal(ks[1], (N, D), jnp.float32)
    inp['edge_index_u2i'] = jax.random.randint(ks[2], (2, E), 0, N, jnp.int32)
    inp['edge_index_i2u'] = jax.random.randint(ks[3], (2, E), 0, N, jnp.int32)
    inp['W_pu'] = _w(ks[4], (D, H), D)
    inp['b_pu'] = jnp.zeros((H,), jnp.float32)
    inp['W_pi'] = _w(ks[5], (D, H), D)
    inp['b_pi'] = jnp.zeros((H,), jnp.float32)
    conv_names = ['Wl0_ui','bl0_ui','Wr0_ui','Wl0_iu','bl0_iu','Wr0_iu','Wl1_ui','bl1_ui','Wr1_ui','Wl1_iu','bl1_iu','Wr1_iu']
    for i, nm in enumerate(conv_names):
        if nm.startswith('b'):
            inp[nm] = jnp.zeros((H,), jnp.float32)
        else:
            inp[nm] = _w(ks[8 + i], (H, H), H)
    inp['W_hu'] = _w(ks[24], (H, H), H)
    inp['b_hu'] = jnp.zeros((H,), jnp.float32)
    inp['W_hi'] = _w(ks[25], (H, H), H)
    inp['b_hi'] = jnp.zeros((H,), jnp.float32)
    return inp

def _sage(x_src, x_dst, ei, Wl, bl, Wr):
    src = ei[0]
    dst = ei[1]
    msgs = jnp.take(x_src, src, axis=0)
    summed = jax.ops.segment_sum(msgs, dst, num_segments=x_dst.shape[0])
    cnt = jax.ops.segment_sum(jnp.ones((src.shape[0],), x_src.dtype), dst, num_segments=x_dst.shape[0])
    mean = summed / jnp.maximum(cnt, 1.0)[:, None]
    return mean @ Wl + bl + x_dst @ Wr

def reference(x_user, x_item, edge_index_u2i, edge_index_i2u, W_pu, b_pu, W_pi, b_pi, Wl0_ui, bl0_ui, Wr0_ui, Wl0_iu, bl0_iu, Wr0_iu, Wl1_ui, bl1_ui, Wr1_ui, Wl1_iu, bl1_iu, Wr1_iu, W_hu, b_hu, W_hi, b_hi):
    h_u = x_user @ W_pu + b_pu
    h_i = x_item @ W_pi + b_pi
    n_i = _sage(h_u, h_i, edge_index_u2i, Wl0_ui, bl0_ui, Wr0_ui)
    n_u = _sage(h_i, h_u, edge_index_i2u, Wl0_iu, bl0_iu, Wr0_iu)
    h_u = jax.nn.relu(n_u)
    h_i = jax.nn.relu(n_i)
    n_i = _sage(h_u, h_i, edge_index_u2i, Wl1_ui, bl1_ui, Wr1_ui)
    n_u = _sage(h_i, h_u, edge_index_i2u, Wl1_iu, bl1_iu, Wr1_iu)
    h_u = jax.nn.relu(n_u)
    h_i = jax.nn.relu(n_i)
    emb_u = h_u @ W_hu + b_hu
    emb_i = h_i @ W_hi + b_hi
    return (emb_u, emb_i)

if __name__ == "__main__":
    import jax
    _d = setup_inputs()
    print(jax.jit(kernel)(*tuple(_d.values())))

</pallas_src>

<mosaic_0001>
#map = affine_map<(d0, d1) -> (0, 0)>
#map1 = affine_map<(d0, d1) -> (0)>
module attributes {stable_mosaic.version = 14 : i64} {
  func.func @agg(%arg0: i32, %arg1: i32, %arg2: memref<10000x128xf32, #tpu.memory_space<hbm>>, %arg3: memref<10000x128xf32, #tpu.memory_space<hbm>>, %arg4: memref<1280000xi32, #tpu.memory_space<hbm>>, %arg5: memref<1280000xi32, #tpu.memory_space<hbm>>, %arg6: memref<10240x128xf32, #tpu.memory_space<hbm>>, %arg7: memref<10240x128xf32, #tpu.memory_space<hbm>>, %arg8: memref<10240x128xf32, #tpu.memory_space<hbm>>, %arg9: memref<10240xf32, #tpu.memory_space<hbm>>, %arg10: memref<10240xf32, #tpu.memory_space<hbm>>, %arg11: memref<80xi32, #tpu.memory_space<vmem>>, %arg12: memref<80xi32, #tpu.memory_space<vmem>>, %arg13: memref<80x128xf32, #tpu.memory_space<vmem>>, %arg14: memref<10240x128xf32, #tpu.memory_space<vmem_shared>>, %arg15: memref<!tpu.dma_semaphore, #tpu.memory_space<semaphore_mem>>, %arg16: memref<10240xi32, #tpu.memory_space<vmem>>, %arg17: memref<10240xi32, #tpu.memory_space<vmem>>, %arg18: memref<640xf32, #tpu.memory_space<vmem>>, %arg19: memref<163840xi32, #tpu.memory_space<vmem_shared>>) attributes {dimension_semantics = [#tpu.dimension_semantics<core_parallel>, #tpu.dimension_semantics<subcore_parallel>], iteration_bounds = array<i64: 2, 16>, scalar_prefetch = 0 : i64, scratch_operands = 9 : i64, tpu.core_type = #tpu.core_type<sc_vector_subcore>, window_params = [{transform_indices = #map}, {transform_indices = #map}, {transform_indices = #map1}, {transform_indices = #map1}, {transform_indices = #map}, {transform_indices = #map}, {transform_indices = #map}, {transform_indices = #map1}, {transform_indices = #map1}]} {
    %mul3A = arith.constant 640 : i32
    %mul3A_0 = arith.muli %arg1, %mul3A : i32
    "tpu.region"() ({
      %run_scoped3A = tpu.sem_alloc : memref<!tpu.dma_semaphore, #tpu.memory_space<semaphore_mem>>
      %dma_start3A = arith.constant 0 : i32
      %dma_start3A_14 = tpu.memref_slice %arg14[%mul3A_0, %dma_start3A] : memref<10240x128xf32, #tpu.memory_space<vmem_shared>> -> memref<640x128xf32, #tpu.memory_space<vmem_shared>>
      %dma_start3A_15 = arith.constant 0 : i32
      %dma_start3A_16 = tpu.memref_slice %arg6[%mul3A_0, %dma_start3A_15] : memref<10240x128xf32, #tpu.memory_space<hbm>> -> memref<640x128xf32, #tpu.memory_space<hbm>>
      tpu.enqueue_dma source(%dma_start3A_16 : memref<640x128xf32, #tpu.memory_space<hbm>>) target(%dma_start3A_14 : memref<640x128xf32, #tpu.memory_space<vmem_shared>>) target_semaphore(%run_scoped3A : memref<!tpu.dma_semaphore, #tpu.memory_space<semaphore_mem>>)
      %dma_wait3A = arith.constant 0 : i32
      %dma_wait3A_17 = tpu.memref_slice %arg14[%mul3A_0, %dma_wait3A] : memref<10240x128xf32, #tpu.memory_space<vmem_shared>> -> memref<640x128xf32, #tpu.memory_space<vmem_shared>>
      %dma_wait3A_18 = arith.constant 0 : i32
      %dma_wait3A_19 = tpu.memref_slice %arg6[%mul3A_0, %dma_wait3A_18] : memref<10240x128xf32, #tpu.memory_space<hbm>> -> memref<640x128xf32, #tpu.memory_space<hbm>>
      tpu.wait_dma2 semaphore(%run_scoped3A : memref<!tpu.dma_semaphore, #tpu.memory_space<semaphore_mem>>) src(%dma_wait3A_19 : memref<640x128xf32, #tpu.memory_space<hbm>>) dst(%dma_wait3A_17 : memref<640x128xf32, #tpu.memory_space<vmem_shared>>)
      tpu.yield
    }) : () -> ()
    %broadcast_in_dim3A = arith.constant 0 : i32
    %broadcast_in_dim3A_1 = vector.broadcast %broadcast_in_dim3A : i32 to vector<16xi32>
    %scan3A = arith.constant 0 : i32
    %scan3A_2 = arith.constant 0 : i32
    %scan3A_3 = arith.constant 640 : i32
    %scan3A_4 = arith.addi %scan3A_2, %scan3A_3 : i32
    %scan3A_5 = arith.constant 1 : i32
    scf.for %scan3A_14 = %scan3A_2 to %scan3A_4 step %scan3A_5  : i32 {
      %mul3A_15 = arith.constant 16 : i32
      %mul3A_16 = arith.muli %scan3A_14, %mul3A_15 : i32
      %swap3A = arith.index_cast %mul3A_16 : i32 to index
      %swap3A_17 = tpu.vector_load %arg16[%swap3A] {strides = array<i32>} : memref<10240xi32, #tpu.memory_space<vmem>>, vector<16xi32>,
      tpu.vector_store %arg16[%swap3A], %broadcast_in_dim3A_1 {strides = array<i32>} : memref<10240xi32, #tpu.memory_space<vmem>>, vector<16xi32>,
    }
    %scan3A_6 = arith.constant 640 : i32
    %barrier3A = arith.constant 0 : index
    tpu.barrier barrier_id(%barrier3A)
    %eq3A = arith.constant 0 : i32
    %eq3A_7 = arith.cmpi eq, %arg0, %eq3A : i32
    %convert_element_type3A = arith.extui %eq3A_7 : i1 to i32
    %cond3A = arith.constant 0 : i32
    %cond3A_8 = arith.cmpi ne, %convert_element_type3A, %cond3A : i32
    scf.if %cond3A_8 {
      %mul3A_14 = arith.constant 40000 : i32
      %mul3A_15 = arith.muli %arg1, %mul3A_14 : i32
      %scan3A_16 = arith.constant 0 : i32
      %scan3A_17 = arith.constant 0 : i32
      %scan3A_18 = arith.constant 500 : i32
      %scan3A_19 = arith.addi %scan3A_17, %scan3A_18 : i32
      %scan3A_20 = arith.constant 1 : i32
      scf.for %scan3A_62 = %scan3A_17 to %scan3A_19 step %scan3A_20  : i32 {
        %mul3A_63 = arith.constant 80 : i32
        %mul3A_64 = arith.muli %scan3A_62, %mul3A_63 : i32
        %add3A_65 = arith.addi %mul3A_15, %mul3A_64 : i32
        "tpu.region"() ({
          %run_scoped3A = tpu.sem_alloc : memref<!tpu.dma_semaphore, #tpu.memory_space<semaphore_mem>>
          %dma_start3A_100 = tpu.memref_slice %arg4[%add3A_65] : memref<1280000xi32, #tpu.memory_space<hbm>> -> memref<80xi32, #tpu.memory_space<hbm>>
          %dma_start3A_101 = tpu.memref_slice %arg4[%add3A_65] : memref<1280000xi32, #tpu.memory_space<hbm>> -> memref<80xi32, #tpu.memory_space<hbm>>
          tpu.enqueue_dma source(%dma_start3A_101 : memref<80xi32, #tpu.memory_space<hbm>>) target(%arg11 : memref<80xi32, #tpu.memory_space<vmem>>) target_semaphore(%run_scoped3A : memref<!tpu.dma_semaphore, #tpu.memory_space<semaphore_mem>>)
          %dma_wait3A_102 = tpu.memref_slice %arg4[%add3A_65] : memref<1280000xi32, #tpu.memory_space<hbm>> -> memref<80xi32, #tpu.memory_space<hbm>>
          %dma_wait3A_103 = tpu.memref_slice %arg4[%add3A_65] : memref<1280000xi32, #tpu.memory_space<hbm>> -> memref<80xi32, #tpu.memory_space<hbm>>
          tpu.wait_dma2 semaphore(%run_scoped3A : memref<!tpu.dma_semaphore, #tpu.memory_space<semaphore_mem>>) src(%dma_wait3A_103 : memref<80xi32, #tpu.memory_space<hbm>>) dst(%arg11 : memref<80xi32, #tpu.memory_space<vmem>>)
          tpu.yield
        }) : () -> ()
        %add3A_66 = arith.constant 640000 : i32
        %add3A_67 = arith.addi %add3A_66, %add3A_65 : i32
        "tpu.region"() ({
          %run_scoped3A = tpu.sem_alloc : memref<!tpu.dma_semaphore, #tpu.memory_space<semaphore_mem>>
          %dma_start3A_100 = tpu.memref_slice %arg4[%add3A_67] : memref<1280000xi32, #tpu.memory_space<hbm>> -> memref<80xi32, #tpu.memory_space<hbm>>
          %dma_start3A_101 = tpu.memref_slice %arg4[%add3A_67] : memref<1280000xi32, #tpu.memory_space<hbm>> -> memref<80xi32, #tpu.memory_space<hbm>>
          tpu.enqueue_dma source(%dma_start3A_101 : memref<80xi32, #tpu.memory_space<hbm>>) target(%arg12 : memref<80xi32, #tpu.memory_space<vmem>>) target_semaphore(%run_scoped3A : memref<!tpu.dma_semaphore, #tpu.memory_space<semaphore_mem>>)
          %dma_wait3A_102 = tpu.memref_slice %arg4[%add3A_67] : memref<1280000xi32, #tpu.memory_space<hbm>> -> memref<80xi32, #tpu.memory_space<hbm>>
          %dma_wait3A_103 = tpu.memref_slice %arg4[%add3A_67] : memref<1280000xi32, #tpu.memory_space<hbm>> -> memref<80xi32, #tpu.memory_space<hbm>>
          tpu.wait_dma2 semaphore(%run_scoped3A : memref<!tpu.dma_semaphore, #tpu.memory_space<semaphore_mem>>) src(%dma_wait3A_103 : memref<80xi32, #tpu.memory_space<hbm>>) dst(%arg12 : memref<80xi32, #tpu.memory_space<vmem>>)
          tpu.yield
        }) : () -> ()
        %dma_start3A = arith.constant 0 : i32
        %dma_start3A_68 = arith.constant 0 : i32
        %dma_start3A_69 = tpu.memref_slice %arg2[%dma_start3A, %dma_start3A_68] : memref<10000x128xf32, #tpu.memory_space<hbm>> -> memref<10000x128xf32, #tpu.memory_space<hbm>>
        tpu.enqueue_indirect_dma source(%dma_start3A_69 : memref<10000x128xf32, #tpu.memory_space<hbm>>) target(%arg13 : memref<80x128xf32, #tpu.memory_space<vmem>>) offsets(%arg11 : memref<80xi32, #tpu.memory_space<vmem>>) semaphore(%arg15 : memref<!tpu.dma_semaphore, #tpu.memory_space<semaphore_mem>>)
        %dma_wait3A = arith.constant 0 : i32
        %dma_wait3A_70 = arith.constant 0 : i32
        %dma_wait3A_71 = tpu.memref_slice %arg2[%dma_wait3A, %dma_wait3A_70] : memref<10000x128xf32, #tpu.memory_space<hbm>> -> memref<10000x128xf32, #tpu.memory_space<hbm>>
        tpu.wait_indirect_dma semaphore(%arg15 : memref<!tpu.dma_semaphore, #tpu.memory_space<semaphore_mem>>) src(%dma_wait3A_71 : memref<10000x128xf32, #tpu.memory_space<hbm>>) dst(%arg13 : memref<80x128xf32, #tpu.memory_space<vmem>>)
        "tpu.region"() ({
          %run_scoped3A = tpu.sem_alloc : memref<!tpu.dma_semaphore, #tpu.memory_space<semaphore_mem>>
          %dma_start3A_100 = arith.constant 0 : i32
          %dma_start3A_101 = arith.constant 0 : i32
          %dma_start3A_102 = tpu.memref_slice %arg14[%dma_start3A_100, %dma_start3A_101] : memref<10240x128xf32, #tpu.memory_space<vmem_shared>> -> memref<10240x128xf32, #tpu.memory_space<vmem_shared>>
          tpu.enqueue_indirect_dma source(%arg13 : memref<80x128xf32, #tpu.memory_space<vmem>>) target(%dma_start3A_102 : memref<10240x128xf32, #tpu.memory_space<vmem_shared>>) offsets(%arg12 : memref<80xi32, #tpu.memory_space<vmem>>) semaphore(%run_scoped3A : memref<!tpu.dma_semaphore, #tpu.memory_space<semaphore_mem>>) {add = true}
          %dma_wait3A_103 = arith.constant 0 : i32
          %dma_wait3A_104 = arith.constant 0 : i32
          %dma_wait3A_105 = tpu.memref_slice %arg14[%dma_wait3A_103, %dma_wait3A_104] : memref<10240x128xf32, #tpu.memory_space<vmem_shared>> -> memref<10240x128xf32, #tpu.memory_space<vmem_shared>>
          tpu.wait_indirect_dma semaphore(%run_scoped3A : memref<!tpu.dma_semaphore, #tpu.memory_space<semaphore_mem>>) src(%arg13 : memref<80x128xf32, #tpu.memory_space<vmem>>) dst(%dma_wait3A_105 : memref<10240x128xf32, #tpu.memory_space<vmem_shared>>)
          tpu.yield
        }) : () -> ()
        %get3A = arith.constant 0 : index
        %get3A_72 = tpu.vector_load %arg12[%get3A] {strides = array<i32>} : memref<80xi32, #tpu.memory_space<vmem>>, vector<16xi32>,
        %broadcast_in_dim3A_73 = arith.constant true
        %broadcast_in_dim3A_74 = vector.broadcast %broadcast_in_dim3A_73 : i1 to vector<16xi1>
        %unique3A, %unique3A_75 = tpu.scan_count mask(%broadcast_in_dim3A_74 : vector<16xi1>) value(%get3A_72 : vector<16xi32>) : vector<16xi1>, vector<16xi32>
        tpu.vector_store_idx %arg16[%get3A_72], %unique3A_75 masked %unique3A {add = true} : memref<10240xi32, #tpu.memory_space<vmem>>[vector<16xi32>], vector<16xi32>, vector<16xi1>
        %get3A_76 = arith.constant 16 : index
        %get3A_77 = tpu.vector_load %arg12[%get3A_76] {strides = array<i32>} : memref<80xi32, #tpu.memory_space<vmem>>, vector<16xi32>,
        %broadcast_in_dim3A_78 = arith.constant true
        %broadcast_in_dim3A_79 = vector.broadcast %broadcast_in_dim3A_78 : i1 to vector<16xi1>
        %unique3A_80, %unique3A_81 = tpu.scan_count mask(%broadcast_in_dim3A_79 : vector<16xi1>) value(%get3A_77 : vector<16xi32>) : vector<16xi1>, vector<16xi32>
        tpu.vector_store_idx %arg16[%get3A_77], %unique3A_81 masked %unique3A_80 {add = true} : memref<10240xi32, #tpu.memory_space<vmem>>[vector<16xi32>], vector<16xi32>, vector<16xi1>
        %get3A_82 = arith.constant 32 : index
        %get3A_83 = tpu.vector_load %arg12[%get3A_82] {strides = array<i32>} : memref<80xi32, #tpu.memory_space<vmem>>, vector<16xi32>,
        %broadcast_in_dim3A_84 = arith.constant true
        %broadcast_in_dim3A_85 = vector.broadcast %broadcast_in_dim3A_84 : i1 to vector<16xi1>
        %unique3A_86, %unique3A_87 = tpu.scan_count mask(%broadcast_in_dim3A_85 : vector<16xi1>) value(%get3A_83 : vector<16xi32>) : vector<16xi1>, vector<16xi32>
        tpu.vector_store_idx %arg16[%get3A_83], %unique3A_87 masked %unique3A_86 {add = true} : memref<10240xi32, #tpu.memory_space<vmem>>[vector<16xi32>], vector<16xi32>, vector<16xi1>
        %get3A_88 = arith.constant 48 : index
        %get3A_89 = tpu.vector_load %arg12[%get3A_88] {strides = array<i32>} : memref<80xi32, #tpu.memory_space<vmem>>, vector<16xi32>,
        %broadcast_in_dim3A_90 = arith.constant true
        %broadcast_in_dim3A_91 = vector.broadcast %broadcast_in_dim3A_90 : i1 to vector<16xi1>
        %unique3A_92, %unique3A_93 = tpu.scan_count mask(%broadcast_in_dim3A_91 : vector<16xi1>) value(%get3A_89 : vector<16xi32>) : vector<16xi1>, vector<16xi32>
        tpu.vector_store_idx %arg16[%get3A_89], %unique3A_93 masked %unique3A_92 {add = true} : memref<10240xi32, #tpu.memory_space<vmem>>[vector<16xi32>], vector<16xi32>, vector<16xi1>
        %get3A_94 = arith.constant 64 : index
        %get3A_95 = tpu.vector_load %arg12[%get3A_94] {strides = array<i32>} : memref<80xi32, #tpu.memory_space<vmem>>, vector<16xi32>,
        %broadcast_in_dim3A_96 = arith.constant true
        %broadcast_in_dim3A_97 = vector.broadcast %broadcast_in_dim3A_96 : i1 to vector<16xi1>
        %unique3A_98, %unique3A_99 = tpu.scan_count mask(%broadcast_in_dim3A_97 : vector<16xi1>) value(%get3A_95 : vector<16xi32>) : vector<16xi1>, vector<16xi32>
        tpu.vector_store_idx %arg16[%get3A_95], %unique3A_99 masked %unique3A_98 {add = true} : memref<10240xi32, #tpu.memory_space<vmem>>[vector<16xi32>], vector<16xi32>, vector<16xi1>
      }
      %scan3A_21 = arith.constant 500 : i32
      %mul3A_22 = arith.constant 10240 : i32
      %mul3A_23 = arith.muli %arg1, %mul3A_22 : i32
      "tpu.region"() ({
        %run_scoped3A = tpu.sem_alloc : memref<!tpu.dma_semaphore, #tpu.memory_space<semaphore_mem>>
        %dma_start3A = tpu.memref_slice %arg19[%mul3A_23] : memref<163840xi32, #tpu.memory_space<vmem_shared>> -> memref<10240xi32, #tpu.memory_space<vmem_shared>>
        %dma_start3A_62 = tpu.memref_slice %arg19[%mul3A_23] : memref<163840xi32, #tpu.memory_space<vmem_shared>> -> memref<10240xi32, #tpu.memory_space<vmem_shared>>
        tpu.enqueue_dma source(%arg16 : memref<10240xi32, #tpu.memory_space<vmem>>) target(%dma_start3A_62 : memref<10240xi32, #tpu.memory_space<vmem_shared>>) target_semaphore(%run_scoped3A : memref<!tpu.dma_semaphore, #tpu.memory_space<semaphore_mem>>)
        %dma_wait3A = tpu.memref_slice %arg19[%mul3A_23] : memref<163840xi32, #tpu.memory_space<vmem_shared>> -> memref<10240xi32, #tpu.memory_space<vmem_shared>>
        %dma_wait3A_63 = tpu.memref_slice %arg19[%mul3A_23] : memref<163840xi32, #tpu.memory_space<vmem_shared>> -> memref<10240xi32, #tpu.memory_space<vmem_shared>>
        tpu.wait_dma2 semaphore(%run_scoped3A : memref<!tpu.dma_semaphore, #tpu.memory_space<semaphore_mem>>) src(%arg16 : memref<10240xi32, #tpu.memory_space<vmem>>) dst(%dma_wait3A_63 : memref<10240xi32, #tpu.memory_space<vmem_shared>>)
        tpu.yield
      }) : () -> ()
      %barrier3A_24 = arith.constant 0 : index
      tpu.barrier barrier_id(%barrier3A_24)
      "tpu.region"() ({
        %run_scoped3A = tpu.sem_alloc : memref<!tpu.dma_semaphore, #tpu.memory_space<semaphore_mem>>
        %dma_start3A = arith.constant 0 : i32
        %dma_start3A_62 = tpu.memref_slice %arg7[%mul3A_0, %dma_start3A] : memref<10240x128xf32, #tpu.memory_space<hbm>> -> memref<640x128xf32, #tpu.memory_space<hbm>>
        %dma_start3A_63 = arith.constant 0 : i32
        %dma_start3A_64 = tpu.memref_slice %arg14[%mul3A_0, %dma_start3A_63] : memref<10240x128xf32, #tpu.memory_space<vmem_shared>> -> memref<640x128xf32, #tpu.memory_space<vmem_shared>>
        tpu.enqueue_dma source(%dma_start3A_64 : memref<640x128xf32, #tpu.memory_space<vmem_shared>>) target(%dma_start3A_62 : memref<640x128xf32, #tpu.memory_space<hbm>>) target_semaphore(%run_scoped3A : memref<!tpu.dma_semaphore, #tpu.memory_space<semaphore_mem>>)
        %dma_wait3A = arith.constant 0 : i32
        %dma_wait3A_65 = tpu.memref_slice %arg7[%mul3A_0, %dma_wait3A] : memref<10240x128xf32, #tpu.memory_space<hbm>> -> memref<640x128xf32, #tpu.memory_space<hbm>>
        %dma_wait3A_66 = arith.constant 0 : i32
        %dma_wait3A_67 = tpu.memref_slice %arg14[%mul3A_0, %dma_wait3A_66] : memref<10240x128xf32, #tpu.memory_space<vmem_shared>> -> memref<640x128xf32, #tpu.memory_space<vmem_shared>>
        tpu.wait_dma2 semaphore(%run_scoped3A : memref<!tpu.dma_semaphore, #tpu.memory_space<semaphore_mem>>) src(%dma_wait3A_67 : memref<640x128xf32, #tpu.memory_space<vmem_shared>>) dst(%dma_wait3A_65 : memref<640x128xf32, #tpu.memory_space<hbm>>)
        tpu.yield
      }) : () -> ()
      %add3A = arith.constant 0 : i32
      %add3A_25 = arith.addi %add3A, %mul3A_0 : i32
      "tpu.region"() ({
        %run_scoped3A = tpu.sem_alloc : memref<!tpu.dma_semaphore, #tpu.memory_space<semaphore_mem>>
        %dma_start3A = arith.constant 0 : i32
        %dma_start3A_62 = tpu.memref_slice %arg17[%dma_start3A] : memref<10240xi32, #tpu.memory_space<vmem>> -> memref<640xi32, #tpu.memory_space<vmem>>
        %dma_start3A_63 = tpu.memref_slice %arg19[%add3A_25] : memref<163840xi32, #tpu.memory_space<vmem_shared>> -> memref<640xi32, #tpu.memory_space<vmem_shared>>
        %dma_start3A_64 = arith.constant 0 : i32
        %dma_start3A_65 = tpu.memref_slice %arg17[%dma_start3A_64] : memref<10240xi32, #tpu.memory_space<vmem>> -> memref<640xi32, #tpu.memory_space<vmem>>
        %dma_start3A_66 = tpu.memref_slice %arg19[%add3A_25] : memref<163840xi32, #tpu.memory_space<vmem_shared>> -> memref<640xi32, #tpu.memory_space<vmem_shared>>
        tpu.enqueue_dma source(%dma_start3A_66 : memref<640xi32, #tpu.memory_space<vmem_shared>>) target(%dma_start3A_65 : memref<640xi32, #tpu.memory_space<vmem>>) target_semaphore(%run_scoped3A : memref<!tpu.dma_semaphore, #tpu.memory_space<semaphore_mem>>)
        %dma_wait3A = arith.constant 0 : i32
        %dma_wait3A_67 = tpu.memref_slice %arg17[%dma_wait3A] : memref<10240xi32, #tpu.memory_space<vmem>> -> memref<640xi32, #tpu.memory_space<vmem>>
        %dma_wait3A_68 = tpu.memref_slice %arg19[%add3A_25] : memref<163840xi32, #tpu.memory_space<vmem_shared>> -> memref<640xi32, #tpu.memory_space<vmem_shared>>
        %dma_wait3A_69 = arith.constant 0 : i32
        %dma_wait3A_70 = tpu.memref_slice %arg17[%dma_wait3A_69] : memref<10240xi32, #tpu.memory_space<vmem>> -> memref<640xi32, #tpu.memory_space<vmem>>
        %dma_wait3A_71 = tpu.memref_slice %arg19[%add3A_25] : memref<163840xi32, #tpu.memory_space<vmem_shared>> -> memref<640xi32, #tpu.memory_space<vmem_shared>>
        tpu.wait_dma2 semaphore(%run_scoped3A : memref<!tpu.dma_semaphore, #tpu.memory_space<semaphore_mem>>) src(%dma_wait3A_71 : memref<640xi32, #tpu.memory_space<vmem_shared>>) dst(%dma_wait3A_70 : memref<640xi32, #tpu.memory_space<vmem>>)
        tpu.yield
      }) : () -> ()
      %add3A_26 = arith.constant 10240 : i32
      %add3A_27 = arith.addi %add3A_26, %mul3A_0 : i32
      "tpu.region"() ({
        %run_scoped3A = tpu.sem_alloc : memref<!tpu.dma_semaphore, #tpu.memory_space<semaphore_mem>>
        %dma_start3A = arith.constant 640 : i32
        %dma_start3A_62 = tpu.memref_slice %arg17[%dma_start3A] : memref<10240xi32, #tpu.memory_space<vmem>> -> memref<640xi32, #tpu.memory_space<vmem>>
        %dma_start3A_63 = tpu.memref_slice %arg19[%add3A_27] : memref<163840xi32, #tpu.memory_space<vmem_shared>> -> memref<640xi32, #tpu.memory_space<vmem_shared>>
        %dma_start3A_64 = arith.constant 640 : i32
        %dma_start3A_65 = tpu.memref_slice %arg17[%dma_start3A_64] : memref<10240xi32, #tpu.memory_space<vmem>> -> memref<640xi32, #tpu.memory_space<vmem>>
        %dma_start3A_66 = tpu.memref_slice %arg19[%add3A_27] : memref<163840xi32, #tpu.memory_space<vmem_shared>> -> memref<640xi32, #tpu.memory_space<vmem_shared>>
        tpu.enqueue_dma source(%dma_start3A_66 : memref<640xi32, #tpu.memory_space<vmem_shared>>) target(%dma_start3A_65 : memref<640xi32, #tpu.memory_space<vmem>>) target_semaphore(%run_scoped3A : memref<!tpu.dma_semaphore, #tpu.memory_space<semaphore_mem>>)
        %dma_wait3A = arith.constant 640 : i32
        %dma_wait3A_67 = tpu.memref_slice %arg17[%dma_wait3A] : memref<10240xi32, #tpu.memory_space<vmem>> -> memref<640xi32, #tpu.memory_space<vmem>>
        %dma_wait3A_68 = tpu.memref_slice %arg19[%add3A_27] : memref<163840xi32, #tpu.memory_space<vmem_shared>> -> memref<640xi32, #tpu.memory_space<vmem_shared>>
        %dma_wait3A_69 = arith.constant 640 : i32
        %dma_wait3A_70 = tpu.memref_slice %arg17[%dma_wait3A_69] : memref<10240xi32, #tpu.memory_space<vmem>> -> memref<640xi32, #tpu.memory_space<vmem>>
        %dma_wait3A_71 = tpu.memref_slice %arg19[%add3A_27] : memref<163840xi32, #tpu.memory_space<vmem_shared>> -> memref<640xi32, #tpu.memory_space<vmem_shared>>
        tpu.wait_dma2 semaphore(%run_scoped3A : memref<!tpu.dma_semaphore, #tpu.memory_space<semaphore_mem>>) src(%dma_wait3A_71 : memref<640xi32, #tpu.memory_space<vmem_shared>>) dst(%dma_wait3A_70 : memref<640xi32, #tpu.memory_space<vmem>>)
        tpu.yield
      }) : () -> ()
      %add3A_28 = arith.constant 20480 : i32
      %add3A_29 = arith.addi %add3A_28, %mul3A_0 : i32
      "tpu.region"() ({
        %run_scoped3A = tpu.sem_alloc : memref<!tpu.dma_semaphore, #tpu.memory_space<semaphore_mem>>
        %dma_start3A = arith.constant 1280 : i32
        %dma_start3A_62 = tpu.memref_slice %arg17[%dma_start3A] : memref<10240xi32, #tpu.memory_space<vmem>> -> memref<640xi32, #tpu.memory_space<vmem>>
        %dma_start3A_63 = tpu.memref_slice %arg19[%add3A_29] : memref<163840xi32, #tpu.memory_space<vmem_shared>> -> memref<640xi32, #tpu.memory_space<vmem_shared>>
        %dma_start3A_64 = arith.constant 1280 : i32
        %dma_start3A_65 = tpu.memref_slice %arg17[%dma_start3A_64] : memref<10240xi32, #tpu.memory_space<vmem>> -> memref<640xi32, #tpu.memory_space<vmem>>
        %dma_start3A_66 = tpu.memref_slice %arg19[%add3A_29] : memref<163840xi32, #tpu.memory_space<vmem_shared>> -> memref<640xi32, #tpu.memory_space<vmem_shared>>
        tpu.enqueue_dma source(%dma_start3A_66 : memref<640xi32, #tpu.memory_space<vmem_shared>>) target(%dma_start3A_65 : memref<640xi32, #tpu.memory_space<vmem>>) target_semaphore(%run_scoped3A : memref<!tpu.dma_semaphore, #tpu.memory_space<semaphore_mem>>)
        %dma_wait3A = arith.constant 1280 : i32
        %dma_wait3A_67 = tpu.memref_slice %arg17[%dma_wait3A] : memref<10240xi32, #tpu.memory_space<vmem>> -> memref<640xi32, #tpu.memory_space<vmem>>
        %dma_wait3A_68 = tpu.memref_slice %arg19[%add3A_29] : memref<163840xi32, #tpu.memory_space<vmem_shared>> -> memref<640xi32, #tpu.memory_space<vmem_shared>>
        %dma_wait3A_69 = arith.constant 1280 : i32
        %dma_wait3A_70 = tpu.memref_slice %arg17[%dma_wait3A_69] : memref<10240xi32, #tpu.memory_space<vmem>> -> memref<640xi32, #tpu.memory_space<vmem>>
        %dma_wait3A_71 = tpu.memref_slice %arg19[%add3A_29] : memref<163840xi32, #tpu.memory_space<vmem_shared>> -> memref<640xi32, #tpu.memory_space<vmem_shared>>
        tpu.wait_dma2 semaphore(%run_scoped3A : memref<!tpu.dma_semaphore, #tpu.memory_space<semaphore_mem>>) src(%dma_wait3A_71 : memref<640xi32, #tpu.memory_space<vmem_shared>>) dst(%dma_wait3A_70 : memref<640xi32, #tpu.memory_space<vmem>>)
        tpu.yield
      }) : () -> ()
      %add3A_30 = arith.constant 30720 : i32
      %add3A_31 = arith.addi %add3A_30, %mul3A_0 : i32
      "tpu.region"() ({
        %run_scoped3A = tpu.sem_alloc : memref<!tpu.dma_semaphore, #tpu.memory_space<semaphore_mem>>
        %dma_start3A = arith.constant 1920 : i32
        %dma_start3A_62 = tpu.memref_slice %arg17[%dma_start3A] : memref<10240xi32, #tpu.memory_space<vmem>> -> memref<640xi32, #tpu.memory_space<vmem>>
        %dma_start3A_63 = tpu.memref_slice %arg19[%add3A_31] : memref<163840xi32, #tpu.memory_space<vmem_shared>> -> memref<640xi32, #tpu.memory_space<vmem_shared>>
        %dma_start3A_64 = arith.constant 1920 : i32
        %dma_start3A_65 = tpu.memref_slice %arg17[%dma_start3A_64] : memref<10240xi32, #tpu.memory_space<vmem>> -> memref<640xi32, #tpu.memory_space<vmem>>
        %dma_start3A_66 = tpu.memref_slice %arg19[%add3A_31] : memref<163840xi32, #tpu.memory_space<vmem_shared>> -> memref<640xi32, #tpu.memory_space<vmem_shared>>
        tpu.enqueue_dma source(%dma_start3A_66 : memref<640xi32, #tpu.memory_space<vmem_shared>>) target(%dma_start3A_65 : memref<640xi32, #tpu.memory_space<vmem>>) target_semaphore(%run_scoped3A : memref<!tpu.dma_semaphore, #tpu.memory_space<semaphore_mem>>)
        %dma_wait3A = arith.constant 1920 : i32
        %dma_wait3A_67 = tpu.memref_slice %arg17[%dma_wait3A] : memref<10240xi32, #tpu.memory_space<vmem>> -> memref<640xi32, #tpu.memory_space<vmem>>
        %dma_wait3A_68 = tpu.memref_slice %arg19[%add3A_31] : memref<163840xi32, #tpu.memory_space<vmem_shared>> -> memref<640xi32, #tpu.memory_space<vmem_shared>>
        %dma_wait3A_69 = arith.constant 1920 : i32
        %dma_wait3A_70 = tpu.memref_slice %arg17[%dma_wait3A_69] : memref<10240xi32, #tpu.memory_space<vmem>> -> memref<640xi32, #tpu.memory_space<vmem>>
        %dma_wait3A_71 = tpu.memref_slice %arg19[%add3A_31] : memref<163840xi32, #tpu.memory_space<vmem_shared>> -> memref<640xi32, #tpu.memory_space<vmem_shared>>
        tpu.wait_dma2 semaphore(%run_scoped3A : memref<!tpu.dma_semaphore, #tpu.memory_space<semaphore_mem>>) src(%dma_wait3A_71 : memref<640xi32, #tpu.memory_space<vmem_shared>>) dst(%dma_wait3A_70 : memref<640xi32, #tpu.memory_space<vmem>>)
        tpu.yield
      }) : () -> ()
      %add3A_32 = arith.constant 40960 : i32
      %add3A_33 = arith.addi %add3A_32, %mul3A_0 : i32
      "tpu.region"() ({
        %run_scoped3A = tpu.sem_alloc : memref<!tpu.dma_semaphore, #tpu.memory_space<semaphore_mem>>
        %dma_start3A = arith.constant 2560 : i32
        %dma_start3A_62 = tpu.memref_slice %arg17[%dma_start3A] : memref<10240xi32, #tpu.memory_space<vmem>> -> memref<640xi32, #tpu.memory_space<vmem>>
        %dma_start3A_63 = tpu.memref_slice %arg19[%add3A_33] : memref<163840xi32, #tpu.memory_space<vmem_shared>> -> memref<640xi32, #tpu.memory_space<vmem_shared>>
        %dma_start3A_64 = arith.constant 2560 : i32
        %dma_start3A_65 = tpu.memref_slice %arg17[%dma_start3A_64] : memref<10240xi32, #tpu.memory_space<vmem>> -> memref<640xi32, #tpu.memory_space<vmem>>
        %dma_start3A_66 = tpu.memref_slice %arg19[%add3A_33] : memref<163840xi32, #tpu.memory_space<vmem_shared>> -> memref<640xi32, #tpu.memory_space<vmem_shared>>
        tpu.enqueue_dma source(%dma_start3A_66 : memref<640xi32, #tpu.memory_space<vmem_shared>>) target(%dma_start3A_65 : memref<640xi32, #tpu.memory_space<vmem>>) target_semaphore(%run_scoped3A : memref<!tpu.dma_semaphore, #tpu.memory_space<semaphore_mem>>)
        %dma_wait3A = arith.constant 2560 : i32
        %dma_wait3A_67 = tpu.memref_slice %arg17[%dma_wait3A] : memref<10240xi32, #tpu.memory_space<vmem>> -> memref<640xi32, #tpu.memory_space<vmem>>
        %dma_wait3A_68 = tpu.memref_slice %arg19[%add3A_33] : memref<163840xi32, #tpu.memory_space<vmem_shared>> -> memref<640xi32, #tpu.memory_space<vmem_shared>>
        %dma_wait3A_69 = arith.constant 2560 : i32
        %dma_wait3A_70 = tpu.memref_slice %arg17[%dma_wait3A_69] : memref<10240xi32, #tpu.memory_space<vmem>> -> memref<640xi32, #tpu.memory_space<vmem>>
        %dma_wait3A_71 = tpu.memref_slice %arg19[%add3A_33] : memref<163840xi32, #tpu.memory_space<vmem_shared>> -> memref<640xi32, #tpu.memory_space<vmem_shared>>
        tpu.wait_dma2 semaphore(%run_scoped3A : memref<!tpu.dma_semaphore, #tpu.memory_space<semaphore_mem>>) src(%dma_wait3A_71 : memref<640xi32, #tpu.memory_space<vmem_shared>>) dst(%dma_wait3A_70 : memref<640xi32, #tpu.memory_space<vmem>>)
        tpu.yield
      }) : () -> ()
      %add3A_34 = arith.constant 51200 : i32
      %add3A_35 = arith.addi %add3A_34, %mul3A_0 : i32
      "tpu.region"() ({
        %run_scoped3A = tpu.sem_alloc : memref<!tpu.dma_semaphore, #tpu.memory_space<semaphore_mem>>
        %dma_start3A = arith.constant 3200 : i32
        %dma_start3A_62 = tpu.memref_slice %arg17[%dma_start3A] : memref<10240xi32, #tpu.memory_space<vmem>> -> memref<640xi32, #tpu.memory_space<vmem>>
        %dma_start3A_63 = tpu.memref_slice %arg19[%add3A_35] : memref<163840xi32, #tpu.memory_space<vmem_shared>> -> memref<640xi32, #tpu.memory_space<vmem_shared>>
        %dma_start3A_64 = arith.constant 3200 : i32
        %dma_start3A_65 = tpu.memref_slice %arg17[%dma_start3A_64] : memref<10240xi32, #tpu.memory_space<vmem>> -> memref<640xi32, #tpu.memory_space<vmem>>
        %dma_start3A_66 = tpu.memref_slice %arg19[%add3A_35] : memref<163840xi32, #tpu.memory_space<vmem_shared>> -> memref<640xi32, #tpu.memory_space<vmem_shared>>
        tpu.enqueue_dma source(%dma_start3A_66 : memref<640xi32, #tpu.memory_space<vmem_shared>>) target(%dma_start3A_65 : memref<640xi32, #tpu.memory_space<vmem>>) target_semaphore(%run_scoped3A : memref<!tpu.dma_semaphore, #tpu.memory_space<semaphore_mem>>)
        %dma_wait3A = arith.constant 3200 : i32
        %dma_wait3A_67 = tpu.memref_slice %arg17[%dma_wait3A] : memref<10240xi32, #tpu.memory_space<vmem>> -> memref<640xi32, #tpu.memory_space<vmem>>
        %dma_wait3A_68 = tpu.memref_slice %arg19[%add3A_35] : memref<163840xi32, #tpu.memory_space<vmem_shared>> -> memref<640xi32, #tpu.memory_space<vmem_shared>>
        %dma_wait3A_69 = arith.constant 3200 : i32
        %dma_wait3A_70 = tpu.memref_slice %arg17[%dma_wait3A_69] : memref<10240xi32, #tpu.memory_space<vmem>> -> memref<640xi32, #tpu.memory_space<vmem>>
        %dma_wait3A_71 = tpu.memref_slice %arg19[%add3A_35] : memref<163840xi32, #tpu.memory_space<vmem_shared>> -> memref<640xi32, #tpu.memory_space<vmem_shared>>
        tpu.wait_dma2 semaphore(%run_scoped3A : memref<!tpu.dma_semaphore, #tpu.memory_space<semaphore_mem>>) src(%dma_wait3A_71 : memref<640xi32, #tpu.memory_space<vmem_shared>>) dst(%dma_wait3A_70 : memref<640xi32, #tpu.memory_space<vmem>>)
        tpu.yield
      }) : () -> ()
      %add3A_36 = arith.constant 61440 : i32
      %add3A_37 = arith.addi %add3A_36, %mul3A_0 : i32
      "tpu.region"() ({
        %run_scoped3A = tpu.sem_alloc : memref<!tpu.dma_semaphore, #tpu.memory_space<semaphore_mem>>
        %dma_start3A = arith.constant 3840 : i32
        %dma_start3A_62 = tpu.memref_slice %arg17[%dma_start3A] : memref<10240xi32, #tpu.memory_space<vmem>> -> memref<640xi32, #tpu.memory_space<vmem>>
        %dma_start3A_63 = tpu.memref_slice %arg19[%add3A_37] : memref<163840xi32, #tpu.memory_space<vmem_shared>> -> memref<640xi32, #tpu.memory_space<vmem_shared>>
        %dma_start3A_64 = arith.constant 3840 : i32
        %dma_start3A_65 = tpu.memref_slice %arg17[%dma_start3A_64] : memref<10240xi32, #tpu.memory_space<vmem>> -> memref<640xi32, #tpu.memory_space<vmem>>
        %dma_start3A_66 = tpu.memref_slice %arg19[%add3A_37] : memref<163840xi32, #tpu.memory_space<vmem_shared>> -> memref<640xi32, #tpu.memory_space<vmem_shared>>
        tpu.enqueue_dma source(%dma_start3A_66 : memref<640xi32, #tpu.memory_space<vmem_shared>>) target(%dma_start3A_65 : memref<640xi32, #tpu.memory_space<vmem>>) target_semaphore(%run_scoped3A : memref<!tpu.dma_semaphore, #tpu.memory_space<semaphore_mem>>)
        %dma_wait3A = arith.constant 3840 : i32
        %dma_wait3A_67 = tpu.memref_slice %arg17[%dma_wait3A] : memref<10240xi32, #tpu.memory_space<vmem>> -> memref<640xi32, #tpu.memory_space<vmem>>
        %dma_wait3A_68 = tpu.memref_slice %arg19[%add3A_37] : memref<163840xi32, #tpu.memory_space<vmem_shared>> -> memref<640xi32, #tpu.memory_space<vmem_shared>>
        %dma_wait3A_69 = arith.constant 3840 : i32
        %dma_wait3A_70 = tpu.memref_slice %arg17[%dma_wait3A_69] : memref<10240xi32, #tpu.memory_space<vmem>> -> memref<640xi32, #tpu.memory_space<vmem>>
        %dma_wait3A_71 = tpu.memref_slice %arg19[%add3A_37] : memref<163840xi32, #tpu.memory_space<vmem_shared>> -> memref<640xi32, #tpu.memory_space<vmem_shared>>
        tpu.wait_dma2 semaphore(%run_scoped3A : memref<!tpu.dma_semaphore, #tpu.memory_space<semaphore_mem>>) src(%dma_wait3A_71 : memref<640xi32, #tpu.memory_space<vmem_shared>>) dst(%dma_wait3A_70 : memref<640xi32, #tpu.memory_space<vmem>>)
        tpu.yield
      }) : () -> ()
      %add3A_38 = arith.constant 71680 : i32
      %add3A_39 = arith.addi %add3A_38, %mul3A_0 : i32
      "tpu.region"() ({
        %run_scoped3A = tpu.sem_alloc : memref<!tpu.dma_semaphore, #tpu.memory_space<semaphore_mem>>
        %dma_start3A = arith.constant 4480 : i32
        %dma_start3A_62 = tpu.memref_slice %arg17[%dma_start3A] : memref<10240xi32, #tpu.memory_space<vmem>> -> memref<640xi32, #tpu.memory_space<vmem>>
        %dma_start3A_63 = tpu.memref_slice %arg19[%add3A_39] : memref<163840xi32, #tpu.memory_space<vmem_shared>> -> memref<640xi32, #tpu.memory_space<vmem_shared>>
        %dma_start3A_64 = arith.constant 4480 : i32
        %dma_start3A_65 = tpu.memref_slice %arg17[%dma_start3A_64] : memref<10240xi32, #tpu.memory_space<vmem>> -> memref<640xi32, #tpu.memory_space<vmem>>
        %dma_start3A_66 = tpu.memref_slice %arg19[%add3A_39] : memref<163840xi32, #tpu.memory_space<vmem_shared>> -> memref<640xi32, #tpu.memory_space<vmem_shared>>
        tpu.enqueue_dma source(%dma_start3A_66 : memref<640xi32, #tpu.memory_space<vmem_shared>>) target(%dma_start3A_65 : memref<640xi32, #tpu.memory_space<vmem>>) target_semaphore(%run_scoped3A : memref<!tpu.dma_semaphore, #tpu.memory_space<semaphore_mem>>)
        %dma_wait3A = arith.constant 4480 : i32
        %dma_wait3A_67 = tpu.memref_slice %arg17[%dma_wait3A] : memref<10240xi32, #tpu.memory_space<vmem>> -> memref<640xi32, #tpu.memory_space<vmem>>
        %dma_wait3A_68 = tpu.memref_slice %arg19[%add3A_39] : memref<163840xi32, #tpu.memory_space<vmem_shared>> -> memref<640xi32, #tpu.memory_space<vmem_shared>>
        %dma_wait3A_69 = arith.constant 4480 : i32
        %dma_wait3A_70 = tpu.memref_slice %arg17[%dma_wait3A_69] : memref<10240xi32, #tpu.memory_space<vmem>> -> memref<640xi32, #tpu.memory_space<vmem>>
        %dma_wait3A_71 = tpu.memref_slice %arg19[%add3A_39] : memref<163840xi32, #tpu.memory_space<vmem_shared>> -> memref<640xi32, #tpu.memory_space<vmem_shared>>
        tpu.wait_dma2 semaphore(%run_scoped3A : memref<!tpu.dma_semaphore, #tpu.memory_space<semaphore_mem>>) src(%dma_wait3A_71 : memref<640xi32, #tpu.memory_space<vmem_shared>>) dst(%dma_wait3A_70 : memref<640xi32, #tpu.memory_space<vmem>>)
        tpu.yield
      }) : () -> ()
      %add3A_40 = arith.constant 81920 : i32
      %add3A_41 = arith.addi %add3A_40, %mul3A_0 : i32
      "tpu.region"() ({
        %run_scoped3A = tpu.sem_alloc : memref<!tpu.dma_semaphore, #tpu.memory_space<semaphore_mem>>
        %dma_start3A = arith.constant 5120 : i32
        %dma_start3A_62 = tpu.memref_slice %arg17[%dma_start3A] : memref<10240xi32, #tpu.memory_space<vmem>> -> memref<640xi32, #tpu.memory_space<vmem>>
        %dma_start3A_63 = tpu.memref_slice %arg19[%add3A_41] : memref<163840xi32, #tpu.memory_space<vmem_shared>> -> memref<640xi32, #tpu.memory_space<vmem_shared>>
        %dma_start3A_64 = arith.constant 5120 : i32
        %dma_start3A_65 = tpu.memref_slice %arg17[%dma_start3A_64] : memref<10240xi32, #tpu.memory_space<vmem>> -> memref<640xi32, #tpu.memory_space<vmem>>
        %dma_start3A_66 = tpu.memref_slice %arg19[%add3A_41] : memref<163840xi32, #tpu.memory_space<vmem_shared>> -> memref<640xi32, #tpu.memory_space<vmem_shared>>
        tpu.enqueue_dma source(%dma_start3A_66 : memref<640xi32, #tpu.memory_space<vmem_shared>>) target(%dma_start3A_65 : memref<640xi32, #tpu.memory_space<vmem>>) target_semaphore(%run_scoped3A : memref<!tpu.dma_semaphore, #tpu.memory_space<semaphore_mem>>)
        %dma_wait3A = arith.constant 5120 : i32
        %dma_wait3A_67 = tpu.memref_slice %arg17[%dma_wait3A] : memref<10240xi32, #tpu.memory_space<vmem>> -> memref<640xi32, #tpu.memory_space<vmem>>
        %dma_wait3A_68 = tpu.memref_slice %arg19[%add3A_41] : memref<163840xi32, #tpu.memory_space<vmem_shared>> -> memref<640xi32, #tpu.memory_space<vmem_shared>>
        %dma_wait3A_69 = arith.constant 5120 : i32
        %dma_wait3A_70 = tpu.memref_slice %arg17[%dma_wait3A_69] : memref<10240xi32, #tpu.memory_space<vmem>> -> memref<640xi32, #tpu.memory_space<vmem>>
        %dma_wait3A_71 = tpu.memref_slice %arg19[%add3A_41] : memref<163840xi32, #tpu.memory_space<vmem_shared>> -> memref<640xi32, #tpu.memory_space<vmem_shared>>
        tpu.wait_dma2 semaphore(%run_scoped3A : memref<!tpu.dma_semaphore, #tpu.memory_space<semaphore_mem>>) src(%dma_wait3A_71 : memref<640xi32, #tpu.memory_space<vmem_shared>>) dst(%dma_wait3A_70 : memref<640xi32, #tpu.memory_space<vmem>>)
        tpu.yield
      }) : () -> ()
      %add3A_42 = arith.constant 92160 : i32
      %add3A_43 = arith.addi %add3A_42, %mul3A_0 : i32
      "tpu.region"() ({
        %run_scoped3A = tpu.sem_alloc : memref<!tpu.dma_semaphore, #tpu.memory_space<semaphore_mem>>
        %dma_start3A = arith.constant 5760 : i32
        %dma_start3A_62 = tpu.memref_slice %arg17[%dma_start3A] : memref<10240xi32, #tpu.memory_space<vmem>> -> memref<640xi32, #tpu.memory_space<vmem>>
        %dma_start3A_63 = tpu.memref_slice %arg19[%add3A_43] : memref<163840xi32, #tpu.memory_space<vmem_shared>> -> memref<640xi32, #tpu.memory_space<vmem_shared>>
        %dma_start3A_64 = arith.constant 5760 : i32
        %dma_start3A_65 = tpu.memref_slice %arg17[%dma_start3A_64] : memref<10240xi32, #tpu.memory_space<vmem>> -> memref<640xi32, #tpu.memory_space<vmem>>
        %dma_start3A_66 = tpu.memref_slice %arg19[%add3A_43] : memref<163840xi32, #tpu.memory_space<vmem_shared>> -> memref<640xi32, #tpu.memory_space<vmem_shared>>
        tpu.enqueue_dma source(%dma_start3A_66 : memref<640xi32, #tpu.memory_space<vmem_shared>>) target(%dma_start3A_65 : memref<640xi32, #tpu.memory_space<vmem>>) target_semaphore(%run_scoped3A : memref<!tpu.dma_semaphore, #tpu.memory_space<semaphore_mem>>)
        %dma_wait3A = arith.constant 5760 : i32
        %dma_wait3A_67 = tpu.memref_slice %arg17[%dma_wait3A] : memref<10240xi32, #tpu.memory_space<vmem>> -> memref<640xi32, #tpu.memory_space<vmem>>
        %dma_wait3A_68 = tpu.memref_slice %arg19[%add3A_43] : memref<163840xi32, #tpu.memory_space<vmem_shared>> -> memref<640xi32, #tpu.memory_space<vmem_shared>>
        %dma_wait3A_69 = arith.constant 5760 : i32
        %dma_wait3A_70 = tpu.memref_slice %arg17[%dma_wait3A_69] : memref<10240xi32, #tpu.memory_space<vmem>> -> memref<640xi32, #tpu.memory_space<vmem>>
        %dma_wait3A_71 = tpu.memref_slice %arg19[%add3A_43] : memref<163840xi32, #tpu.memory_space<vmem_shared>> -> memref<640xi32, #tpu.memory_space<vmem_shared>>
        tpu.wait_dma2 semaphore(%run_scoped3A : memref<!tpu.dma_semaphore, #tpu.memory_space<semaphore_mem>>) src(%dma_wait3A_71 : memref<640xi32, #tpu.memory_space<vmem_shared>>) dst(%dma_wait3A_70 : memref<640xi32, #tpu.memory_space<vmem>>)
        tpu.yield
      }) : () -> ()
      %add3A_44 = arith.constant 102400 : i32
      %add3A_45 = arith.addi %add3A_44, %mul3A_0 : i32
      "tpu.region"() ({
        %run_scoped3A = tpu.sem_alloc : memref<!tpu.dma_semaphore, #tpu.memory_space<semaphore_mem>>
        %dma_start3A = arith.constant 6400 : i32
        %dma_start3A_62 = tpu.memref_slice %arg17[%dma_start3A] : memref<10240xi32, #tpu.memory_space<vmem>> -> memref<640xi32, #tpu.memory_space<vmem>>
        %dma_start3A_63 = tpu.memref_slice %arg19[%add3A_45] : memref<163840xi32, #tpu.memory_space<vmem_shared>> -> memref<640xi32, #tpu.memory_space<vmem_shared>>
        %dma_start3A_64 = arith.constant 6400 : i32
        %dma_start3A_65 = tpu.memref_slice %arg17[%dma_start3A_64] : memref<10240xi32, #tpu.memory_space<vmem>> -> memref<640xi32, #tpu.memory_space<vmem>>
        %dma_start3A_66 = tpu.memref_slice %arg19[%add3A_45] : memref<163840xi32, #tpu.memory_space<vmem_shared>> -> memref<640xi32, #tpu.memory_space<vmem_shared>>
        tpu.enqueue_dma source(%dma_start3A_66 : memref<640xi32, #tpu.memory_space<vmem_shared>>) target(%dma_start3A_65 : memref<640xi32, #tpu.memory_space<vmem>>) target_semaphore(%run_scoped3A : memref<!tpu.dma_semaphore, #tpu.memory_space<semaphore_mem>>)
        %dma_wait3A = arith.constant 6400 : i32
        %dma_wait3A_67 = tpu.memref_slice %arg17[%dma_wait3A] : memref<10240xi32, #tpu.memory_space<vmem>> -> memref<640xi32, #tpu.memory_space<vmem>>
        %dma_wait3A_68 = tpu.memref_slice %arg19[%add3A_45] : memref<163840xi32, #tpu.memory_space<vmem_shared>> -> memref<640xi32, #tpu.memory_space<vmem_shared>>
        %dma_wait3A_69 = arith.constant 6400 : i32
        %dma_wait3A_70 = tpu.memref_slice %arg17[%dma_wait3A_69] : memref<10240xi32, #tpu.memory_space<vmem>> -> memref<640xi32, #tpu.memory_space<vmem>>
        %dma_wait3A_71 = tpu.memref_slice %arg19[%add3A_45] : memref<163840xi32, #tpu.memory_space<vmem_shared>> -> memref<640xi32, #tpu.memory_space<vmem_shared>>
        tpu.wait_dma2 semaphore(%run_scoped3A : memref<!tpu.dma_semaphore, #tpu.memory_space<semaphore_mem>>) src(%dma_wait3A_71 : memref<640xi32, #tpu.memory_space<vmem_shared>>) dst(%dma_wait3A_70 : memref<640xi32, #tpu.memory_space<vmem>>)
        tpu.yield
      }) : () -> ()
      %add3A_46 = arith.constant 112640 : i32
      %add3A_47 = arith.addi %add3A_46, %mul3A_0 : i32
      "tpu.region"() ({
        %run_scoped3A = tpu.sem_alloc : memref<!tpu.dma_semaphore, #tpu.memory_space<semaphore_mem>>
        %dma_start3A = arith.constant 7040 : i32
        %dma_start3A_62 = tpu.memref_slice %arg17[%dma_start3A] : memref<10240xi32, #tpu.memory_space<vmem>> -> memref<640xi32, #tpu.memory_space<vmem>>
        %dma_start3A_63 = tpu.memref_slice %arg19[%add3A_47] : memref<163840xi32, #tpu.memory_space<vmem_shared>> -> memref<640xi32, #tpu.memory_space<vmem_shared>>
        %dma_start3A_64 = arith.constant 7040 : i32
        %dma_start3A_65 = tpu.memref_slice %arg17[%dma_start3A_64] : memref<10240xi32, #tpu.memory_space<vmem>> -> memref<640xi32, #tpu.memory_space<vmem>>
        %dma_start3A_66 = tpu.memref_slice %arg19[%add3A_47] : memref<163840xi32, #tpu.memory_space<vmem_shared>> -> memref<640xi32, #tpu.memory_space<vmem_shared>>
        tpu.enqueue_dma source(%dma_start3A_66 : memref<640xi32, #tpu.memory_space<vmem_shared>>) target(%dma_start3A_65 : memref<640xi32, #tpu.memory_space<vmem>>) target_semaphore(%run_scoped3A : memref<!tpu.dma_semaphore, #tpu.memory_space<semaphore_mem>>)
        %dma_wait3A = arith.constant 7040 : i32
        %dma_wait3A_67 = tpu.memref_slice %arg17[%dma_wait3A] : memref<10240xi32, #tpu.memory_space<vmem>> -> memref<640xi32, #tpu.memory_space<vmem>>
        %dma_wait3A_68 = tpu.memref_slice %arg19[%add3A_47] : memref<163840xi32, #tpu.memory_space<vmem_shared>> -> memref<640xi32, #tpu.memory_space<vmem_shared>>
        %dma_wait3A_69 = arith.constant 7040 : i32
        %dma_wait3A_70 = tpu.memref_slice %arg17[%dma_wait3A_69] : memref<10240xi32, #tpu.memory_space<vmem>> -> memref<640xi32, #tpu.memory_space<vmem>>
        %dma_wait3A_71 = tpu.memref_slice %arg19[%add3A_47] : memref<163840xi32, #tpu.memory_space<vmem_shared>> -> memref<640xi32, #tpu.memory_space<vmem_shared>>
        tpu.wait_dma2 semaphore(%run_scoped3A : memref<!tpu.dma_semaphore, #tpu.memory_space<semaphore_mem>>) src(%dma_wait3A_71 : memref<640xi32, #tpu.memory_space<vmem_shared>>) dst(%dma_wait3A_70 : memref<640xi32, #tpu.memory_space<vmem>>)
        tpu.yield
      }) : () -> ()
      %add3A_48 = arith.constant 122880 : i32
      %add3A_49 = arith.addi %add3A_48, %mul3A_0 : i32
      "tpu.region"() ({
        %run_scoped3A = tpu.sem_alloc : memref<!tpu.dma_semaphore, #tpu.memory_space<semaphore_mem>>
        %dma_start3A = arith.constant 7680 : i32
        %dma_start3A_62 = tpu.memref_slice %arg17[%dma_start3A] : memref<10240xi32, #tpu.memory_space<vmem>> -> memref<640xi32, #tpu.memory_space<vmem>>
        %dma_start3A_63 = tpu.memref_slice %arg19[%add3A_49] : memref<163840xi32, #tpu.memory_space<vmem_shared>> -> memref<640xi32, #tpu.memory_space<vmem_shared>>
        %dma_start3A_64 = arith.constant 7680 : i32
        %dma_start3A_65 = tpu.memref_slice %arg17[%dma_start3A_64] : memref<10240xi32, #tpu.memory_space<vmem>> -> memref<640xi32, #tpu.memory_space<vmem>>
        %dma_start3A_66 = tpu.memref_slice %arg19[%add3A_49] : memref<163840xi32, #tpu.memory_space<vmem_shared>> -> memref<640xi32, #tpu.memory_space<vmem_shared>>
        tpu.enqueue_dma source(%dma_start3A_66 : memref<640xi32, #tpu.memory_space<vmem_shared>>) target(%dma_start3A_65 : memref<640xi32, #tpu.memory_space<vmem>>) target_semaphore(%run_scoped3A : memref<!tpu.dma_semaphore, #tpu.memory_space<semaphore_mem>>)
        %dma_wait3A = arith.constant 7680 : i32
        %dma_wait3A_67 = tpu.memref_slice %arg17[%dma_wait3A] : memref<10240xi32, #tpu.memory_space<vmem>> -> memref<640xi32, #tpu.memory_space<vmem>>
        %dma_wait3A_68 = tpu.memref_slice %arg19[%add3A_49] : memref<163840xi32, #tpu.memory_space<vmem_shared>> -> memref<640xi32, #tpu.memory_space<vmem_shared>>
        %dma_wait3A_69 = arith.constant 7680 : i32
        %dma_wait3A_70 = tpu.memref_slice %arg17[%dma_wait3A_69] : memref<10240xi32, #tpu.memory_space<vmem>> -> memref<640xi32, #tpu.memory_space<vmem>>
        %dma_wait3A_71 = tpu.memref_slice %arg19[%add3A_49] : memref<163840xi32, #tpu.memory_space<vmem_shared>> -> memref<640xi32, #tpu.memory_space<vmem_shared>>
        tpu.wait_dma2 semaphore(%run_scoped3A : memref<!tpu.dma_semaphore, #tpu.memory_space<semaphore_mem>>) src(%dma_wait3A_71 : memref<640xi32, #tpu.memory_space<vmem_shared>>) dst(%dma_wait3A_70 : memref<640xi32, #tpu.memory_space<vmem>>)
        tpu.yield
      }) : () -> ()
      %add3A_50 = arith.constant 133120 : i32
      %add3A_51 = arith.addi %add3A_50, %mul3A_0 : i32
      "tpu.region"() ({
        %run_scoped3A = tpu.sem_alloc : memref<!tpu.dma_semaphore, #tpu.memory_space<semaphore_mem>>
        %dma_start3A = arith.constant 8320 : i32
        %dma_start3A_62 = tpu.memref_slice %arg17[%dma_start3A] : memref<10240xi32, #tpu.memory_space<vmem>> -> memref<640xi32, #tpu.memory_space<vmem>>
        %dma_start3A_63 = tpu.memref_slice %arg19[%add3A_51] : memref<163840xi32, #tpu.memory_space<vmem_shared>> -> memref<640xi32, #tpu.memory_space<vmem_shared>>
        %dma_start3A_64 = arith.constant 8320 : i32
        %dma_start3A_65 = tpu.memref_slice %arg17[%dma_start3A_64] : memref<10240xi32, #tpu.memory_space<vmem>> -> memref<640xi32, #tpu.memory_space<vmem>>
        %dma_start3A_66 = tpu.memref_slice %arg19[%add3A_51] : memref<163840xi32, #tpu.memory_space<vmem_shared>> -> memref<640xi32, #tpu.memory_space<vmem_shared>>
        tpu.enqueue_dma source(%dma_start3A_66 : memref<640xi32, #tpu.memory_space<vmem_shared>>) target(%dma_start3A_65 : memref<640xi32, #tpu.memory_space<vmem>>) target_semaphore(%run_scoped3A : memref<!tpu.dma_semaphore, #tpu.memory_space<semaphore_mem>>)
        %dma_wait3A = arith.constant 8320 : i32
        %dma_wait3A_67 = tpu.memref_slice %arg17[%dma_wait3A] : memref<10240xi32, #tpu.memory_space<vmem>> -> memref<640xi32, #tpu.memory_space<vmem>>
        %dma_wait3A_68 = tpu.memref_slice %arg19[%add3A_51] : memref<163840xi32, #tpu.memory_space<vmem_shared>> -> memref<640xi32, #tpu.memory_space<vmem_shared>>
        %dma_wait3A_69 = arith.constant 8320 : i32
        %dma_wait3A_70 = tpu.memref_slice %arg17[%dma_wait3A_69] : memref<10240xi32, #tpu.memory_space<vmem>> -> memref<640xi32, #tpu.memory_space<vmem>>
        %dma_wait3A_71 = tpu.memref_slice %arg19[%add3A_51] : memref<163840xi32, #tpu.memory_space<vmem_shared>> -> memref<640xi32, #tpu.memory_space<vmem_shared>>
        tpu.wait_dma2 semaphore(%run_scoped3A : memref<!tpu.dma_semaphore, #tpu.memory_space<semaphore_mem>>) src(%dma_wait3A_71 : memref<640xi32, #tpu.memory_space<vmem_shared>>) dst(%dma_wait3A_70 : memref<640xi32, #tpu.memory_space<vmem>>)
        tpu.yield
      }) : () -> ()
      %add3A_52 = arith.constant 143360 : i32
      %add3A_53 = arith.addi %add3A_52, %mul3A_0 : i32
      "tpu.region"() ({
        %run_scoped3A = tpu.sem_alloc : memref<!tpu.dma_semaphore, #tpu.memory_space<semaphore_mem>>
        %dma_start3A = arith.constant 8960 : i32
        %dma_start3A_62 = tpu.memref_slice %arg17[%dma_start3A] : memref<10240xi32, #tpu.memory_space<vmem>> -> memref<640xi32, #tpu.memory_space<vmem>>
        %dma_start3A_63 = tpu.memref_slice %arg19[%add3A_53] : memref<163840xi32, #tpu.memory_space<vmem_shared>> -> memref<640xi32, #tpu.memory_space<vmem_shared>>
        %dma_start3A_64 = arith.constant 8960 : i32
        %dma_start3A_65 = tpu.memref_slice %arg17[%dma_start3A_64] : memref<10240xi32, #tpu.memory_space<vmem>> -> memref<640xi32, #tpu.memory_space<vmem>>
        %dma_start3A_66 = tpu.memref_slice %arg19[%add3A_53] : memref<163840xi32, #tpu.memory_space<vmem_shared>> -> memref<640xi32, #tpu.memory_space<vmem_shared>>
        tpu.enqueue_dma source(%dma_start3A_66 : memref<640xi32, #tpu.memory_space<vmem_shared>>) target(%dma_start3A_65 : memref<640xi32, #tpu.memory_space<vmem>>) target_semaphore(%run_scoped3A : memref<!tpu.dma_semaphore, #tpu.memory_space<semaphore_mem>>)
        %dma_wait3A = arith.constant 8960 : i32
        %dma_wait3A_67 = tpu.memref_slice %arg17[%dma_wait3A] : memref<10240xi32, #tpu.memory_space<vmem>> -> memref<640xi32, #tpu.memory_space<vmem>>
        %dma_wait3A_68 = tpu.memref_slice %arg19[%add3A_53] : memref<163840xi32, #tpu.memory_space<vmem_shared>> -> memref<640xi32, #tpu.memory_space<vmem_shared>>
        %dma_wait3A_69 = arith.constant 8960 : i32
        %dma_wait3A_70 = tpu.memref_slice %arg17[%dma_wait3A_69] : memref<10240xi32, #tpu.memory_space<vmem>> -> memref<640xi32, #tpu.memory_space<vmem>>
        %dma_wait3A_71 = tpu.memref_slice %arg19[%add3A_53] : memref<163840xi32, #tpu.memory_space<vmem_shared>> -> memref<640xi32, #tpu.memory_space<vmem_shared>>
        tpu.wait_dma2 semaphore(%run_scoped3A : memref<!tpu.dma_semaphore, #tpu.memory_space<semaphore_mem>>) src(%dma_wait3A_71 : memref<640xi32, #tpu.memory_space<vmem_shared>>) dst(%dma_wait3A_70 : memref<640xi32, #tpu.memory_space<vmem>>)
        tpu.yield
      }) : () -> ()
      %add3A_54 = arith.constant 153600 : i32
      %add3A_55 = arith.addi %add3A_54, %mul3A_0 : i32
      "tpu.region"() ({
        %run_scoped3A = tpu.sem_alloc : memref<!tpu.dma_semaphore, #tpu.memory_space<semaphore_mem>>
        %dma_start3A = arith.constant 9600 : i32
        %dma_start3A_62 = tpu.memref_slice %arg17[%dma_start3A] : memref<10240xi32, #tpu.memory_space<vmem>> -> memref<640xi32, #tpu.memory_space<vmem>>
        %dma_start3A_63 = tpu.memref_slice %arg19[%add3A_55] : memref<163840xi32, #tpu.memory_space<vmem_shared>> -> memref<640xi32, #tpu.memory_space<vmem_shared>>
        %dma_start3A_64 = arith.constant 9600 : i32
        %dma_start3A_65 = tpu.memref_slice %arg17[%dma_start3A_64] : memref<10240xi32, #tpu.memory_space<vmem>> -> memref<640xi32, #tpu.memory_space<vmem>>
        %dma_start3A_66 = tpu.memref_slice %arg19[%add3A_55] : memref<163840xi32, #tpu.memory_space<vmem_shared>> -> memref<640xi32, #tpu.memory_space<vmem_shared>>
        tpu.enqueue_dma source(%dma_start3A_66 : memref<640xi32, #tpu.memory_space<vmem_shared>>) target(%dma_start3A_65 : memref<640xi32, #tpu.memory_space<vmem>>) target_semaphore(%run_scoped3A : memref<!tpu.dma_semaphore, #tpu.memory_space<semaphore_mem>>)
        %dma_wait3A = arith.constant 9600 : i32
        %dma_wait3A_67 = tpu.memref_slice %arg17[%dma_wait3A] : memref<10240xi32, #tpu.memory_space<vmem>> -> memref<640xi32, #tpu.memory_space<vmem>>
        %dma_wait3A_68 = tpu.memref_slice %arg19[%add3A_55] : memref<163840xi32, #tpu.memory_space<vmem_shared>> -> memref<640xi32, #tpu.memory_space<vmem_shared>>
        %dma_wait3A_69 = arith.constant 9600 : i32
        %dma_wait3A_70 = tpu.memref_slice %arg17[%dma_wait3A_69] : memref<10240xi32, #tpu.memory_space<vmem>> -> memref<640xi32, #tpu.memory_space<vmem>>
        %dma_wait3A_71 = tpu.memref_slice %arg19[%add3A_55] : memref<163840xi32, #tpu.memory_space<vmem_shared>> -> memref<640xi32, #tpu.memory_space<vmem_shared>>
        tpu.wait_dma2 semaphore(%run_scoped3A : memref<!tpu.dma_semaphore, #tpu.memory_space<semaphore_mem>>) src(%dma_wait3A_71 : memref<640xi32, #tpu.memory_space<vmem_shared>>) dst(%dma_wait3A_70 : memref<640xi32, #tpu.memory_space<vmem>>)
        tpu.yield
      }) : () -> ()
      %scan3A_56 = arith.constant 0 : i32
      %scan3A_57 = arith.constant 0 : i32
      %scan3A_58 = arith.constant 40 : i32
      %scan3A_59 = arith.addi %scan3A_57, %scan3A_58 : i32
      %scan3A_60 = arith.constant 1 : i32
      scf.for %scan3A_62 = %scan3A_57 to %scan3A_59 step %scan3A_60  : i32 {
        %mul3A_63 = arith.constant 16 : i32
        %mul3A_64 = arith.muli %scan3A_62, %mul3A_63 : i32
        %get3A = arith.index_cast %mul3A_64 : i32 to index
        %get3A_65 = tpu.vector_load %arg17[%get3A] {strides = array<i32>} : memref<10240xi32, #tpu.memory_space<vmem>>, vector<16xi32>,
        %mul3A_66 = arith.constant 16 : i32
        %mul3A_67 = arith.muli %scan3A_62, %mul3A_66 : i32
        %add3A_68 = arith.constant 640 : i32
        %add3A_69 = arith.addi %add3A_68, %mul3A_67 : i32
        %get3A_70 = arith.index_cast %add3A_69 : i32 to index
        %get3A_71 = tpu.vector_load %arg17[%get3A_70] {strides = array<i32>} : memref<10240xi32, #tpu.memory_space<vmem>>, vector<16xi32>,
        %add3A_72 = arith.addi %get3A_65, %get3A_71 : vector<16xi32>
        %mul3A_73 = arith.constant 16 : i32
        %mul3A_74 = arith.muli %scan3A_62, %mul3A_73 : i32
        %add3A_75 = arith.constant 1280 : i32
        %add3A_76 = arith.addi %add3A_75, %mul3A_74 : i32
        %get3A_77 = arith.index_cast %add3A_76 : i32 to index
        %get3A_78 = tpu.vector_load %arg17[%get3A_77] {strides = array<i32>} : memref<10240xi32, #tpu.memory_space<vmem>>, vector<16xi32>,
        %add3A_79 = arith.addi %add3A_72, %get3A_78 : vector<16xi32>
        %mul3A_80 = arith.constant 16 : i32
        %mul3A_81 = arith.muli %scan3A_62, %mul3A_80 : i32
        %add3A_82 = arith.constant 1920 : i32
        %add3A_83 = arith.addi %add3A_82, %mul3A_81 : i32
        %get3A_84 = arith.index_cast %add3A_83 : i32 to index
        %get3A_85 = tpu.vector_load %arg17[%get3A_84] {strides = array<i32>} : memref<10240xi32, #tpu.memory_space<vmem>>, vector<16xi32>,
        %add3A_86 = arith.addi %add3A_79, %get3A_85 : vector<16xi32>
        %mul3A_87 = arith.constant 16 : i32
        %mul3A_88 = arith.muli %scan3A_62, %mul3A_87 : i32
        %add3A_89 = arith.constant 2560 : i32
        %add3A_90 = arith.addi %add3A_89, %mul3A_88 : i32
        %get3A_91 = arith.index_cast %add3A_90 : i32 to index
        %get3A_92 = tpu.vector_load %arg17[%get3A_91] {strides = array<i32>} : memref<10240xi32, #tpu.memory_space<vmem>>, vector<16xi32>,
        %add3A_93 = arith.addi %add3A_86, %get3A_92 : vector<16xi32>
        %mul3A_94 = arith.constant 16 : i32
        %mul3A_95 = arith.muli %scan3A_62, %mul3A_94 : i32
        %add3A_96 = arith.constant 3200 : i32
        %add3A_97 = arith.addi %add3A_96, %mul3A_95 : i32
        %get3A_98 = arith.index_cast %add3A_97 : i32 to index
        %get3A_99 = tpu.vector_load %arg17[%get3A_98] {strides = array<i32>} : memref<10240xi32, #tpu.memory_space<vmem>>, vector<16xi32>,
        %add3A_100 = arith.addi %add3A_93, %get3A_99 : vector<16xi32>
        %mul3A_101 = arith.constant 16 : i32
        %mul3A_102 = arith.muli %scan3A_62, %mul3A_101 : i32
        %add3A_103 = arith.constant 3840 : i32
        %add3A_104 = arith.addi %add3A_103, %mul3A_102 : i32
        %get3A_105 = arith.index_cast %add3A_104 : i32 to index
        %get3A_106 = tpu.vector_load %arg17[%get3A_105] {strides = array<i32>} : memref<10240xi32, #tpu.memory_space<vmem>>, vector<16xi32>,
        %add3A_107 = arith.addi %add3A_100, %get3A_106 : vector<16xi32>
        %mul3A_108 = arith.constant 16 : i32
        %mul3A_109 = arith.muli %scan3A_62, %mul3A_108 : i32
        %add3A_110 = arith.constant 4480 : i32
        %add3A_111 = arith.addi %add3A_110, %mul3A_109 : i32
        %get3A_112 = arith.index_cast %add3A_111 : i32 to index
        %get3A_113 = tpu.vector_load %arg17[%get3A_112] {strides = array<i32>} : memref<10240xi32, #tpu.memory_space<vmem>>, vector<16xi32>,
        %add3A_114 = arith.addi %add3A_107, %get3A_113 : vector<16xi32>
        %mul3A_115 = arith.constant 16 : i32
        %mul3A_116 = arith.muli %scan3A_62, %mul3A_115 : i32
        %add3A_117 = arith.constant 5120 : i32
        %add3A_118 = arith.addi %add3A_117, %mul3A_116 : i32
        %get3A_119 = arith.index_cast %add3A_118 : i32 to index
        %get3A_120 = tpu.vector_load %arg17[%get3A_119] {strides = array<i32>} : memref<10240xi32, #tpu.memory_space<vmem>>, vector<16xi32>,
        %add3A_121 = arith.addi %add3A_114, %get3A_120 : vector<16xi32>
        %mul3A_122 = arith.constant 16 : i32
        %mul3A_123 = arith.muli %scan3A_62, %mul3A_122 : i32
        %add3A_124 = arith.constant 5760 : i32
        %add3A_125 = arith.addi %add3A_124, %mul3A_123 : i32
        %get3A_126 = arith.index_cast %add3A_125 : i32 to index
        %get3A_127 = tpu.vector_load %arg17[%get3A_126] {strides = array<i32>} : memref<10240xi32, #tpu.memory_space<vmem>>, vector<16xi32>,
        %add3A_128 = arith.addi %add3A_121, %get3A_127 : vector<16xi32>
        %mul3A_129 = arith.constant 16 : i32
        %mul3A_130 = arith.muli %scan3A_62, %mul3A_129 : i32
        %add3A_131 = arith.constant 6400 : i32
        %add3A_132 = arith.addi %add3A_131, %mul3A_130 : i32
        %get3A_133 = arith.index_cast %add3A_132 : i32 to index
        %get3A_134 = tpu.vector_load %arg17[%get3A_133] {strides = array<i32>} : memref<10240xi32, #tpu.memory_space<vmem>>, vector<16xi32>,
        %add3A_135 = arith.addi %add3A_128, %get3A_134 : vector<16xi32>
        %mul3A_136 = arith.constant 16 : i32
        %mul3A_137 = arith.muli %scan3A_62, %mul3A_136 : i32
        %add3A_138 = arith.constant 7040 : i32
        %add3A_139 = arith.addi %add3A_138, %mul3A_137 : i32
        %get3A_140 = arith.index_cast %add3A_139 : i32 to index
        %get3A_141 = tpu.vector_load %arg17[%get3A_140] {strides = array<i32>} : memref<10240xi32, #tpu.memory_space<vmem>>, vector<16xi32>,
        %add3A_142 = arith.addi %add3A_135, %get3A_141 : vector<16xi32>
        %mul3A_143 = arith.constant 16 : i32
        %mul3A_144 = arith.muli %scan3A_62, %mul3A_143 : i32
        %add3A_145 = arith.constant 7680 : i32
        %add3A_146 = arith.addi %add3A_145, %mul3A_144 : i32
        %get3A_147 = arith.index_cast %add3A_146 : i32 to index
        %get3A_148 = tpu.vector_load %arg17[%get3A_147] {strides = array<i32>} : memref<10240xi32, #tpu.memory_space<vmem>>, vector<16xi32>,
        %add3A_149 = arith.addi %add3A_142, %get3A_148 : vector<16xi32>
        %mul3A_150 = arith.constant 16 : i32
        %mul3A_151 = arith.muli %scan3A_62, %mul3A_150 : i32
        %add3A_152 = arith.constant 8320 : i32
        %add3A_153 = arith.addi %add3A_152, %mul3A_151 : i32
        %get3A_154 = arith.index_cast %add3A_153 : i32 to index
        %get3A_155 = tpu.vector_load %arg17[%get3A_154] {strides = array<i32>} : memref<10240xi32, #tpu.memory_space<vmem>>, vector<16xi32>,
        %add3A_156 = arith.addi %add3A_149, %get3A_155 : vector<16xi32>
        %mul3A_157 = arith.constant 16 : i32
        %mul3A_158 = arith.muli %scan3A_62, %mul3A_157 : i32
        %add3A_159 = arith.constant 8960 : i32
        %add3A_160 = arith.addi %add3A_159, %mul3A_158 : i32
        %get3A_161 = arith.index_cast %add3A_160 : i32 to index
        %get3A_162 = tpu.vector_load %arg17[%get3A_161] {strides = array<i32>} : memref<10240xi32, #tpu.memory_space<vmem>>, vector<16xi32>,
        %add3A_163 = arith.addi %add3A_156, %get3A_162 : vector<16xi32>
        %mul3A_164 = arith.constant 16 : i32
        %mul3A_165 = arith.muli %scan3A_62, %mul3A_164 : i32
        %add3A_166 = arith.constant 9600 : i32
        %add3A_167 = arith.addi %add3A_166, %mul3A_165 : i32
        %get3A_168 = arith.index_cast %add3A_167 : i32 to index
        %get3A_169 = tpu.vector_load %arg17[%get3A_168] {strides = array<i32>} : memref<10240xi32, #tpu.memory_space<vmem>>, vector<16xi32>,
        %add3A_170 = arith.addi %add3A_163, %get3A_169 : vector<16xi32>
        %convert_element_type3A_171 = arith.sitofp %add3A_170 : vector<16xi32> to vector<16xf32>
        %mul3A_172 = arith.constant 16 : i32
        %mul3A_173 = arith.muli %scan3A_62, %mul3A_172 : i32
        %swap3A = arith.index_cast %mul3A_173 : i32 to index
        %swap3A_174 = tpu.vector_load %arg18[%swap3A] {strides = array<i32>} : memref<640xf32, #tpu.memory_space<vmem>>, vector<16xf32>,
        tpu.vector_store %arg18[%swap3A], %convert_element_type3A_171 {strides = array<i32>} : memref<640xf32, #tpu.memory_space<vmem>>, vector<16xf32>,
      }
      %scan3A_61 = arith.constant 40 : i32
      "tpu.region"() ({
        %run_scoped3A = tpu.sem_alloc : memref<!tpu.dma_semaphore, #tpu.memory_space<semaphore_mem>>
        %dma_start3A = arith.constant 0 : i32
        %dma_start3A_62 = tpu.memref_slice %arg18[%dma_start3A] : memref<640xf32, #tpu.memory_space<vmem>> -> memref<640xf32, #tpu.memory_space<vmem>>
        %dma_start3A_63 = tpu.memref_slice %arg9[%mul3A_0] : memref<10240xf32, #tpu.memory_space<hbm>> -> memref<640xf32, #tpu.memory_space<hbm>>
        %dma_start3A_64 = tpu.memref_slice %arg9[%mul3A_0] : memref<10240xf32, #tpu.memory_space<hbm>> -> memref<640xf32, #tpu.memory_space<hbm>>
        %dma_start3A_65 = arith.constant 0 : i32
        %dma_start3A_66 = tpu.memref_slice %arg18[%dma_start3A_65] : memref<640xf32, #tpu.memory_space<vmem>> -> memref<640xf32, #tpu.memory_space<vmem>>
        tpu.enqueue_dma source(%dma_start3A_66 : memref<640xf32, #tpu.memory_space<vmem>>) target(%dma_start3A_64 : memref<640xf32, #tpu.memory_space<hbm>>) target_semaphore(%run_scoped3A : memref<!tpu.dma_semaphore, #tpu.memory_space<semaphore_mem>>)
        %dma_wait3A = arith.constant 0 : i32
        %dma_wait3A_67 = tpu.memref_slice %arg18[%dma_wait3A] : memref<640xf32, #tpu.memory_space<vmem>> -> memref<640xf32, #tpu.memory_space<vmem>>
        %dma_wait3A_68 = tpu.memref_slice %arg9[%mul3A_0] : memref<10240xf32, #tpu.memory_space<hbm>> -> memref<640xf32, #tpu.memory_space<hbm>>
        %dma_wait3A_69 = tpu.memref_slice %arg9[%mul3A_0] : memref<10240xf32, #tpu.memory_space<hbm>> -> memref<640xf32, #tpu.memory_space<hbm>>
        %dma_wait3A_70 = arith.constant 0 : i32
        %dma_wait3A_71 = tpu.memref_slice %arg18[%dma_wait3A_70] : memref<640xf32, #tpu.memory_space<vmem>> -> memref<640xf32, #tpu.memory_space<vmem>>
        tpu.wait_dma2 semaphore(%run_scoped3A : memref<!tpu.dma_semaphore, #tpu.memory_space<semaphore_mem>>) src(%dma_wait3A_71 : memref<640xf32, #tpu.memory_space<vmem>>) dst(%dma_wait3A_69 : memref<640xf32, #tpu.memory_space<hbm>>)
        tpu.yield
      }) : () -> ()
    } else {
    }
    %eq3A_9 = arith.constant 1 : i32
    %eq3A_10 = arith.cmpi eq, %arg0, %eq3A_9 : i32
    %convert_element_type3A_11 = arith.extui %eq3A_10 : i1 to i32
    %cond3A_12 = arith.constant 0 : i32
    %cond3A_13 = arith.cmpi ne, %convert_element_type3A_11, %cond3A_12 : i32
    scf.if %cond3A_13 {
      %mul3A_14 = arith.constant 40000 : i32
      %mul3A_15 = arith.muli %arg1, %mul3A_14 : i32
      %scan3A_16 = arith.constant 0 : i32
      %scan3A_17 = arith.constant 0 : i32
      %scan3A_18 = arith.constant 500 : i32
      %scan3A_19 = arith.addi %scan3A_17, %scan3A_18 : i32
      %scan3A_20 = arith.constant 1 : i32
      scf.for %scan3A_62 = %scan3A_17 to %scan3A_19 step %scan3A_20  : i32 {
        %mul3A_63 = arith.constant 80 : i32
        %mul3A_64 = arith.muli %scan3A_62, %mul3A_63 : i32
        %add3A_65 = arith.addi %mul3A_15, %mul3A_64 : i32
        "tpu.region"() ({
          %run_scoped3A = tpu.sem_alloc : memref<!tpu.dma_semaphore, #tpu.memory_space<semaphore_mem>>
          %dma_start3A_100 = tpu.memref_slice %arg5[%add3A_65] : memref<1280000xi32, #tpu.memory_space<hbm>> -> memref<80xi32, #tpu.memory_space<hbm>>
          %dma_start3A_101 = tpu.memref_slice %arg5[%add3A_65] : memref<1280000xi32, #tpu.memory_space<hbm>> -> memref<80xi32, #tpu.memory_space<hbm>>
          tpu.enqueue_dma source(%dma_start3A_101 : memref<80xi32, #tpu.memory_space<hbm>>) target(%arg11 : memref<80xi32, #tpu.memory_space<vmem>>) target_semaphore(%run_scoped3A : memref<!tpu.dma_semaphore, #tpu.memory_space<semaphore_mem>>)
          %dma_wait3A_102 = tpu.memref_slice %arg5[%add3A_65] : memref<1280000xi32, #tpu.memory_space<hbm>> -> memref<80xi32, #tpu.memory_space<hbm>>
          %dma_wait3A_103 = tpu.memref_slice %arg5[%add3A_65] : memref<1280000xi32, #tpu.memory_space<hbm>> -> memref<80xi32, #tpu.memory_space<hbm>>
          tpu.wait_dma2 semaphore(%run_scoped3A : memref<!tpu.dma_semaphore, #tpu.memory_space<semaphore_mem>>) src(%dma_wait3A_103 : memref<80xi32, #tpu.memory_space<hbm>>) dst(%arg11 : memref<80xi32, #tpu.memory_space<vmem>>)
          tpu.yield
        }) : () -> ()
        %add3A_66 = arith.constant 640000 : i32
        %add3A_67 = arith.addi %add3A_66, %add3A_65 : i32
        "tpu.region"() ({
          %run_scoped3A = tpu.sem_alloc : memref<!tpu.dma_semaphore, #tpu.memory_space<semaphore_mem>>
          %dma_start3A_100 = tpu.memref_slice %arg5[%add3A_67] : memref<1280000xi32, #tpu.memory_space<hbm>> -> memref<80xi32, #tpu.memory_space<hbm>>
          %dma_start3A_101 = tpu.memref_slice %arg5[%add3A_67] : memref<1280000xi32, #tpu.memory_space<hbm>> -> memref<80xi32, #tpu.memory_space<hbm>>
          tpu.enqueue_dma source(%dma_start3A_101 : memref<80xi32, #tpu.memory_space<hbm>>) target(%arg12 : memref<80xi32, #tpu.memory_space<vmem>>) target_semaphore(%run_scoped3A : memref<!tpu.dma_semaphore, #tpu.memory_space<semaphore_mem>>)
          %dma_wait3A_102 = tpu.memref_slice %arg5[%add3A_67] : memref<1280000xi32, #tpu.memory_space<hbm>> -> memref<80xi32, #tpu.memory_space<hbm>>
          %dma_wait3A_103 = tpu.memref_slice %arg5[%add3A_67] : memref<1280000xi32, #tpu.memory_space<hbm>> -> memref<80xi32, #tpu.memory_space<hbm>>
          tpu.wait_dma2 semaphore(%run_scoped3A : memref<!tpu.dma_semaphore, #tpu.memory_space<semaphore_mem>>) src(%dma_wait3A_103 : memref<80xi32, #tpu.memory_space<hbm>>) dst(%arg12 : memref<80xi32, #tpu.memory_space<vmem>>)
          tpu.yield
        }) : () -> ()
        %dma_start3A = arith.constant 0 : i32
        %dma_start3A_68 = arith.constant 0 : i32
        %dma_start3A_69 = tpu.memref_slice %arg3[%dma_start3A, %dma_start3A_68] : memref<10000x128xf32, #tpu.memory_space<hbm>> -> memref<10000x128xf32, #tpu.memory_space<hbm>>
        tpu.enqueue_indirect_dma source(%dma_start3A_69 : memref<10000x128xf32, #tpu.memory_space<hbm>>) target(%arg13 : memref<80x128xf32, #tpu.memory_space<vmem>>) offsets(%arg11 : memref<80xi32, #tpu.memory_space<vmem>>) semaphore(%arg15 : memref<!tpu.dma_semaphore, #tpu.memory_space<semaphore_mem>>)
        %dma_wait3A = arith.constant 0 : i32
        %dma_wait3A_70 = arith.constant 0 : i32
        %dma_wait3A_71 = tpu.memref_slice %arg3[%dma_wait3A, %dma_wait3A_70] : memref<10000x128xf32, #tpu.memory_space<hbm>> -> memref<10000x128xf32, #tpu.memory_space<hbm>>
        tpu.wait_indirect_dma semaphore(%arg15 : memref<!tpu.dma_semaphore, #tpu.memory_space<semaphore_mem>>) src(%dma_wait3A_71 : memref<10000x128xf32, #tpu.memory_space<hbm>>) dst(%arg13 : memref<80x128xf32, #tpu.memory_space<vmem>>)
        "tpu.region"() ({
          %run_scoped3A = tpu.sem_alloc : memref<!tpu.dma_semaphore, #tpu.memory_space<semaphore_mem>>
          %dma_start3A_100 = arith.constant 0 : i32
          %dma_start3A_101 = arith.constant 0 : i32
          %dma_start3A_102 = tpu.memref_slice %arg14[%dma_start3A_100, %dma_start3A_101] : memref<10240x128xf32, #tpu.memory_space<vmem_shared>> -> memref<10240x128xf32, #tpu.memory_space<vmem_shared>>
          tpu.enqueue_indirect_dma source(%arg13 : memref<80x128xf32, #tpu.memory_space<vmem>>) target(%dma_start3A_102 : memref<10240x128xf32, #tpu.memory_space<vmem_shared>>) offsets(%arg12 : memref<80xi32, #tpu.memory_space<vmem>>) semaphore(%run_scoped3A : memref<!tpu.dma_semaphore, #tpu.memory_space<semaphore_mem>>) {add = true}
          %dma_wait3A_103 = arith.constant 0 : i32
          %dma_wait3A_104 = arith.constant 0 : i32
          %dma_wait3A_105 = tpu.memref_slice %arg14[%dma_wait3A_103, %dma_wait3A_104] : memref<10240x128xf32, #tpu.memory_space<vmem_shared>> -> memref<10240x128xf32, #tpu.memory_space<vmem_shared>>
          tpu.wait_indirect_dma semaphore(%run_scoped3A : memref<!tpu.dma_semaphore, #tpu.memory_space<semaphore_mem>>) src(%arg13 : memref<80x128xf32, #tpu.memory_space<vmem>>) dst(%dma_wait3A_105 : memref<10240x128xf32, #tpu.memory_space<vmem_shared>>)
          tpu.yield
        }) : () -> ()
        %get3A = arith.constant 0 : index
        %get3A_72 = tpu.vector_load %arg12[%get3A] {strides = array<i32>} : memref<80xi32, #tpu.memory_space<vmem>>, vector<16xi32>,
        %broadcast_in_dim3A_73 = arith.constant true
        %broadcast_in_dim3A_74 = vector.broadcast %broadcast_in_dim3A_73 : i1 to vector<16xi1>
        %unique3A, %unique3A_75 = tpu.scan_count mask(%broadcast_in_dim3A_74 : vector<16xi1>) value(%get3A_72 : vector<16xi32>) : vector<16xi1>, vector<16xi32>
        tpu.vector_store_idx %arg16[%get3A_72], %unique3A_75 masked %unique3A {add = true} : memref<10240xi32, #tpu.memory_space<vmem>>[vector<16xi32>], vector<16xi32>, vector<16xi1>
        %get3A_76 = arith.constant 16 : index
        %get3A_77 = tpu.vector_load %arg12[%get3A_76] {strides = array<i32>} : memref<80xi32, #tpu.memory_space<vmem>>, vector<16xi32>,
        %broadcast_in_dim3A_78 = arith.constant true
        %broadcast_in_dim3A_79 = vector.broadcast %broadcast_in_dim3A_78 : i1 to vector<16xi1>
        %unique3A_80, %unique3A_81 = tpu.scan_count mask(%broadcast_in_dim3A_79 : vector<16xi1>) value(%get3A_77 : vector<16xi32>) : vector<16xi1>, vector<16xi32>
        tpu.vector_store_idx %arg16[%get3A_77], %unique3A_81 masked %unique3A_80 {add = true} : memref<10240xi32, #tpu.memory_space<vmem>>[vector<16xi32>], vector<16xi32>, vector<16xi1>
        %get3A_82 = arith.constant 32 : index
        %get3A_83 = tpu.vector_load %arg12[%get3A_82] {strides = array<i32>} : memref<80xi32, #tpu.memory_space<vmem>>, vector<16xi32>,
        %broadcast_in_dim3A_84 = arith.constant true
        %broadcast_in_dim3A_85 = vector.broadcast %broadcast_in_dim3A_84 : i1 to vector<16xi1>
        %unique3A_86, %unique3A_87 = tpu.scan_count mask(%broadcast_in_dim3A_85 : vector<16xi1>) value(%get3A_83 : vector<16xi32>) : vector<16xi1>, vector<16xi32>
        tpu.vector_store_idx %arg16[%get3A_83], %unique3A_87 masked %unique3A_86 {add = true} : memref<10240xi32, #tpu.memory_space<vmem>>[vector<16xi32>], vector<16xi32>, vector<16xi1>
        %get3A_88 = arith.constant 48 : index
        %get3A_89 = tpu.vector_load %arg12[%get3A_88] {strides = array<i32>} : memref<80xi32, #tpu.memory_space<vmem>>, vector<16xi32>,
        %broadcast_in_dim3A_90 = arith.constant true
        %broadcast_in_dim3A_91 = vector.broadcast %broadcast_in_dim3A_90 : i1 to vector<16xi1>
        %unique3A_92, %unique3A_93 = tpu.scan_count mask(%broadcast_in_dim3A_91 : vector<16xi1>) value(%get3A_89 : vector<16xi32>) : vector<16xi1>, vector<16xi32>
        tpu.vector_store_idx %arg16[%get3A_89], %unique3A_93 masked %unique3A_92 {add = true} : memref<10240xi32, #tpu.memory_space<vmem>>[vector<16xi32>], vector<16xi32>, vector<16xi1>
        %get3A_94 = arith.constant 64 : index
        %get3A_95 = tpu.vector_load %arg12[%get3A_94] {strides = array<i32>} : memref<80xi32, #tpu.memory_space<vmem>>, vector<16xi32>,
        %broadcast_in_dim3A_96 = arith.constant true
        %broadcast_in_dim3A_97 = vector.broadcast %broadcast_in_dim3A_96 : i1 to vector<16xi1>
        %unique3A_98, %unique3A_99 = tpu.scan_count mask(%broadcast_in_dim3A_97 : vector<16xi1>) value(%get3A_95 : vector<16xi32>) : vector<16xi1>, vector<16xi32>
        tpu.vector_store_idx %arg16[%get3A_95], %unique3A_99 masked %unique3A_98 {add = true} : memref<10240xi32, #tpu.memory_space<vmem>>[vector<16xi32>], vector<16xi32>, vector<16xi1>
      }
      %scan3A_21 = arith.constant 500 : i32
      %mul3A_22 = arith.constant 10240 : i32
      %mul3A_23 = arith.muli %arg1, %mul3A_22 : i32
      "tpu.region"() ({
        %run_scoped3A = tpu.sem_alloc : memref<!tpu.dma_semaphore, #tpu.memory_space<semaphore_mem>>
        %dma_start3A = tpu.memref_slice %arg19[%mul3A_23] : memref<163840xi32, #tpu.memory_space<vmem_shared>> -> memref<10240xi32, #tpu.memory_space<vmem_shared>>
        %dma_start3A_62 = tpu.memref_slice %arg19[%mul3A_23] : memref<163840xi32, #tpu.memory_space<vmem_shared>> -> memref<10240xi32, #tpu.memory_space<vmem_shared>>
        tpu.enqueue_dma source(%arg16 : memref<10240xi32, #tpu.memory_space<vmem>>) target(%dma_start3A_62 : memref<10240xi32, #tpu.memory_space<vmem_shared>>) target_semaphore(%run_scoped3A : memref<!tpu.dma_semaphore, #tpu.memory_space<semaphore_mem>>)
        %dma_wait3A = tpu.memref_slice %arg19[%mul3A_23] : memref<163840xi32, #tpu.memory_space<vmem_shared>> -> memref<10240xi32, #tpu.memory_space<vmem_shared>>
        %dma_wait3A_63 = tpu.memref_slice %arg19[%mul3A_23] : memref<163840xi32, #tpu.memory_space<vmem_shared>> -> memref<10240xi32, #tpu.memory_space<vmem_shared>>
        tpu.wait_dma2 semaphore(%run_scoped3A : memref<!tpu.dma_semaphore, #tpu.memory_space<semaphore_mem>>) src(%arg16 : memref<10240xi32, #tpu.memory_space<vmem>>) dst(%dma_wait3A_63 : memref<10240xi32, #tpu.memory_space<vmem_shared>>)
        tpu.yield
      }) : () -> ()
      %barrier3A_24 = arith.constant 0 : index
      tpu.barrier barrier_id(%barrier3A_24)
      "tpu.region"() ({
        %run_scoped3A = tpu.sem_alloc : memref<!tpu.dma_semaphore, #tpu.memory_space<semaphore_mem>>
        %dma_start3A = arith.constant 0 : i32
        %dma_start3A_62 = tpu.memref_slice %arg8[%mul3A_0, %dma_start3A] : memref<10240x128xf32, #tpu.memory_space<hbm>> -> memref<640x128xf32, #tpu.memory_space<hbm>>
        %dma_start3A_63 = arith.constant 0 : i32
        %dma_start3A_64 = tpu.memref_slice %arg14[%mul3A_0, %dma_start3A_63] : memref<10240x128xf32, #tpu.memory_space<vmem_shared>> -> memref<640x128xf32, #tpu.memory_space<vmem_shared>>
        tpu.enqueue_dma source(%dma_start3A_64 : memref<640x128xf32, #tpu.memory_space<vmem_shared>>) target(%dma_start3A_62 : memref<640x128xf32, #tpu.memory_space<hbm>>) target_semaphore(%run_scoped3A : memref<!tpu.dma_semaphore, #tpu.memory_space<semaphore_mem>>)
        %dma_wait3A = arith.constant 0 : i32
        %dma_wait3A_65 = tpu.memref_slice %arg8[%mul3A_0, %dma_wait3A] : memref<10240x128xf32, #tpu.memory_space<hbm>> -> memref<640x128xf32, #tpu.memory_space<hbm>>
        %dma_wait3A_66 = arith.constant 0 : i32
        %dma_wait3A_67 = tpu.memref_slice %arg14[%mul3A_0, %dma_wait3A_66] : memref<10240x128xf32, #tpu.memory_space<vmem_shared>> -> memref<640x128xf32, #tpu.memory_space<vmem_shared>>
        tpu.wait_dma2 semaphore(%run_scoped3A : memref<!tpu.dma_semaphore, #tpu.memory_space<semaphore_mem>>) src(%dma_wait3A_67 : memref<640x128xf32, #tpu.memory_space<vmem_shared>>) dst(%dma_wait3A_65 : memref<640x128xf32, #tpu.memory_space<hbm>>)
        tpu.yield
      }) : () -> ()
      %add3A = arith.constant 0 : i32
      %add3A_25 = arith.addi %add3A, %mul3A_0 : i32
      "tpu.region"() ({
        %run_scoped3A = tpu.sem_alloc : memref<!tpu.dma_semaphore, #tpu.memory_space<semaphore_mem>>
        %dma_start3A = arith.constant 0 : i32
        %dma_start3A_62 = tpu.memref_slice %arg17[%dma_start3A] : memref<10240xi32, #tpu.memory_space<vmem>> -> memref<640xi32, #tpu.memory_space<vmem>>
        %dma_start3A_63 = tpu.memref_slice %arg19[%add3A_25] : memref<163840xi32, #tpu.memory_space<vmem_shared>> -> memref<640xi32, #tpu.memory_space<vmem_shared>>
        %dma_start3A_64 = arith.constant 0 : i32
        %dma_start3A_65 = tpu.memref_slice %arg17[%dma_start3A_64] : memref<10240xi32, #tpu.memory_space<vmem>> -> memref<640xi32, #tpu.memory_space<vmem>>
        %dma_start3A_66 = tpu.memref_slice %arg19[%add3A_25] : memref<163840xi32, #tpu.memory_space<vmem_shared>> -> memref<640xi32, #tpu.memory_space<vmem_shared>>
        tpu.enqueue_dma source(%dma_start3A_66 : memref<640xi32, #tpu.memory_space<vmem_shared>>) target(%dma_start3A_65 : memref<640xi32, #tpu.memory_space<vmem>>) target_semaphore(%run_scoped3A : memref<!tpu.dma_semaphore, #tpu.memory_space<semaphore_mem>>)
        %dma_wait3A = arith.constant 0 : i32
        %dma_wait3A_67 = tpu.memref_slice %arg17[%dma_wait3A] : memref<10240xi32, #tpu.memory_space<vmem>> -> memref<640xi32, #tpu.memory_space<vmem>>
        %dma_wait3A_68 = tpu.memref_slice %arg19[%add3A_25] : memref<163840xi32, #tpu.memory_space<vmem_shared>> -> memref<640xi32, #tpu.memory_space<vmem_shared>>
        %dma_wait3A_69 = arith.constant 0 : i32
        %dma_wait3A_70 = tpu.memref_slice %arg17[%dma_wait3A_69] : memref<10240xi32, #tpu.memory_space<vmem>> -> memref<640xi32, #tpu.memory_space<vmem>>
        %dma_wait3A_71 = tpu.memref_slice %arg19[%add3A_25] : memref<163840xi32, #tpu.memory_space<vmem_shared>> -> memref<640xi32, #tpu.memory_space<vmem_shared>>
        tpu.wait_dma2 semaphore(%run_scoped3A : memref<!tpu.dma_semaphore, #tpu.memory_space<semaphore_mem>>) src(%dma_wait3A_71 : memref<640xi32, #tpu.memory_space<vmem_shared>>) dst(%dma_wait3A_70 : memref<640xi32, #tpu.memory_space<vmem>>)
        tpu.yield
      }) : () -> ()
      %add3A_26 = arith.constant 10240 : i32
      %add3A_27 = arith.addi %add3A_26, %mul3A_0 : i32
      "tpu.region"() ({
        %run_scoped3A = tpu.sem_alloc : memref<!tpu.dma_semaphore, #tpu.memory_space<semaphore_mem>>
        %dma_start3A = arith.constant 640 : i32
        %dma_start3A_62 = tpu.memref_slice %arg17[%dma_start3A] : memref<10240xi32, #tpu.memory_space<vmem>> -> memref<640xi32, #tpu.memory_space<vmem>>
        %dma_start3A_63 = tpu.memref_slice %arg19[%add3A_27] : memref<163840xi32, #tpu.memory_space<vmem_shared>> -> memref<640xi32, #tpu.memory_space<vmem_shared>>
        %dma_start3A_64 = arith.constant 640 : i32
        %dma_start3A_65 = tpu.memref_slice %arg17[%dma_start3A_64] : memref<10240xi32, #tpu.memory_space<vmem>> -> memref<640xi32, #tpu.memory_space<vmem>>
        %dma_start3A_66 = tpu.memref_slice %arg19[%add3A_27] : memref<163840xi32, #tpu.memory_space<vmem_shared>> -> memref<640xi32, #tpu.memory_space<vmem_shared>>
        tpu.enqueue_dma source(%dma_start3A_66 : memref<640xi32, #tpu.memory_space<vmem_shared>>) target(%dma_start3A_65 : memref<640xi32, #tpu.memory_space<vmem>>) target_semaphore(%run_scoped3A : memref<!tpu.dma_semaphore, #tpu.memory_space<semaphore_mem>>)
        %dma_wait3A = arith.constant 640 : i32
        %dma_wait3A_67 = tpu.memref_slice %arg17[%dma_wait3A] : memref<10240xi32, #tpu.memory_space<vmem>> -> memref<640xi32, #tpu.memory_space<vmem>>
        %dma_wait3A_68 = tpu.memref_slice %arg19[%add3A_27] : memref<163840xi32, #tpu.memory_space<vmem_shared>> -> memref<640xi32, #tpu.memory_space<vmem_shared>>
        %dma_wait3A_69 = arith.constant 640 : i32
        %dma_wait3A_70 = tpu.memref_slice %arg17[%dma_wait3A_69] : memref<10240xi32, #tpu.memory_space<vmem>> -> memref<640xi32, #tpu.memory_space<vmem>>
        %dma_wait3A_71 = tpu.memref_slice %arg19[%add3A_27] : memref<163840xi32, #tpu.memory_space<vmem_shared>> -> memref<640xi32, #tpu.memory_space<vmem_shared>>
        tpu.wait_dma2 semaphore(%run_scoped3A : memref<!tpu.dma_semaphore, #tpu.memory_space<semaphore_mem>>) src(%dma_wait3A_71 : memref<640xi32, #tpu.memory_space<vmem_shared>>) dst(%dma_wait3A_70 : memref<640xi32, #tpu.memory_space<vmem>>)
        tpu.yield
      }) : () -> ()
      %add3A_28 = arith.constant 20480 : i32
      %add3A_29 = arith.addi %add3A_28, %mul3A_0 : i32
      "tpu.region"() ({
        %run_scoped3A = tpu.sem_alloc : memref<!tpu.dma_semaphore, #tpu.memory_space<semaphore_mem>>
        %dma_start3A = arith.constant 1280 : i32
        %dma_start3A_62 = tpu.memref_slice %arg17[%dma_start3A] : memref<10240xi32, #tpu.memory_space<vmem>> -> memref<640xi32, #tpu.memory_space<vmem>>
        %dma_start3A_63 = tpu.memref_slice %arg19[%add3A_29] : memref<163840xi32, #tpu.memory_space<vmem_shared>> -> memref<640xi32, #tpu.memory_space<vmem_shared>>
        %dma_start3A_64 = arith.constant 1280 : i32
        %dma_start3A_65 = tpu.memref_slice %arg17[%dma_start3A_64] : memref<10240xi32, #tpu.memory_space<vmem>> -> memref<640xi32, #tpu.memory_space<vmem>>
        %dma_start3A_66 = tpu.memref_slice %arg19[%add3A_29] : memref<163840xi32, #tpu.memory_space<vmem_shared>> -> memref<640xi32, #tpu.memory_space<vmem_shared>>
        tpu.enqueue_dma source(%dma_start3A_66 : memref<640xi32, #tpu.memory_space<vmem_shared>>) target(%dma_start3A_65 : memref<640xi32, #tpu.memory_space<vmem>>) target_semaphore(%run_scoped3A : memref<!tpu.dma_semaphore, #tpu.memory_space<semaphore_mem>>)
        %dma_wait3A = arith.constant 1280 : i32
        %dma_wait3A_67 = tpu.memref_slice %arg17[%dma_wait3A] : memref<10240xi32, #tpu.memory_space<vmem>> -> memref<640xi32, #tpu.memory_space<vmem>>
        %dma_wait3A_68 = tpu.memref_slice %arg19[%add3A_29] : memref<163840xi32, #tpu.memory_space<vmem_shared>> -> memref<640xi32, #tpu.memory_space<vmem_shared>>
        %dma_wait3A_69 = arith.constant 1280 : i32
        %dma_wait3A_70 = tpu.memref_slice %arg17[%dma_wait3A_69] : memref<10240xi32, #tpu.memory_space<vmem>> -> memref<640xi32, #tpu.memory_space<vmem>>
        %dma_wait3A_71 = tpu.memref_slice %arg19[%add3A_29] : memref<163840xi32, #tpu.memory_space<vmem_shared>> -> memref<640xi32, #tpu.memory_space<vmem_shared>>
        tpu.wait_dma2 semaphore(%run_scoped3A : memref<!tpu.dma_semaphore, #tpu.memory_space<semaphore_mem>>) src(%dma_wait3A_71 : memref<640xi32, #tpu.memory_space<vmem_shared>>) dst(%dma_wait3A_70 : memref<640xi32, #tpu.memory_space<vmem>>)
        tpu.yield
      }) : () -> ()
      %add3A_30 = arith.constant 30720 : i32
      %add3A_31 = arith.addi %add3A_30, %mul3A_0 : i32
      "tpu.region"() ({
        %run_scoped3A = tpu.sem_alloc : memref<!tpu.dma_semaphore, #tpu.memory_space<semaphore_mem>>
        %dma_start3A = arith.constant 1920 : i32
        %dma_start3A_62 = tpu.memref_slice %arg17[%dma_start3A] : memref<10240xi32, #tpu.memory_space<vmem>> -> memref<640xi32, #tpu.memory_space<vmem>>
        %dma_start3A_63 = tpu.memref_slice %arg19[%add3A_31] : memref<163840xi32, #tpu.memory_space<vmem_shared>> -> memref<640xi32, #tpu.memory_space<vmem_shared>>
        %dma_start3A_64 = arith.constant 1920 : i32
        %dma_start3A_65 = tpu.memref_slice %arg17[%dma_start3A_64] : memref<10240xi32, #tpu.memory_space<vmem>> -> memref<640xi32, #tpu.memory_space<vmem>>
        %dma_start3A_66 = tpu.memref_slice %arg19[%add3A_31] : memref<163840xi32, #tpu.memory_space<vmem_shared>> -> memref<640xi32, #tpu.memory_space<vmem_shared>>
        tpu.enqueue_dma source(%dma_start3A_66 : memref<640xi32, #tpu.memory_space<vmem_shared>>) target(%dma_start3A_65 : memref<640xi32, #tpu.memory_space<vmem>>) target_semaphore(%run_scoped3A : memref<!tpu.dma_semaphore, #tpu.memory_space<semaphore_mem>>)
        %dma_wait3A = arith.constant 1920 : i32
        %dma_wait3A_67 = tpu.memref_slice %arg17[%dma_wait3A] : memref<10240xi32, #tpu.memory_space<vmem>> -> memref<640xi32, #tpu.memory_space<vmem>>
        %dma_wait3A_68 = tpu.memref_slice %arg19[%add3A_31] : memref<163840xi32, #tpu.memory_space<vmem_shared>> -> memref<640xi32, #tpu.memory_space<vmem_shared>>
        %dma_wait3A_69 = arith.constant 1920 : i32
        %dma_wait3A_70 = tpu.memref_slice %arg17[%dma_wait3A_69] : memref<10240xi32, #tpu.memory_space<vmem>> -> memref<640xi32, #tpu.memory_space<vmem>>
        %dma_wait3A_71 = tpu.memref_slice %arg19[%add3A_31] : memref<163840xi32, #tpu.memory_space<vmem_shared>> -> memref<640xi32, #tpu.memory_space<vmem_shared>>
        tpu.wait_dma2 semaphore(%run_scoped3A : memref<!tpu.dma_semaphore, #tpu.memory_space<semaphore_mem>>) src(%dma_wait3A_71 : memref<640xi32, #tpu.memory_space<vmem_shared>>) dst(%dma_wait3A_70 : memref<640xi32, #tpu.memory_space<vmem>>)
        tpu.yield
      }) : () -> ()
      %add3A_32 = arith.constant 40960 : i32
      %add3A_33 = arith.addi %add3A_32, %mul3A_0 : i32
      "tpu.region"() ({
        %run_scoped3A = tpu.sem_alloc : memref<!tpu.dma_semaphore, #tpu.memory_space<semaphore_mem>>
        %dma_start3A = arith.constant 2560 : i32
        %dma_start3A_62 = tpu.memref_slice %arg17[%dma_start3A] : memref<10240xi32, #tpu.memory_space<vmem>> -> memref<640xi32, #tpu.memory_space<vmem>>
        %dma_start3A_63 = tpu.memref_slice %arg19[%add3A_33] : memref<163840xi32, #tpu.memory_space<vmem_shared>> -> memref<640xi32, #tpu.memory_space<vmem_shared>>
        %dma_start3A_64 = arith.constant 2560 : i32
        %dma_start3A_65 = tpu.memref_slice %arg17[%dma_start3A_64] : memref<10240xi32, #tpu.memory_space<vmem>> -> memref<640xi32, #tpu.memory_space<vmem>>
        %dma_start3A_66 = tpu.memref_slice %arg19[%add3A_33] : memref<163840xi32, #tpu.memory_space<vmem_shared>> -> memref<640xi32, #tpu.memory_space<vmem_shared>>
        tpu.enqueue_dma source(%dma_start3A_66 : memref<640xi32, #tpu.memory_space<vmem_shared>>) target(%dma_start3A_65 : memref<640xi32, #tpu.memory_space<vmem>>) target_semaphore(%run_scoped3A : memref<!tpu.dma_semaphore, #tpu.memory_space<semaphore_mem>>)
        %dma_wait3A = arith.constant 2560 : i32
        %dma_wait3A_67 = tpu.memref_slice %arg17[%dma_wait3A] : memref<10240xi32, #tpu.memory_space<vmem>> -> memref<640xi32, #tpu.memory_space<vmem>>
        %dma_wait3A_68 = tpu.memref_slice %arg19[%add3A_33] : memref<163840xi32, #tpu.memory_space<vmem_shared>> -> memref<640xi32, #tpu.memory_space<vmem_shared>>
        %dma_wait3A_69 = arith.constant 2560 : i32
        %dma_wait3A_70 = tpu.memref_slice %arg17[%dma_wait3A_69] : memref<10240xi32, #tpu.memory_space<vmem>> -> memref<640xi32, #tpu.memory_space<vmem>>
        %dma_wait3A_71 = tpu.memref_slice %arg19[%add3A_33] : memref<163840xi32, #tpu.memory_space<vmem_shared>> -> memref<640xi32, #tpu.memory_space<vmem_shared>>
        tpu.wait_dma2 semaphore(%run_scoped3A : memref<!tpu.dma_semaphore, #tpu.memory_space<semaphore_mem>>) src(%dma_wait3A_71 : memref<640xi32, #tpu.memory_space<vmem_shared>>) dst(%dma_wait3A_70 : memref<640xi32, #tpu.memory_space<vmem>>)
        tpu.yield
      }) : () -> ()
      %add3A_34 = arith.constant 51200 : i32
      %add3A_35 = arith.addi %add3A_34, %mul3A_0 : i32
      "tpu.region"() ({
        %run_scoped3A = tpu.sem_alloc : memref<!tpu.dma_semaphore, #tpu.memory_space<semaphore_mem>>
        %dma_start3A = arith.constant 3200 : i32
        %dma_start3A_62 = tpu.memref_slice %arg17[%dma_start3A] : memref<10240xi32, #tpu.memory_space<vmem>> -> memref<640xi32, #tpu.memory_space<vmem>>
        %dma_start3A_63 = tpu.memref_slice %arg19[%add3A_35] : memref<163840xi32, #tpu.memory_space<vmem_shared>> -> memref<640xi32, #tpu.memory_space<vmem_shared>>
        %dma_start3A_64 = arith.constant 3200 : i32
        %dma_start3A_65 = tpu.memref_slice %arg17[%dma_start3A_64] : memref<10240xi32, #tpu.memory_space<vmem>> -> memref<640xi32, #tpu.memory_space<vmem>>
        %dma_start3A_66 = tpu.memref_slice %arg19[%add3A_35] : memref<163840xi32, #tpu.memory_space<vmem_shared>> -> memref<640xi32, #tpu.memory_space<vmem_shared>>
        tpu.enqueue_dma source(%dma_start3A_66 : memref<640xi32, #tpu.memory_space<vmem_shared>>) target(%dma_start3A_65 : memref<640xi32, #tpu.memory_space<vmem>>) target_semaphore(%run_scoped3A : memref<!tpu.dma_semaphore, #tpu.memory_space<semaphore_mem>>)
        %dma_wait3A = arith.constant 3200 : i32
        %dma_wait3A_67 = tpu.memref_slice %arg17[%dma_wait3A] : memref<10240xi32, #tpu.memory_space<vmem>> -> memref<640xi32, #tpu.memory_space<vmem>>
        %dma_wait3A_68 = tpu.memref_slice %arg19[%add3A_35] : memref<163840xi32, #tpu.memory_space<vmem_shared>> -> memref<640xi32, #tpu.memory_space<vmem_shared>>
        %dma_wait3A_69 = arith.constant 3200 : i32
        %dma_wait3A_70 = tpu.memref_slice %arg17[%dma_wait3A_69] : memref<10240xi32, #tpu.memory_space<vmem>> -> memref<640xi32, #tpu.memory_space<vmem>>
        %dma_wait3A_71 = tpu.memref_slice %arg19[%add3A_35] : memref<163840xi32, #tpu.memory_space<vmem_shared>> -> memref<640xi32, #tpu.memory_space<vmem_shared>>
        tpu.wait_dma2 semaphore(%run_scoped3A : memref<!tpu.dma_semaphore, #tpu.memory_space<semaphore_mem>>) src(%dma_wait3A_71 : memref<640xi32, #tpu.memory_space<vmem_shared>>) dst(%dma_wait3A_70 : memref<640xi32, #tpu.memory_space<vmem>>)
        tpu.yield
      }) : () -> ()
      %add3A_36 = arith.constant 61440 : i32
      %add3A_37 = arith.addi %add3A_36, %mul3A_0 : i32
      "tpu.region"() ({
        %run_scoped3A = tpu.sem_alloc : memref<!tpu.dma_semaphore, #tpu.memory_space<semaphore_mem>>
        %dma_start3A = arith.constant 3840 : i32
        %dma_start3A_62 = tpu.memref_slice %arg17[%dma_start3A] : memref<10240xi32, #tpu.memory_space<vmem>> -> memref<640xi32, #tpu.memory_space<vmem>>
        %dma_start3A_63 = tpu.memref_slice %arg19[%add3A_37] : memref<163840xi32, #tpu.memory_space<vmem_shared>> -> memref<640xi32, #tpu.memory_space<vmem_shared>>
        %dma_start3A_64 = arith.constant 3840 : i32
        %dma_start3A_65 = tpu.memref_slice %arg17[%dma_start3A_64] : memref<10240xi32, #tpu.memory_space<vmem>> -> memref<640xi32, #tpu.memory_space<vmem>>
        %dma_start3A_66 = tpu.memref_slice %arg19[%add3A_37] : memref<163840xi32, #tpu.memory_space<vmem_shared>> -> memref<640xi32, #tpu.memory_space<vmem_shared>>
        tpu.enqueue_dma source(%dma_start3A_66 : memref<640xi32, #tpu.memory_space<vmem_shared>>) target(%dma_start3A_65 : memref<640xi32, #tpu.memory_space<vmem>>) target_semaphore(%run_scoped3A : memref<!tpu.dma_semaphore, #tpu.memory_space<semaphore_mem>>)
        %dma_wait3A = arith.constant 3840 : i32
        %dma_wait3A_67 = tpu.memref_slice %arg17[%dma_wait3A] : memref<10240xi32, #tpu.memory_space<vmem>> -> memref<640xi32, #tpu.memory_space<vmem>>
        %dma_wait3A_68 = tpu.memref_slice %arg19[%add3A_37] : memref<163840xi32, #tpu.memory_space<vmem_shared>> -> memref<640xi32, #tpu.memory_space<vmem_shared>>
        %dma_wait3A_69 = arith.constant 3840 : i32
        %dma_wait3A_70 = tpu.memref_slice %arg17[%dma_wait3A_69] : memref<10240xi32, #tpu.memory_space<vmem>> -> memref<640xi32, #tpu.memory_space<vmem>>
        %dma_wait3A_71 = tpu.memref_slice %arg19[%add3A_37] : memref<163840xi32, #tpu.memory_space<vmem_shared>> -> memref<640xi32, #tpu.memory_space<vmem_shared>>
        tpu.wait_dma2 semaphore(%run_scoped3A : memref<!tpu.dma_semaphore, #tpu.memory_space<semaphore_mem>>) src(%dma_wait3A_71 : memref<640xi32, #tpu.memory_space<vmem_shared>>) dst(%dma_wait3A_70 : memref<640xi32, #tpu.memory_space<vmem>>)
        tpu.yield
      }) : () -> ()
      %add3A_38 = arith.constant 71680 : i32
      %add3A_39 = arith.addi %add3A_38, %mul3A_0 : i32
      "tpu.region"() ({
        %run_scoped3A = tpu.sem_alloc : memref<!tpu.dma_semaphore, #tpu.memory_space<semaphore_mem>>
        %dma_start3A = arith.constant 4480 : i32
        %dma_start3A_62 = tpu.memref_slice %arg17[%dma_start3A] : memref<10240xi32, #tpu.memory_space<vmem>> -> memref<640xi32, #tpu.memory_space<vmem>>
        %dma_start3A_63 = tpu.memref_slice %arg19[%add3A_39] : memref<163840xi32, #tpu.memory_space<vmem_shared>> -> memref<640xi32, #tpu.memory_space<vmem_shared>>
        %dma_start3A_64 = arith.constant 4480 : i32
        %dma_start3A_65 = tpu.memref_slice %arg17[%dma_start3A_64] : memref<10240xi32, #tpu.memory_space<vmem>> -> memref<640xi32, #tpu.memory_space<vmem>>
        %dma_start3A_66 = tpu.memref_slice %arg19[%add3A_39] : memref<163840xi32, #tpu.memory_space<vmem_shared>> -> memref<640xi32, #tpu.memory_space<vmem_shared>>
        tpu.enqueue_dma source(%dma_start3A_66 : memref<640xi32, #tpu.memory_space<vmem_shared>>) target(%dma_start3A_65 : memref<640xi32, #tpu.memory_space<vmem>>) target_semaphore(%run_scoped3A : memref<!tpu.dma_semaphore, #tpu.memory_space<semaphore_mem>>)
        %dma_wait3A = arith.constant 4480 : i32
        %dma_wait3A_67 = tpu.memref_slice %arg17[%dma_wait3A] : memref<10240xi32, #tpu.memory_space<vmem>> -> memref<640xi32, #tpu.memory_space<vmem>>
        %dma_wait3A_68 = tpu.memref_slice %arg19[%add3A_39] : memref<163840xi32, #tpu.memory_space<vmem_shared>> -> memref<640xi32, #tpu.memory_space<vmem_shared>>
        %dma_wait3A_69 = arith.constant 4480 : i32
        %dma_wait3A_70 = tpu.memref_slice %arg17[%dma_wait3A_69] : memref<10240xi32, #tpu.memory_space<vmem>> -> memref<640xi32, #tpu.memory_space<vmem>>
        %dma_wait3A_71 = tpu.memref_slice %arg19[%add3A_39] : memref<163840xi32, #tpu.memory_space<vmem_shared>> -> memref<640xi32, #tpu.memory_space<vmem_shared>>
        tpu.wait_dma2 semaphore(%run_scoped3A : memref<!tpu.dma_semaphore, #tpu.memory_space<semaphore_mem>>) src(%dma_wait3A_71 : memref<640xi32, #tpu.memory_space<vmem_shared>>) dst(%dma_wait3A_70 : memref<640xi32, #tpu.memory_space<vmem>>)
        tpu.yield
      }) : () -> ()
      %add3A_40 = arith.constant 81920 : i32
      %add3A_41 = arith.addi %add3A_40, %mul3A_0 : i32
      "tpu.region"() ({
        %run_scoped3A = tpu.sem_alloc : memref<!tpu.dma_semaphore, #tpu.memory_space<semaphore_mem>>
        %dma_start3A = arith.constant 5120 : i32
        %dma_start3A_62 = tpu.memref_slice %arg17[%dma_start3A] : memref<10240xi32, #tpu.memory_space<vmem>> -> memref<640xi32, #tpu.memory_space<vmem>>
        %dma_start3A_63 = tpu.memref_slice %arg19[%add3A_41] : memref<163840xi32, #tpu.memory_space<vmem_shared>> -> memref<640xi32, #tpu.memory_space<vmem_shared>>
        %dma_start3A_64 = arith.constant 5120 : i32
        %dma_start3A_65 = tpu.memref_slice %arg17[%dma_start3A_64] : memref<10240xi32, #tpu.memory_space<vmem>> -> memref<640xi32, #tpu.memory_space<vmem>>
        %dma_start3A_66 = tpu.memref_slice %arg19[%add3A_41] : memref<163840xi32, #tpu.memory_space<vmem_shared>> -> memref<640xi32, #tpu.memory_space<vmem_shared>>
        tpu.enqueue_dma source(%dma_start3A_66 : memref<640xi32, #tpu.memory_space<vmem_shared>>) target(%dma_start3A_65 : memref<640xi32, #tpu.memory_space<vmem>>) target_semaphore(%run_scoped3A : memref<!tpu.dma_semaphore, #tpu.memory_space<semaphore_mem>>)
        %dma_wait3A = arith.constant 5120 : i32
        %dma_wait3A_67 = tpu.memref_slice %arg17[%dma_wait3A] : memref<10240xi32, #tpu.memory_space<vmem>> -> memref<640xi32, #tpu.memory_space<vmem>>
        %dma_wait3A_68 = tpu.memref_slice %arg19[%add3A_41] : memref<163840xi32, #tpu.memory_space<vmem_shared>> -> memref<640xi32, #tpu.memory_space<vmem_shared>>
        %dma_wait3A_69 = arith.constant 5120 : i32
        %dma_wait3A_70 = tpu.memref_slice %arg17[%dma_wait3A_69] : memref<10240xi32, #tpu.memory_space<vmem>> -> memref<640xi32, #tpu.memory_space<vmem>>
        %dma_wait3A_71 = tpu.memref_slice %arg19[%add3A_41] : memref<163840xi32, #tpu.memory_space<vmem_shared>> -> memref<640xi32, #tpu.memory_space<vmem_shared>>
        tpu.wait_dma2 semaphore(%run_scoped3A : memref<!tpu.dma_semaphore, #tpu.memory_space<semaphore_mem>>) src(%dma_wait3A_71 : memref<640xi32, #tpu.memory_space<vmem_shared>>) dst(%dma_wait3A_70 : memref<640xi32, #tpu.memory_space<vmem>>)
        tpu.yield
      }) : () -> ()
      %add3A_42 = arith.constant 92160 : i32
      %add3A_43 = arith.addi %add3A_42, %mul3A_0 : i32
      "tpu.region"() ({
        %run_scoped3A = tpu.sem_alloc : memref<!tpu.dma_semaphore, #tpu.memory_space<semaphore_mem>>
        %dma_start3A = arith.constant 5760 : i32
        %dma_start3A_62 = tpu.memref_slice %arg17[%dma_start3A] : memref<10240xi32, #tpu.memory_space<vmem>> -> memref<640xi32, #tpu.memory_space<vmem>>
        %dma_start3A_63 = tpu.memref_slice %arg19[%add3A_43] : memref<163840xi32, #tpu.memory_space<vmem_shared>> -> memref<640xi32, #tpu.memory_space<vmem_shared>>
        %dma_start3A_64 = arith.constant 5760 : i32
        %dma_start3A_65 = tpu.memref_slice %arg17[%dma_start3A_64] : memref<10240xi32, #tpu.memory_space<vmem>> -> memref<640xi32, #tpu.memory_space<vmem>>
        %dma_start3A_66 = tpu.memref_slice %arg19[%add3A_43] : memref<163840xi32, #tpu.memory_space<vmem_shared>> -> memref<640xi32, #tpu.memory_space<vmem_shared>>
        tpu.enqueue_dma source(%dma_start3A_66 : memref<640xi32, #tpu.memory_space<vmem_shared>>) target(%dma_start3A_65 : memref<640xi32, #tpu.memory_space<vmem>>) target_semaphore(%run_scoped3A : memref<!tpu.dma_semaphore, #tpu.memory_space<semaphore_mem>>)
        %dma_wait3A = arith.constant 5760 : i32
        %dma_wait3A_67 = tpu.memref_slice %arg17[%dma_wait3A] : memref<10240xi32, #tpu.memory_space<vmem>> -> memref<640xi32, #tpu.memory_space<vmem>>
        %dma_wait3A_68 = tpu.memref_slice %arg19[%add3A_43] : memref<163840xi32, #tpu.memory_space<vmem_shared>> -> memref<640xi32, #tpu.memory_space<vmem_shared>>
        %dma_wait3A_69 = arith.constant 5760 : i32
        %dma_wait3A_70 = tpu.memref_slice %arg17[%dma_wait3A_69] : memref<10240xi32, #tpu.memory_space<vmem>> -> memref<640xi32, #tpu.memory_space<vmem>>
        %dma_wait3A_71 = tpu.memref_slice %arg19[%add3A_43] : memref<163840xi32, #tpu.memory_space<vmem_shared>> -> memref<640xi32, #tpu.memory_space<vmem_shared>>
        tpu.wait_dma2 semaphore(%run_scoped3A : memref<!tpu.dma_semaphore, #tpu.memory_space<semaphore_mem>>) src(%dma_wait3A_71 : memref<640xi32, #tpu.memory_space<vmem_shared>>) dst(%dma_wait3A_70 : memref<640xi32, #tpu.memory_space<vmem>>)
        tpu.yield
      }) : () -> ()
      %add3A_44 = arith.constant 102400 : i32
      %add3A_45 = arith.addi %add3A_44, %mul3A_0 : i32
      "tpu.region"() ({
        %run_scoped3A = tpu.sem_alloc : memref<!tpu.dma_semaphore, #tpu.memory_space<semaphore_mem>>
        %dma_start3A = arith.constant 6400 : i32
        %dma_start3A_62 = tpu.memref_slice %arg17[%dma_start3A] : memref<10240xi32, #tpu.memory_space<vmem>> -> memref<640xi32, #tpu.memory_space<vmem>>
        %dma_start3A_63 = tpu.memref_slice %arg19[%add3A_45] : memref<163840xi32, #tpu.memory_space<vmem_shared>> -> memref<640xi32, #tpu.memory_space<vmem_shared>>
        %dma_start3A_64 = arith.constant 6400 : i32
        %dma_start3A_65 = tpu.memref_slice %arg17[%dma_start3A_64] : memref<10240xi32, #tpu.memory_space<vmem>> -> memref<640xi32, #tpu.memory_space<vmem>>
        %dma_start3A_66 = tpu.memref_slice %arg19[%add3A_45] : memref<163840xi32, #tpu.memory_space<vmem_shared>> -> memref<640xi32, #tpu.memory_space<vmem_shared>>
        tpu.enqueue_dma source(%dma_start3A_66 : memref<640xi32, #tpu.memory_space<vmem_shared>>) target(%dma_start3A_65 : memref<640xi32, #tpu.memory_space<vmem>>) target_semaphore(%run_scoped3A : memref<!tpu.dma_semaphore, #tpu.memory_space<semaphore_mem>>)
        %dma_wait3A = arith.constant 6400 : i32
        %dma_wait3A_67 = tpu.memref_slice %arg17[%dma_wait3A] : memref<10240xi32, #tpu.memory_space<vmem>> -> memref<640xi32, #tpu.memory_space<vmem>>
        %dma_wait3A_68 = tpu.memref_slice %arg19[%add3A_45] : memref<163840xi32, #tpu.memory_space<vmem_shared>> -> memref<640xi32, #tpu.memory_space<vmem_shared>>
        %dma_wait3A_69 = arith.constant 6400 : i32
        %dma_wait3A_70 = tpu.memref_slice %arg17[%dma_wait3A_69] : memref<10240xi32, #tpu.memory_space<vmem>> -> memref<640xi32, #tpu.memory_space<vmem>>
        %dma_wait3A_71 = tpu.memref_slice %arg19[%add3A_45] : memref<163840xi32, #tpu.memory_space<vmem_shared>> -> memref<640xi32, #tpu.memory_space<vmem_shared>>
        tpu.wait_dma2 semaphore(%run_scoped3A : memref<!tpu.dma_semaphore, #tpu.memory_space<semaphore_mem>>) src(%dma_wait3A_71 : memref<640xi32, #tpu.memory_space<vmem_shared>>) dst(%dma_wait3A_70 : memref<640xi32, #tpu.memory_space<vmem>>)
        tpu.yield
      }) : () -> ()
      %add3A_46 = arith.constant 112640 : i32
      %add3A_47 = arith.addi %add3A_46, %mul3A_0 : i32
      "tpu.region"() ({
        %run_scoped3A = tpu.sem_alloc : memref<!tpu.dma_semaphore, #tpu.memory_space<semaphore_mem>>
        %dma_start3A = arith.constant 7040 : i32
        %dma_start3A_62 = tpu.memref_slice %arg17[%dma_start3A] : memref<10240xi32, #tpu.memory_space<vmem>> -> memref<640xi32, #tpu.memory_space<vmem>>
        %dma_start3A_63 = tpu.memref_slice %arg19[%add3A_47] : memref<163840xi32, #tpu.memory_space<vmem_shared>> -> memref<640xi32, #tpu.memory_space<vmem_shared>>
        %dma_start3A_64 = arith.constant 7040 : i32
        %dma_start3A_65 = tpu.memref_slice %arg17[%dma_start3A_64] : memref<10240xi32, #tpu.memory_space<vmem>> -> memref<640xi32, #tpu.memory_space<vmem>>
        %dma_start3A_66 = tpu.memref_slice %arg19[%add3A_47] : memref<163840xi32, #tpu.memory_space<vmem_shared>> -> memref<640xi32, #tpu.memory_space<vmem_shared>>
        tpu.enqueue_dma source(%dma_start3A_66 : memref<640xi32, #tpu.memory_space<vmem_shared>>) target(%dma_start3A_65 : memref<640xi32, #tpu.memory_space<vmem>>) target_semaphore(%run_scoped3A : memref<!tpu.dma_semaphore, #tpu.memory_space<semaphore_mem>>)
        %dma_wait3A = arith.constant 7040 : i32
        %dma_wait3A_67 = tpu.memref_slice %arg17[%dma_wait3A] : memref<10240xi32, #tpu.memory_space<vmem>> -> memref<640xi32, #tpu.memory_space<vmem>>
        %dma_wait3A_68 = tpu.memref_slice %arg19[%add3A_47] : memref<163840xi32, #tpu.memory_space<vmem_shared>> -> memref<640xi32, #tpu.memory_space<vmem_shared>>
        %dma_wait3A_69 = arith.constant 7040 : i32
        %dma_wait3A_70 = tpu.memref_slice %arg17[%dma_wait3A_69] : memref<10240xi32, #tpu.memory_space<vmem>> -> memref<640xi32, #tpu.memory_space<vmem>>
        %dma_wait3A_71 = tpu.memref_slice %arg19[%add3A_47] : memref<163840xi32, #tpu.memory_space<vmem_shared>> -> memref<640xi32, #tpu.memory_space<vmem_shared>>
        tpu.wait_dma2 semaphore(%run_scoped3A : memref<!tpu.dma_semaphore, #tpu.memory_space<semaphore_mem>>) src(%dma_wait3A_71 : memref<640xi32, #tpu.memory_space<vmem_shared>>) dst(%dma_wait3A_70 : memref<640xi32, #tpu.memory_space<vmem>>)
        tpu.yield
      }) : () -> ()
      %add3A_48 = arith.constant 122880 : i32
      %add3A_49 = arith.addi %add3A_48, %mul3A_0 : i32
      "tpu.region"() ({
        %run_scoped3A = tpu.sem_alloc : memref<!tpu.dma_semaphore, #tpu.memory_space<semaphore_mem>>
        %dma_start3A = arith.constant 7680 : i32
        %dma_start3A_62 = tpu.memref_slice %arg17[%dma_start3A] : memref<10240xi32, #tpu.memory_space<vmem>> -> memref<640xi32, #tpu.memory_space<vmem>>
        %dma_start3A_63 = tpu.memref_slice %arg19[%add3A_49] : memref<163840xi32, #tpu.memory_space<vmem_shared>> -> memref<640xi32, #tpu.memory_space<vmem_shared>>
        %dma_start3A_64 = arith.constant 7680 : i32
        %dma_start3A_65 = tpu.memref_slice %arg17[%dma_start3A_64] : memref<10240xi32, #tpu.memory_space<vmem>> -> memref<640xi32, #tpu.memory_space<vmem>>
        %dma_start3A_66 = tpu.memref_slice %arg19[%add3A_49] : memref<163840xi32, #tpu.memory_space<vmem_shared>> -> memref<640xi32, #tpu.memory_space<vmem_shared>>
        tpu.enqueue_dma source(%dma_start3A_66 : memref<640xi32, #tpu.memory_space<vmem_shared>>) target(%dma_start3A_65 : memref<640xi32, #tpu.memory_space<vmem>>) target_semaphore(%run_scoped3A : memref<!tpu.dma_semaphore, #tpu.memory_space<semaphore_mem>>)
        %dma_wait3A = arith.constant 7680 : i32
        %dma_wait3A_67 = tpu.memref_slice %arg17[%dma_wait3A] : memref<10240xi32, #tpu.memory_space<vmem>> -> memref<640xi32, #tpu.memory_space<vmem>>
        %dma_wait3A_68 = tpu.memref_slice %arg19[%add3A_49] : memref<163840xi32, #tpu.memory_space<vmem_shared>> -> memref<640xi32, #tpu.memory_space<vmem_shared>>
        %dma_wait3A_69 = arith.constant 7680 : i32
        %dma_wait3A_70 = tpu.memref_slice %arg17[%dma_wait3A_69] : memref<10240xi32, #tpu.memory_space<vmem>> -> memref<640xi32, #tpu.memory_space<vmem>>
        %dma_wait3A_71 = tpu.memref_slice %arg19[%add3A_49] : memref<163840xi32, #tpu.memory_space<vmem_shared>> -> memref<640xi32, #tpu.memory_space<vmem_shared>>
        tpu.wait_dma2 semaphore(%run_scoped3A : memref<!tpu.dma_semaphore, #tpu.memory_space<semaphore_mem>>) src(%dma_wait3A_71 : memref<640xi32, #tpu.memory_space<vmem_shared>>) dst(%dma_wait3A_70 : memref<640xi32, #tpu.memory_space<vmem>>)
        tpu.yield
      }) : () -> ()
      %add3A_50 = arith.constant 133120 : i32
      %add3A_51 = arith.addi %add3A_50, %mul3A_0 : i32
      "tpu.region"() ({
        %run_scoped3A = tpu.sem_alloc : memref<!tpu.dma_semaphore, #tpu.memory_space<semaphore_mem>>
        %dma_start3A = arith.constant 8320 : i32
        %dma_start3A_62 = tpu.memref_slice %arg17[%dma_start3A] : memref<10240xi32, #tpu.memory_space<vmem>> -> memref<640xi32, #tpu.memory_space<vmem>>
        %dma_start3A_63 = tpu.memref_slice %arg19[%add3A_51] : memref<163840xi32, #tpu.memory_space<vmem_shared>> -> memref<640xi32, #tpu.memory_space<vmem_shared>>
        %dma_start3A_64 = arith.constant 8320 : i32
        %dma_start3A_65 = tpu.memref_slice %arg17[%dma_start3A_64] : memref<10240xi32, #tpu.memory_space<vmem>> -> memref<640xi32, #tpu.memory_space<vmem>>
        %dma_start3A_66 = tpu.memref_slice %arg19[%add3A_51] : memref<163840xi32, #tpu.memory_space<vmem_shared>> -> memref<640xi32, #tpu.memory_space<vmem_shared>>
        tpu.enqueue_dma source(%dma_start3A_66 : memref<640xi32, #tpu.memory_space<vmem_shared>>) target(%dma_start3A_65 : memref<640xi32, #tpu.memory_space<vmem>>) target_semaphore(%run_scoped3A : memref<!tpu.dma_semaphore, #tpu.memory_space<semaphore_mem>>)
        %dma_wait3A = arith.constant 8320 : i32
        %dma_wait3A_67 = tpu.memref_slice %arg17[%dma_wait3A] : memref<10240xi32, #tpu.memory_space<vmem>> -> memref<640xi32, #tpu.memory_space<vmem>>
        %dma_wait3A_68 = tpu.memref_slice %arg19[%add3A_51] : memref<163840xi32, #tpu.memory_space<vmem_shared>> -> memref<640xi32, #tpu.memory_space<vmem_shared>>
        %dma_wait3A_69 = arith.constant 8320 : i32
        %dma_wait3A_70 = tpu.memref_slice %arg17[%dma_wait3A_69] : memref<10240xi32, #tpu.memory_space<vmem>> -> memref<640xi32, #tpu.memory_space<vmem>>
        %dma_wait3A_71 = tpu.memref_slice %arg19[%add3A_51] : memref<163840xi32, #tpu.memory_space<vmem_shared>> -> memref<640xi32, #tpu.memory_space<vmem_shared>>
        tpu.wait_dma2 semaphore(%run_scoped3A : memref<!tpu.dma_semaphore, #tpu.memory_space<semaphore_mem>>) src(%dma_wait3A_71 : memref<640xi32, #tpu.memory_space<vmem_shared>>) dst(%dma_wait3A_70 : memref<640xi32, #tpu.memory_space<vmem>>)
        tpu.yield
      }) : () -> ()
      %add3A_52 = arith.constant 143360 : i32
      %add3A_53 = arith.addi %add3A_52, %mul3A_0 : i32
      "tpu.region"() ({
        %run_scoped3A = tpu.sem_alloc : memref<!tpu.dma_semaphore, #tpu.memory_space<semaphore_mem>>
        %dma_start3A = arith.constant 8960 : i32
        %dma_start3A_62 = tpu.memref_slice %arg17[%dma_start3A] : memref<10240xi32, #tpu.memory_space<vmem>> -> memref<640xi32, #tpu.memory_space<vmem>>
        %dma_start3A_63 = tpu.memref_slice %arg19[%add3A_53] : memref<163840xi32, #tpu.memory_space<vmem_shared>> -> memref<640xi32, #tpu.memory_space<vmem_shared>>
        %dma_start3A_64 = arith.constant 8960 : i32
        %dma_start3A_65 = tpu.memref_slice %arg17[%dma_start3A_64] : memref<10240xi32, #tpu.memory_space<vmem>> -> memref<640xi32, #tpu.memory_space<vmem>>
        %dma_start3A_66 = tpu.memref_slice %arg19[%add3A_53] : memref<163840xi32, #tpu.memory_space<vmem_shared>> -> memref<640xi32, #tpu.memory_space<vmem_shared>>
        tpu.enqueue_dma source(%dma_start3A_66 : memref<640xi32, #tpu.memory_space<vmem_shared>>) target(%dma_start3A_65 : memref<640xi32, #tpu.memory_space<vmem>>) target_semaphore(%run_scoped3A : memref<!tpu.dma_semaphore, #tpu.memory_space<semaphore_mem>>)
        %dma_wait3A = arith.constant 8960 : i32
        %dma_wait3A_67 = tpu.memref_slice %arg17[%dma_wait3A] : memref<10240xi32, #tpu.memory_space<vmem>> -> memref<640xi32, #tpu.memory_space<vmem>>
        %dma_wait3A_68 = tpu.memref_slice %arg19[%add3A_53] : memref<163840xi32, #tpu.memory_space<vmem_shared>> -> memref<640xi32, #tpu.memory_space<vmem_shared>>
        %dma_wait3A_69 = arith.constant 8960 : i32
        %dma_wait3A_70 = tpu.memref_slice %arg17[%dma_wait3A_69] : memref<10240xi32, #tpu.memory_space<vmem>> -> memref<640xi32, #tpu.memory_space<vmem>>
        %dma_wait3A_71 = tpu.memref_slice %arg19[%add3A_53] : memref<163840xi32, #tpu.memory_space<vmem_shared>> -> memref<640xi32, #tpu.memory_space<vmem_shared>>
        tpu.wait_dma2 semaphore(%run_scoped3A : memref<!tpu.dma_semaphore, #tpu.memory_space<semaphore_mem>>) src(%dma_wait3A_71 : memref<640xi32, #tpu.memory_space<vmem_shared>>) dst(%dma_wait3A_70 : memref<640xi32, #tpu.memory_space<vmem>>)
        tpu.yield
      }) : () -> ()
      %add3A_54 = arith.constant 153600 : i32
      %add3A_55 = arith.addi %add3A_54, %mul3A_0 : i32
      "tpu.region"() ({
        %run_scoped3A = tpu.sem_alloc : memref<!tpu.dma_semaphore, #tpu.memory_space<semaphore_mem>>
        %dma_start3A = arith.constant 9600 : i32
        %dma_start3A_62 = tpu.memref_slice %arg17[%dma_start3A] : memref<10240xi32, #tpu.memory_space<vmem>> -> memref<640xi32, #tpu.memory_space<vmem>>
        %dma_start3A_63 = tpu.memref_slice %arg19[%add3A_55] : memref<163840xi32, #tpu.memory_space<vmem_shared>> -> memref<640xi32, #tpu.memory_space<vmem_shared>>
        %dma_start3A_64 = arith.constant 9600 : i32
        %dma_start3A_65 = tpu.memref_slice %arg17[%dma_start3A_64] : memref<10240xi32, #tpu.memory_space<vmem>> -> memref<640xi32, #tpu.memory_space<vmem>>
        %dma_start3A_66 = tpu.memref_slice %arg19[%add3A_55] : memref<163840xi32, #tpu.memory_space<vmem_shared>> -> memref<640xi32, #tpu.memory_space<vmem_shared>>
        tpu.enqueue_dma source(%dma_start3A_66 : memref<640xi32, #tpu.memory_space<vmem_shared>>) target(%dma_start3A_65 : memref<640xi32, #tpu.memory_space<vmem>>) target_semaphore(%run_scoped3A : memref<!tpu.dma_semaphore, #tpu.memory_space<semaphore_mem>>)
        %dma_wait3A = arith.constant 9600 : i32
        %dma_wait3A_67 = tpu.memref_slice %arg17[%dma_wait3A] : memref<10240xi32, #tpu.memory_space<vmem>> -> memref<640xi32, #tpu.memory_space<vmem>>
        %dma_wait3A_68 = tpu.memref_slice %arg19[%add3A_55] : memref<163840xi32, #tpu.memory_space<vmem_shared>> -> memref<640xi32, #tpu.memory_space<vmem_shared>>
        %dma_wait3A_69 = arith.constant 9600 : i32
        %dma_wait3A_70 = tpu.memref_slice %arg17[%dma_wait3A_69] : memref<10240xi32, #tpu.memory_space<vmem>> -> memref<640xi32, #tpu.memory_space<vmem>>
        %dma_wait3A_71 = tpu.memref_slice %arg19[%add3A_55] : memref<163840xi32, #tpu.memory_space<vmem_shared>> -> memref<640xi32, #tpu.memory_space<vmem_shared>>
        tpu.wait_dma2 semaphore(%run_scoped3A : memref<!tpu.dma_semaphore, #tpu.memory_space<semaphore_mem>>) src(%dma_wait3A_71 : memref<640xi32, #tpu.memory_space<vmem_shared>>) dst(%dma_wait3A_70 : memref<640xi32, #tpu.memory_space<vmem>>)
        tpu.yield
      }) : () -> ()
      %scan3A_56 = arith.constant 0 : i32
      %scan3A_57 = arith.constant 0 : i32
      %scan3A_58 = arith.constant 40 : i32
      %scan3A_59 = arith.addi %scan3A_57, %scan3A_58 : i32
      %scan3A_60 = arith.constant 1 : i32
      scf.for %scan3A_62 = %scan3A_57 to %scan3A_59 step %scan3A_60  : i32 {
        %mul3A_63 = arith.constant 16 : i32
        %mul3A_64 = arith.muli %scan3A_62, %mul3A_63 : i32
        %get3A = arith.index_cast %mul3A_64 : i32 to index
        %get3A_65 = tpu.vector_load %arg17[%get3A] {strides = array<i32>} : memref<10240xi32, #tpu.memory_space<vmem>>, vector<16xi32>,
        %mul3A_66 = arith.constant 16 : i32
        %mul3A_67 = arith.muli %scan3A_62, %mul3A_66 : i32
        %add3A_68 = arith.constant 640 : i32
        %add3A_69 = arith.addi %add3A_68, %mul3A_67 : i32
        %get3A_70 = arith.index_cast %add3A_69 : i32 to index
        %get3A_71 = tpu.vector_load %arg17[%get3A_70] {strides = array<i32>} : memref<10240xi32, #tpu.memory_space<vmem>>, vector<16xi32>,
        %add3A_72 = arith.addi %get3A_65, %get3A_71 : vector<16xi32>
        %mul3A_73 = arith.constant 16 : i32
        %mul3A_74 = arith.muli %scan3A_62, %mul3A_73 : i32
        %add3A_75 = arith.constant 1280 : i32
        %add3A_76 = arith.addi %add3A_75, %mul3A_74 : i32
        %get3A_77 = arith.index_cast %add3A_76 : i32 to index
        %get3A_78 = tpu.vector_load %arg17[%get3A_77] {strides = array<i32>} : memref<10240xi32, #tpu.memory_space<vmem>>, vector<16xi32>,
        %add3A_79 = arith.addi %add3A_72, %get3A_78 : vector<16xi32>
        %mul3A_80 = arith.constant 16 : i32
        %mul3A_81 = arith.muli %scan3A_62, %mul3A_80 : i32
        %add3A_82 = arith.constant 1920 : i32
        %add3A_83 = arith.addi %add3A_82, %mul3A_81 : i32
        %get3A_84 = arith.index_cast %add3A_83 : i32 to index
        %get3A_85 = tpu.vector_load %arg17[%get3A_84] {strides = array<i32>} : memref<10240xi32, #tpu.memory_space<vmem>>, vector<16xi32>,
        %add3A_86 = arith.addi %add3A_79, %get3A_85 : vector<16xi32>
        %mul3A_87 = arith.constant 16 : i32
        %mul3A_88 = arith.muli %scan3A_62, %mul3A_87 : i32
        %add3A_89 = arith.constant 2560 : i32
        %add3A_90 = arith.addi %add3A_89, %mul3A_88 : i32
        %get3A_91 = arith.index_cast %add3A_90 : i32 to index
        %get3A_92 = tpu.vector_load %arg17[%get3A_91] {strides = array<i32>} : memref<10240xi32, #tpu.memory_space<vmem>>, vector<16xi32>,
        %add3A_93 = arith.addi %add3A_86, %get3A_92 : vector<16xi32>
        %mul3A_94 = arith.constant 16 : i32
        %mul3A_95 = arith.muli %scan3A_62, %mul3A_94 : i32
        %add3A_96 = arith.constant 3200 : i32
        %add3A_97 = arith.addi %add3A_96, %mul3A_95 : i32
        %get3A_98 = arith.index_cast %add3A_97 : i32 to index
        %get3A_99 = tpu.vector_load %arg17[%get3A_98] {strides = array<i32>} : memref<10240xi32, #tpu.memory_space<vmem>>, vector<16xi32>,
        %add3A_100 = arith.addi %add3A_93, %get3A_99 : vector<16xi32>
        %mul3A_101 = arith.constant 16 : i32
        %mul3A_102 = arith.muli %scan3A_62, %mul3A_101 : i32
        %add3A_103 = arith.constant 3840 : i32
        %add3A_104 = arith.addi %add3A_103, %mul3A_102 : i32
        %get3A_105 = arith.index_cast %add3A_104 : i32 to index
        %get3A_106 = tpu.vector_load %arg17[%get3A_105] {strides = array<i32>} : memref<10240xi32, #tpu.memory_space<vmem>>, vector<16xi32>,
        %add3A_107 = arith.addi %add3A_100, %get3A_106 : vector<16xi32>
        %mul3A_108 = arith.constant 16 : i32
        %mul3A_109 = arith.muli %scan3A_62, %mul3A_108 : i32
        %add3A_110 = arith.constant 4480 : i32
        %add3A_111 = arith.addi %add3A_110, %mul3A_109 : i32
        %get3A_112 = arith.index_cast %add3A_111 : i32 to index
        %get3A_113 = tpu.vector_load %arg17[%get3A_112] {strides = array<i32>} : memref<10240xi32, #tpu.memory_space<vmem>>, vector<16xi32>,
        %add3A_114 = arith.addi %add3A_107, %get3A_113 : vector<16xi32>
        %mul3A_115 = arith.constant 16 : i32
        %mul3A_116 = arith.muli %scan3A_62, %mul3A_115 : i32
        %add3A_117 = arith.constant 5120 : i32
        %add3A_118 = arith.addi %add3A_117, %mul3A_116 : i32
        %get3A_119 = arith.index_cast %add3A_118 : i32 to index
        %get3A_120 = tpu.vector_load %arg17[%get3A_119] {strides = array<i32>} : memref<10240xi32, #tpu.memory_space<vmem>>, vector<16xi32>,
        %add3A_121 = arith.addi %add3A_114, %get3A_120 : vector<16xi32>
        %mul3A_122 = arith.constant 16 : i32
        %mul3A_123 = arith.muli %scan3A_62, %mul3A_122 : i32
        %add3A_124 = arith.constant 5760 : i32
        %add3A_125 = arith.addi %add3A_124, %mul3A_123 : i32
        %get3A_126 = arith.index_cast %add3A_125 : i32 to index
        %get3A_127 = tpu.vector_load %arg17[%get3A_126] {strides = array<i32>} : memref<10240xi32, #tpu.memory_space<vmem>>, vector<16xi32>,
        %add3A_128 = arith.addi %add3A_121, %get3A_127 : vector<16xi32>
        %mul3A_129 = arith.constant 16 : i32
        %mul3A_130 = arith.muli %scan3A_62, %mul3A_129 : i32
        %add3A_131 = arith.constant 6400 : i32
        %add3A_132 = arith.addi %add3A_131, %mul3A_130 : i32
        %get3A_133 = arith.index_cast %add3A_132 : i32 to index
        %get3A_134 = tpu.vector_load %arg17[%get3A_133] {strides = array<i32>} : memref<10240xi32, #tpu.memory_space<vmem>>, vector<16xi32>,
        %add3A_135 = arith.addi %add3A_128, %get3A_134 : vector<16xi32>
        %mul3A_136 = arith.constant 16 : i32
        %mul3A_137 = arith.muli %scan3A_62, %mul3A_136 : i32
        %add3A_138 = arith.constant 7040 : i32
        %add3A_139 = arith.addi %add3A_138, %mul3A_137 : i32
        %get3A_140 = arith.index_cast %add3A_139 : i32 to index
        %get3A_141 = tpu.vector_load %arg17[%get3A_140] {strides = array<i32>} : memref<10240xi32, #tpu.memory_space<vmem>>, vector<16xi32>,
        %add3A_142 = arith.addi %add3A_135, %get3A_141 : vector<16xi32>
        %mul3A_143 = arith.constant 16 : i32
        %mul3A_144 = arith.muli %scan3A_62, %mul3A_143 : i32
        %add3A_145 = arith.constant 7680 : i32
        %add3A_146 = arith.addi %add3A_145, %mul3A_144 : i32
        %get3A_147 = arith.index_cast %add3A_146 : i32 to index
        %get3A_148 = tpu.vector_load %arg17[%get3A_147] {strides = array<i32>} : memref<10240xi32, #tpu.memory_space<vmem>>, vector<16xi32>,
        %add3A_149 = arith.addi %add3A_142, %get3A_148 : vector<16xi32>
        %mul3A_150 = arith.constant 16 : i32
        %mul3A_151 = arith.muli %scan3A_62, %mul3A_150 : i32
        %add3A_152 = arith.constant 8320 : i32
        %add3A_153 = arith.addi %add3A_152, %mul3A_151 : i32
        %get3A_154 = arith.index_cast %add3A_153 : i32 to index
        %get3A_155 = tpu.vector_load %arg17[%get3A_154] {strides = array<i32>} : memref<10240xi32, #tpu.memory_space<vmem>>, vector<16xi32>,
        %add3A_156 = arith.addi %add3A_149, %get3A_155 : vector<16xi32>
        %mul3A_157 = arith.constant 16 : i32
        %mul3A_158 = arith.muli %scan3A_62, %mul3A_157 : i32
        %add3A_159 = arith.constant 8960 : i32
        %add3A_160 = arith.addi %add3A_159, %mul3A_158 : i32
        %get3A_161 = arith.index_cast %add3A_160 : i32 to index
        %get3A_162 = tpu.vector_load %arg17[%get3A_161] {strides = array<i32>} : memref<10240xi32, #tpu.memory_space<vmem>>, vector<16xi32>,
        %add3A_163 = arith.addi %add3A_156, %get3A_162 : vector<16xi32>
        %mul3A_164 = arith.constant 16 : i32
        %mul3A_165 = arith.muli %scan3A_62, %mul3A_164 : i32
        %add3A_166 = arith.constant 9600 : i32
        %add3A_167 = arith.addi %add3A_166, %mul3A_165 : i32
        %get3A_168 = arith.index_cast %add3A_167 : i32 to index
        %get3A_169 = tpu.vector_load %arg17[%get3A_168] {strides = array<i32>} : memref<10240xi32, #tpu.memory_space<vmem>>, vector<16xi32>,
        %add3A_170 = arith.addi %add3A_163, %get3A_169 : vector<16xi32>
        %convert_element_type3A_171 = arith.sitofp %add3A_170 : vector<16xi32> to vector<16xf32>
        %mul3A_172 = arith.constant 16 : i32
        %mul3A_173 = arith.muli %scan3A_62, %mul3A_172 : i32
        %swap3A = arith.index_cast %mul3A_173 : i32 to index
        %swap3A_174 = tpu.vector_load %arg18[%swap3A] {strides = array<i32>} : memref<640xf32, #tpu.memory_space<vmem>>, vector<16xf32>,
        tpu.vector_store %arg18[%swap3A], %convert_element_type3A_171 {strides = array<i32>} : memref<640xf32, #tpu.memory_space<vmem>>, vector<16xf32>,
      }
      %scan3A_61 = arith.constant 40 : i32
      "tpu.region"() ({
        %run_scoped3A = tpu.sem_alloc : memref<!tpu.dma_semaphore, #tpu.memory_space<semaphore_mem>>
        %dma_start3A = arith.constant 0 : i32
        %dma_start3A_62 = tpu.memref_slice %arg18[%dma_start3A] : memref<640xf32, #tpu.memory_space<vmem>> -> memref<640xf32, #tpu.memory_space<vmem>>
        %dma_start3A_63 = tpu.memref_slice %arg10[%mul3A_0] : memref<10240xf32, #tpu.memory_space<hbm>> -> memref<640xf32, #tpu.memory_space<hbm>>
        %dma_start3A_64 = tpu.memref_slice %arg10[%mul3A_0] : memref<10240xf32, #tpu.memory_space<hbm>> -> memref<640xf32, #tpu.memory_space<hbm>>
        %dma_start3A_65 = arith.constant 0 : i32
        %dma_start3A_66 = tpu.memref_slice %arg18[%dma_start3A_65] : memref<640xf32, #tpu.memory_space<vmem>> -> memref<640xf32, #tpu.memory_space<vmem>>
        tpu.enqueue_dma source(%dma_start3A_66 : memref<640xf32, #tpu.memory_space<vmem>>) target(%dma_start3A_64 : memref<640xf32, #tpu.memory_space<hbm>>) target_semaphore(%run_scoped3A : memref<!tpu.dma_semaphore, #tpu.memory_space<semaphore_mem>>)
        %dma_wait3A = arith.constant 0 : i32
        %dma_wait3A_67 = tpu.memref_slice %arg18[%dma_wait3A] : memref<640xf32, #tpu.memory_space<vmem>> -> memref<640xf32, #tpu.memory_space<vmem>>
        %dma_wait3A_68 = tpu.memref_slice %arg10[%mul3A_0] : memref<10240xf32, #tpu.memory_space<hbm>> -> memref<640xf32, #tpu.memory_space<hbm>>
        %dma_wait3A_69 = tpu.memref_slice %arg10[%mul3A_0] : memref<10240xf32, #tpu.memory_space<hbm>> -> memref<640xf32, #tpu.memory_space<hbm>>
        %dma_wait3A_70 = arith.constant 0 : i32
        %dma_wait3A_71 = tpu.memref_slice %arg18[%dma_wait3A_70] : memref<640xf32, #tpu.memory_space<vmem>> -> memref<640xf32, #tpu.memory_space<vmem>>
        tpu.wait_dma2 semaphore(%run_scoped3A : memref<!tpu.dma_semaphore, #tpu.memory_space<semaphore_mem>>) src(%dma_wait3A_71 : memref<640xf32, #tpu.memory_space<vmem>>) dst(%dma_wait3A_69 : memref<640xf32, #tpu.memory_space<hbm>>)
        tpu.yield
      }) : () -> ()
    } else {
    }
    return
  }
}

#map = affine_map<(d0, d1) -> (0, 0)>
#map1 = affine_map<(d0, d1) -> (0)>
module attributes {stable_mosaic.version = 14 : i64} {
  func.func @agg(%arg0: i32, %arg1: i32, %arg2: memref<10000x128xf32, #tpu.memory_space<hbm>>, %arg3: memref<10000x128xf32, #tpu.memory_space<hbm>>, %arg4: memref<1280000xi32, #tpu.memory_space<hbm>>, %arg5: memref<1280000xi32, #tpu.memory_space<hbm>>, %arg6: memref<10240x128xf32, #tpu.memory_space<hbm>>, %arg7: memref<10240x128xf32, #tpu.memory_space<hbm>>, %arg8: memref<10240x128xf32, #tpu.memory_space<hbm>>, %arg9: memref<80xi32, #tpu.memory_space<vmem>>, %arg10: memref<80xi32, #tpu.memory_space<vmem>>, %arg11: memref<80x128xf32, #tpu.memory_space<vmem>>, %arg12: memref<10240x128xf32, #tpu.memory_space<vmem_shared>>, %arg13: memref<!tpu.dma_semaphore, #tpu.memory_space<semaphore_mem>>) attributes {dimension_semantics = [#tpu.dimension_semantics<core_parallel>, #tpu.dimension_semantics<subcore_parallel>], iteration_bounds = array<i64: 2, 16>, scalar_prefetch = 0 : i64, scratch_operands = 5 : i64, tpu.core_type = #tpu.core_type<sc_vector_subcore>, window_params = [{transform_indices = #map}, {transform_indices = #map}, {transform_indices = #map1}, {transform_indices = #map1}, {transform_indices = #map}, {transform_indices = #map}, {transform_indices = #map}]} {
    %mul3A = arith.constant 640 : i32
    %mul3A_0 = arith.muli %arg1, %mul3A : i32
    "tpu.region"() ({
      %run_scoped3A = tpu.sem_alloc : memref<!tpu.dma_semaphore, #tpu.memory_space<semaphore_mem>>
      %dma_start3A = arith.constant 0 : i32
      %dma_start3A_8 = tpu.memref_slice %arg12[%mul3A_0, %dma_start3A] : memref<10240x128xf32, #tpu.memory_space<vmem_shared>> -> memref<640x128xf32, #tpu.memory_space<vmem_shared>>
      %dma_start3A_9 = arith.constant 0 : i32
      %dma_start3A_10 = tpu.memref_slice %arg6[%mul3A_0, %dma_start3A_9] : memref<10240x128xf32, #tpu.memory_space<hbm>> -> memref<640x128xf32, #tpu.memory_space<hbm>>
      tpu.enqueue_dma source(%dma_start3A_10 : memref<640x128xf32, #tpu.memory_space<hbm>>) target(%dma_start3A_8 : memref<640x128xf32, #tpu.memory_space<vmem_shared>>) target_semaphore(%run_scoped3A : memref<!tpu.dma_semaphore, #tpu.memory_space<semaphore_mem>>)
      %dma_wait3A = arith.constant 0 : i32
      %dma_wait3A_11 = tpu.memref_slice %arg12[%mul3A_0, %dma_wait3A] : memref<10240x128xf32, #tpu.memory_space<vmem_shared>> -> memref<640x128xf32, #tpu.memory_space<vmem_shared>>
      %dma_wait3A_12 = arith.constant 0 : i32
      %dma_wait3A_13 = tpu.memref_slice %arg6[%mul3A_0, %dma_wait3A_12] : memref<10240x128xf32, #tpu.memory_space<hbm>> -> memref<640x128xf32, #tpu.memory_space<hbm>>
      tpu.wait_dma2 semaphore(%run_scoped3A : memref<!tpu.dma_semaphore, #tpu.memory_space<semaphore_mem>>) src(%dma_wait3A_13 : memref<640x128xf32, #tpu.memory_space<hbm>>) dst(%dma_wait3A_11 : memref<640x128xf32, #tpu.memory_space<vmem_shared>>)
      tpu.yield
    }) : () -> ()
    %barrier3A = arith.constant 0 : index
    tpu.barrier barrier_id(%barrier3A)
    %eq3A = arith.constant 0 : i32
    %eq3A_1 = arith.cmpi eq, %arg0, %eq3A : i32
    %convert_element_type3A = arith.extui %eq3A_1 : i1 to i32
    %cond3A = arith.constant 0 : i32
    %cond3A_2 = arith.cmpi ne, %convert_element_type3A, %cond3A : i32
    scf.if %cond3A_2 {
      %mul3A_8 = arith.constant 40000 : i32
      %mul3A_9 = arith.muli %arg1, %mul3A_8 : i32
      %scan3A = arith.constant 0 : i32
      %scan3A_10 = arith.constant 0 : i32
      %scan3A_11 = arith.constant 500 : i32
      %scan3A_12 = arith.addi %scan3A_10, %scan3A_11 : i32
      %scan3A_13 = arith.constant 1 : i32
      scf.for %scan3A_16 = %scan3A_10 to %scan3A_12 step %scan3A_13  : i32 {
        %mul3A_17 = arith.constant 80 : i32
        %mul3A_18 = arith.muli %scan3A_16, %mul3A_17 : i32
        %add3A = arith.addi %mul3A_9, %mul3A_18 : i32
        "tpu.region"() ({
          %run_scoped3A = tpu.sem_alloc : memref<!tpu.dma_semaphore, #tpu.memory_space<semaphore_mem>>
          %dma_start3A_25 = tpu.memref_slice %arg4[%add3A] : memref<1280000xi32, #tpu.memory_space<hbm>> -> memref<80xi32, #tpu.memory_space<hbm>>
          %dma_start3A_26 = tpu.memref_slice %arg4[%add3A] : memref<1280000xi32, #tpu.memory_space<hbm>> -> memref<80xi32, #tpu.memory_space<hbm>>
          tpu.enqueue_dma source(%dma_start3A_26 : memref<80xi32, #tpu.memory_space<hbm>>) target(%arg9 : memref<80xi32, #tpu.memory_space<vmem>>) target_semaphore(%run_scoped3A : memref<!tpu.dma_semaphore, #tpu.memory_space<semaphore_mem>>)
          %dma_wait3A_27 = tpu.memref_slice %arg4[%add3A] : memref<1280000xi32, #tpu.memory_space<hbm>> -> memref<80xi32, #tpu.memory_space<hbm>>
          %dma_wait3A_28 = tpu.memref_slice %arg4[%add3A] : memref<1280000xi32, #tpu.memory_space<hbm>> -> memref<80xi32, #tpu.memory_space<hbm>>
          tpu.wait_dma2 semaphore(%run_scoped3A : memref<!tpu.dma_semaphore, #tpu.memory_space<semaphore_mem>>) src(%dma_wait3A_28 : memref<80xi32, #tpu.memory_space<hbm>>) dst(%arg9 : memref<80xi32, #tpu.memory_space<vmem>>)
          tpu.yield
        }) : () -> ()
        %add3A_19 = arith.constant 640000 : i32
        %add3A_20 = arith.addi %add3A_19, %add3A : i32
        "tpu.region"() ({
          %run_scoped3A = tpu.sem_alloc : memref<!tpu.dma_semaphore, #tpu.memory_space<semaphore_mem>>
          %dma_start3A_25 = tpu.memref_slice %arg4[%add3A_20] : memref<1280000xi32, #tpu.memory_space<hbm>> -> memref<80xi32, #tpu.memory_space<hbm>>
          %dma_start3A_26 = tpu.memref_slice %arg4[%add3A_20] : memref<1280000xi32, #tpu.memory_space<hbm>> -> memref<80xi32, #tpu.memory_space<hbm>>
          tpu.enqueue_dma source(%dma_start3A_26 : memref<80xi32, #tpu.memory_space<hbm>>) target(%arg10 : memref<80xi32, #tpu.memory_space<vmem>>) target_semaphore(%run_scoped3A : memref<!tpu.dma_semaphore, #tpu.memory_space<semaphore_mem>>)
          %dma_wait3A_27 = tpu.memref_slice %arg4[%add3A_20] : memref<1280000xi32, #tpu.memory_space<hbm>> -> memref<80xi32, #tpu.memory_space<hbm>>
          %dma_wait3A_28 = tpu.memref_slice %arg4[%add3A_20] : memref<1280000xi32, #tpu.memory_space<hbm>> -> memref<80xi32, #tpu.memory_space<hbm>>
          tpu.wait_dma2 semaphore(%run_scoped3A : memref<!tpu.dma_semaphore, #tpu.memory_space<semaphore_mem>>) src(%dma_wait3A_28 : memref<80xi32, #tpu.memory_space<hbm>>) dst(%arg10 : memref<80xi32, #tpu.memory_space<vmem>>)
          tpu.yield
        }) : () -> ()
        %dma_start3A = arith.constant 0 : i32
        %dma_start3A_21 = arith.constant 0 : i32
        %dma_start3A_22 = tpu.memref_slice %arg2[%dma_start3A, %dma_start3A_21] : memref<10000x128xf32, #tpu.memory_space<hbm>> -> memref<10000x128xf32, #tpu.memory_space<hbm>>
        tpu.enqueue_indirect_dma source(%dma_start3A_22 : memref<10000x128xf32, #tpu.memory_space<hbm>>) target(%arg11 : memref<80x128xf32, #tpu.memory_space<vmem>>) offsets(%arg9 : memref<80xi32, #tpu.memory_space<vmem>>) semaphore(%arg13 : memref<!tpu.dma_semaphore, #tpu.memory_space<semaphore_mem>>)
        %dma_wait3A = arith.constant 0 : i32
        %dma_wait3A_23 = arith.constant 0 : i32
        %dma_wait3A_24 = tpu.memref_slice %arg2[%dma_wait3A, %dma_wait3A_23] : memref<10000x128xf32, #tpu.memory_space<hbm>> -> memref<10000x128xf32, #tpu.memory_space<hbm>>
        tpu.wait_indirect_dma semaphore(%arg13 : memref<!tpu.dma_semaphore, #tpu.memory_space<semaphore_mem>>) src(%dma_wait3A_24 : memref<10000x128xf32, #tpu.memory_space<hbm>>) dst(%arg11 : memref<80x128xf32, #tpu.memory_space<vmem>>)
        "tpu.region"() ({
          %run_scoped3A = tpu.sem_alloc : memref<!tpu.dma_semaphore, #tpu.memory_space<semaphore_mem>>
          %dma_start3A_25 = arith.constant 0 : i32
          %dma_start3A_26 = arith.constant 0 : i32
          %dma_start3A_27 = tpu.memref_slice %arg12[%dma_start3A_25, %dma_start3A_26] : memref<10240x128xf32, #tpu.memory_space<vmem_shared>> -> memref<10240x128xf32, #tpu.memory_space<vmem_shared>>
          tpu.enqueue_indirect_dma source(%arg11 : memref<80x128xf32, #tpu.memory_space<vmem>>) target(%dma_start3A_27 : memref<10240x128xf32, #tpu.memory_space<vmem_shared>>) offsets(%arg10 : memref<80xi32, #tpu.memory_space<vmem>>) semaphore(%run_scoped3A : memref<!tpu.dma_semaphore, #tpu.memory_space<semaphore_mem>>) {add = true}
          %dma_wait3A_28 = arith.constant 0 : i32
          %dma_wait3A_29 = arith.constant 0 : i32
          %dma_wait3A_30 = tpu.memref_slice %arg12[%dma_wait3A_28, %dma_wait3A_29] : memref<10240x128xf32, #tpu.memory_space<vmem_shared>> -> memref<10240x128xf32, #tpu.memory_space<vmem_shared>>
          tpu.wait_indirect_dma semaphore(%run_scoped3A : memref<!tpu.dma_semaphore, #tpu.memory_space<semaphore_mem>>) src(%arg11 : memref<80x128xf32, #tpu.memory_space<vmem>>) dst(%dma_wait3A_30 : memref<10240x128xf32, #tpu.memory_space<vmem_shared>>)
          tpu.yield
        }) : () -> ()
      }
      %scan3A_14 = arith.constant 500 : i32
      %barrier3A_15 = arith.constant 0 : index
      tpu.barrier barrier_id(%barrier3A_15)
      "tpu.region"() ({
        %run_scoped3A = tpu.sem_alloc : memref<!tpu.dma_semaphore, #tpu.memory_space<semaphore_mem>>
        %dma_start3A = arith.constant 0 : i32
        %dma_start3A_16 = tpu.memref_slice %arg7[%mul3A_0, %dma_start3A] : memref<10240x128xf32, #tpu.memory_space<hbm>> -> memref<640x128xf32, #tpu.memory_space<hbm>>
        %dma_start3A_17 = arith.constant 0 : i32
        %dma_start3A_18 = tpu.memref_slice %arg12[%mul3A_0, %dma_start3A_17] : memref<10240x128xf32, #tpu.memory_space<vmem_shared>> -> memref<640x128xf32, #tpu.memory_space<vmem_shared>>
        tpu.enqueue_dma source(%dma_start3A_18 : memref<640x128xf32, #tpu.memory_space<vmem_shared>>) target(%dma_start3A_16 : memref<640x128xf32, #tpu.memory_space<hbm>>) target_semaphore(%run_scoped3A : memref<!tpu.dma_semaphore, #tpu.memory_space<semaphore_mem>>)
        %dma_wait3A = arith.constant 0 : i32
        %dma_wait3A_19 = tpu.memref_slice %arg7[%mul3A_0, %dma_wait3A] : memref<10240x128xf32, #tpu.memory_space<hbm>> -> memref<640x128xf32, #tpu.memory_space<hbm>>
        %dma_wait3A_20 = arith.constant 0 : i32
        %dma_wait3A_21 = tpu.memref_slice %arg12[%mul3A_0, %dma_wait3A_20] : memref<10240x128xf32, #tpu.memory_space<vmem_shared>> -> memref<640x128xf32, #tpu.memory_space<vmem_shared>>
        tpu.wait_dma2 semaphore(%run_scoped3A : memref<!tpu.dma_semaphore, #tpu.memory_space<semaphore_mem>>) src(%dma_wait3A_21 : memref<640x128xf32, #tpu.memory_space<vmem_shared>>) dst(%dma_wait3A_19 : memref<640x128xf32, #tpu.memory_space<hbm>>)
        tpu.yield
      }) : () -> ()
    } else {
    }
    %eq3A_3 = arith.constant 1 : i32
    %eq3A_4 = arith.cmpi eq, %arg0, %eq3A_3 : i32
    %convert_element_type3A_5 = arith.extui %eq3A_4 : i1 to i32
    %cond3A_6 = arith.constant 0 : i32
    %cond3A_7 = arith.cmpi ne, %convert_element_type3A_5, %cond3A_6 : i32
    scf.if %cond3A_7 {
      %mul3A_8 = arith.constant 40000 : i32
      %mul3A_9 = arith.muli %arg1, %mul3A_8 : i32
      %scan3A = arith.constant 0 : i32
      %scan3A_10 = arith.constant 0 : i32
      %scan3A_11 = arith.constant 500 : i32
      %scan3A_12 = arith.addi %scan3A_10, %scan3A_11 : i32
      %scan3A_13 = arith.constant 1 : i32
      scf.for %scan3A_16 = %scan3A_10 to %scan3A_12 step %scan3A_13  : i32 {
        %mul3A_17 = arith.constant 80 : i32
        %mul3A_18 = arith.muli %scan3A_16, %mul3A_17 : i32
        %add3A = arith.addi %mul3A_9, %mul3A_18 : i32
        "tpu.region"() ({
          %run_scoped3A = tpu.sem_alloc : memref<!tpu.dma_semaphore, #tpu.memory_space<semaphore_mem>>
          %dma_start3A_25 = tpu.memref_slice %arg5[%add3A] : memref<1280000xi32, #tpu.memory_space<hbm>> -> memref<80xi32, #tpu.memory_space<hbm>>
          %dma_start3A_26 = tpu.memref_slice %arg5[%add3A] : memref<1280000xi32, #tpu.memory_space<hbm>> -> memref<80xi32, #tpu.memory_space<hbm>>
          tpu.enqueue_dma source(%dma_start3A_26 : memref<80xi32, #tpu.memory_space<hbm>>) target(%arg9 : memref<80xi32, #tpu.memory_space<vmem>>) target_semaphore(%run_scoped3A : memref<!tpu.dma_semaphore, #tpu.memory_space<semaphore_mem>>)
          %dma_wait3A_27 = tpu.memref_slice %arg5[%add3A] : memref<1280000xi32, #tpu.memory_space<hbm>> -> memref<80xi32, #tpu.memory_space<hbm>>
          %dma_wait3A_28 = tpu.memref_slice %arg5[%add3A] : memref<1280000xi32, #tpu.memory_space<hbm>> -> memref<80xi32, #tpu.memory_space<hbm>>
          tpu.wait_dma2 semaphore(%run_scoped3A : memref<!tpu.dma_semaphore, #tpu.memory_space<semaphore_mem>>) src(%dma_wait3A_28 : memref<80xi32, #tpu.memory_space<hbm>>) dst(%arg9 : memref<80xi32, #tpu.memory_space<vmem>>)
          tpu.yield
        }) : () -> ()
        %add3A_19 = arith.constant 640000 : i32
        %add3A_20 = arith.addi %add3A_19, %add3A : i32
        "tpu.region"() ({
          %run_scoped3A = tpu.sem_alloc : memref<!tpu.dma_semaphore, #tpu.memory_space<semaphore_mem>>
          %dma_start3A_25 = tpu.memref_slice %arg5[%add3A_20] : memref<1280000xi32, #tpu.memory_space<hbm>> -> memref<80xi32, #tpu.memory_space<hbm>>
          %dma_start3A_26 = tpu.memref_slice %arg5[%add3A_20] : memref<1280000xi32, #tpu.memory_space<hbm>> -> memref<80xi32, #tpu.memory_space<hbm>>
          tpu.enqueue_dma source(%dma_start3A_26 : memref<80xi32, #tpu.memory_space<hbm>>) target(%arg10 : memref<80xi32, #tpu.memory_space<vmem>>) target_semaphore(%run_scoped3A : memref<!tpu.dma_semaphore, #tpu.memory_space<semaphore_mem>>)
          %dma_wait3A_27 = tpu.memref_slice %arg5[%add3A_20] : memref<1280000xi32, #tpu.memory_space<hbm>> -> memref<80xi32, #tpu.memory_space<hbm>>
          %dma_wait3A_28 = tpu.memref_slice %arg5[%add3A_20] : memref<1280000xi32, #tpu.memory_space<hbm>> -> memref<80xi32, #tpu.memory_space<hbm>>
          tpu.wait_dma2 semaphore(%run_scoped3A : memref<!tpu.dma_semaphore, #tpu.memory_space<semaphore_mem>>) src(%dma_wait3A_28 : memref<80xi32, #tpu.memory_space<hbm>>) dst(%arg10 : memref<80xi32, #tpu.memory_space<vmem>>)
          tpu.yield
        }) : () -> ()
        %dma_start3A = arith.constant 0 : i32
        %dma_start3A_21 = arith.constant 0 : i32
        %dma_start3A_22 = tpu.memref_slice %arg3[%dma_start3A, %dma_start3A_21] : memref<10000x128xf32, #tpu.memory_space<hbm>> -> memref<10000x128xf32, #tpu.memory_space<hbm>>
        tpu.enqueue_indirect_dma source(%dma_start3A_22 : memref<10000x128xf32, #tpu.memory_space<hbm>>) target(%arg11 : memref<80x128xf32, #tpu.memory_space<vmem>>) offsets(%arg9 : memref<80xi32, #tpu.memory_space<vmem>>) semaphore(%arg13 : memref<!tpu.dma_semaphore, #tpu.memory_space<semaphore_mem>>)
        %dma_wait3A = arith.constant 0 : i32
        %dma_wait3A_23 = arith.constant 0 : i32
        %dma_wait3A_24 = tpu.memref_slice %arg3[%dma_wait3A, %dma_wait3A_23] : memref<10000x128xf32, #tpu.memory_space<hbm>> -> memref<10000x128xf32, #tpu.memory_space<hbm>>
        tpu.wait_indirect_dma semaphore(%arg13 : memref<!tpu.dma_semaphore, #tpu.memory_space<semaphore_mem>>) src(%dma_wait3A_24 : memref<10000x128xf32, #tpu.memory_space<hbm>>) dst(%arg11 : memref<80x128xf32, #tpu.memory_space<vmem>>)
        "tpu.region"() ({
          %run_scoped3A = tpu.sem_alloc : memref<!tpu.dma_semaphore, #tpu.memory_space<semaphore_mem>>
          %dma_start3A_25 = arith.constant 0 : i32
          %dma_start3A_26 = arith.constant 0 : i32
          %dma_start3A_27 = tpu.memref_slice %arg12[%dma_start3A_25, %dma_start3A_26] : memref<10240x128xf32, #tpu.memory_space<vmem_shared>> -> memref<10240x128xf32, #tpu.memory_space<vmem_shared>>
          tpu.enqueue_indirect_dma source(%arg11 : memref<80x128xf32, #tpu.memory_space<vmem>>) target(%dma_start3A_27 : memref<10240x128xf32, #tpu.memory_space<vmem_shared>>) offsets(%arg10 : memref<80xi32, #tpu.memory_space<vmem>>) semaphore(%run_scoped3A : memref<!tpu.dma_semaphore, #tpu.memory_space<semaphore_mem>>) {add = true}
          %dma_wait3A_28 = arith.constant 0 : i32
          %dma_wait3A_29 = arith.constant 0 : i32
          %dma_wait3A_30 = tpu.memref_slice %arg12[%dma_wait3A_28, %dma_wait3A_29] : memref<10240x128xf32, #tpu.memory_space<vmem_shared>> -> memref<10240x128xf32, #tpu.memory_space<vmem_shared>>
          tpu.wait_indirect_dma semaphore(%run_scoped3A : memref<!tpu.dma_semaphore, #tpu.memory_space<semaphore_mem>>) src(%arg11 : memref<80x128xf32, #tpu.memory_space<vmem>>) dst(%dma_wait3A_30 : memref<10240x128xf32, #tpu.memory_space<vmem_shared>>)
          tpu.yield
        }) : () -> ()
      }
      %scan3A_14 = arith.constant 500 : i32
      %barrier3A_15 = arith.constant 0 : index
      tpu.barrier barrier_id(%barrier3A_15)
      "tpu.region"() ({
        %run_scoped3A = tpu.sem_alloc : memref<!tpu.dma_semaphore, #tpu.memory_space<semaphore_mem>>
        %dma_start3A = arith.constant 0 : i32
        %dma_start3A_16 = tpu.memref_slice %arg8[%mul3A_0, %dma_start3A] : memref<10240x128xf32, #tpu.memory_space<hbm>> -> memref<640x128xf32, #tpu.memory_space<hbm>>
        %dma_start3A_17 = arith.constant 0 : i32
        %dma_start3A_18 = tpu.memref_slice %arg12[%mul3A_0, %dma_start3A_17] : memref<10240x128xf32, #tpu.memory_space<vmem_shared>> -> memref<640x128xf32, #tpu.memory_space<vmem_shared>>
        tpu.enqueue_dma source(%dma_start3A_18 : memref<640x128xf32, #tpu.memory_space<vmem_shared>>) target(%dma_start3A_16 : memref<640x128xf32, #tpu.memory_space<hbm>>) target_semaphore(%run_scoped3A : memref<!tpu.dma_semaphore, #tpu.memory_space<semaphore_mem>>)
        %dma_wait3A = arith.constant 0 : i32
        %dma_wait3A_19 = tpu.memref_slice %arg8[%mul3A_0, %dma_wait3A] : memref<10240x128xf32, #tpu.memory_space<hbm>> -> memref<640x128xf32, #tpu.memory_space<hbm>>
        %dma_wait3A_20 = arith.constant 0 : i32
        %dma_wait3A_21 = tpu.memref_slice %arg12[%mul3A_0, %dma_wait3A_20] : memref<10240x128xf32, #tpu.memory_space<vmem_shared>> -> memref<640x128xf32, #tpu.memory_space<vmem_shared>>
        tpu.wait_dma2 semaphore(%run_scoped3A : memref<!tpu.dma_semaphore, #tpu.memory_space<semaphore_mem>>) src(%dma_wait3A_21 : memref<640x128xf32, #tpu.memory_space<vmem_shared>>) dst(%dma_wait3A_19 : memref<640x128xf32, #tpu.memory_space<hbm>>)
        tpu.yield
      }) : () -> ()
    } else {
    }
    return
  }
}

module attributes {stable_mosaic.version = 14 : i64} {
  func.func @_proj_body(%arg0: i32, %arg1: memref<2000x128xf32, #tpu.memory_space<vmem>>, %arg2: memref<128x128xf32, #tpu.memory_space<vmem>>, %arg3: memref<1x128xf32, #tpu.memory_space<vmem>>, %arg4: memref<2000x128xf32, #tpu.memory_space<vmem>>) attributes {dimension_semantics = [#tpu.dimension_semantics<arbitrary>], iteration_bounds = array<i64: 5>, scalar_prefetch = 0 : i64, scratch_operands = 0 : i64, tpu.core_type = #tpu.core_type<tc>, window_params = [{transform_indices = @transform_0, window_bounds = array<i64: 2000, 128>}, {pipeline_mode = #tpu.pipeline_mode<synchronous>, transform_indices = @transform_1, window_bounds = array<i64: 128, 128>}, {pipeline_mode = #tpu.pipeline_mode<synchronous>, transform_indices = @transform_2, window_bounds = array<i64: 1, 128>}, {transform_indices = @transform_3, window_bounds = array<i64: 2000, 128>}]} {
    %get3A = arith.constant 0 : index
    %get3A_0 = arith.constant 0 : index
    %get3A_1 = vector.load %arg1[%get3A, %get3A_0] : memref<2000x128xf32, #tpu.memory_space<vmem>>, vector<2000x128xf32>
    %get3A_2 = arith.constant 0 : index
    %get3A_3 = arith.constant 0 : index
    %get3A_4 = vector.load %arg2[%get3A_2, %get3A_3] : memref<128x128xf32, #tpu.memory_space<vmem>>, vector<128x128xf32>
    %dot_general3A = arith.constant dense<0.000000e+00> : vector<2000x128xf32>
    %dot_general3A_5 = tpu.matmul %get3A_1, %get3A_4, %dot_general3A {dimension_numbers = #tpu.dot_dimension_numbers<[1], [0], [0], [1], [0, 0, 1, 1], [], []>, transpose_lhs_hint = false} : vector<2000x128xf32>, vector<128x128xf32>, vector<2000x128xf32> -> vector<2000x128xf32>
    %get3A_6 = arith.constant 0 : index
    %get3A_7 = arith.constant 0 : index
    %get3A_8 = vector.load %arg3[%get3A_6, %get3A_7] : memref<1x128xf32, #tpu.memory_space<vmem>>, vector<1x128xf32>
    %add3A = vector.broadcast %get3A_8 : vector<1x128xf32> to vector<2000x128xf32>
    %add3A_9 = arith.addf %dot_general3A_5, %add3A : vector<2000x128xf32>
    %swap3A = arith.constant 0 : index
    %swap3A_10 = arith.constant 0 : index
    %swap3A_11 = vector.load %arg4[%swap3A, %swap3A_10] : memref<2000x128xf32, #tpu.memory_space<vmem>>, vector<2000x128xf32>
    tpu.vector_store %arg4[%swap3A, %swap3A_10], %add3A_9 {strides = array<i32>} : memref<2000x128xf32, #tpu.memory_space<vmem>>, vector<2000x128xf32>,
    return
  }
  func.func @transform_0(%arg0: i32) -> (i32, i32) {
    %c0_i32 = arith.constant 0 : i32
    %c0_i32_0 = arith.constant 0 : i32
    return %arg0, %c0_i32 : i32, i32
  }
  func.func @transform_1(%arg0: i32) -> (i32, i32) {
    %c0_i32 = arith.constant 0 : i32
    %c0_i32_0 = arith.constant 0 : i32
    %c0_i32_1 = arith.constant 0 : i32
    return %c0_i32, %c0_i32_0 : i32, i32
  }
  func.func @transform_2(%arg0: i32) -> (i32, i32) {
    %c0_i32 = arith.constant 0 : i32
    %c0_i32_0 = arith.constant 0 : i32
    %c0_i32_1 = arith.constant 0 : i32
    return %c0_i32, %c0_i32_0 : i32, i32
  }
  func.func @transform_3(%arg0: i32) -> (i32, i32) {
    %c0_i32 = arith.constant 0 : i32
    %c0_i32_0 = arith.constant 0 : i32
    return %arg0, %c0_i32 : i32, i32
  }
}

module attributes {stable_mosaic.version = 14 : i64} {
  func.func @_update_body(%arg0: i32, %arg1: memref<2000x128xf32, #tpu.memory_space<vmem>>, %arg2: memref<2000x1xf32, #tpu.memory_space<vmem>>, %arg3: memref<2000x128xf32, #tpu.memory_space<vmem>>, %arg4: memref<128x128xf32, #tpu.memory_space<vmem>>, %arg5: memref<1x128xf32, #tpu.memory_space<vmem>>, %arg6: memref<128x128xf32, #tpu.memory_space<vmem>>, %arg7: memref<2000x128xf32, #tpu.memory_space<vmem>>) attributes {dimension_semantics = [#tpu.dimension_semantics<arbitrary>], iteration_bounds = array<i64: 5>, scalar_prefetch = 0 : i64, scratch_operands = 0 : i64, tpu.core_type = #tpu.core_type<tc>, window_params = [{transform_indices = @transform_0, window_bounds = array<i64: 2000, 128>}, {transform_indices = @transform_1, window_bounds = array<i64: 2000, 1>}, {transform_indices = @transform_2, window_bounds = array<i64: 2000, 128>}, {pipeline_mode = #tpu.pipeline_mode<synchronous>, transform_indices = @transform_3, window_bounds = array<i64: 128, 128>}, {pipeline_mode = #tpu.pipeline_mode<synchronous>, transform_indices = @transform_4, window_bounds = array<i64: 1, 128>}, {pipeline_mode = #tpu.pipeline_mode<synchronous>, transform_indices = @transform_5, window_bounds = array<i64: 128, 128>}, {transform_indices = @transform_6, window_bounds = array<i64: 2000, 128>}]} {
    %get3A = arith.constant 0 : index
    %get3A_0 = arith.constant 0 : index
    %get3A_1 = vector.load %arg1[%get3A, %get3A_0] : memref<2000x128xf32, #tpu.memory_space<vmem>>, vector<2000x128xf32>
    %get3A_2 = arith.constant 0 : index
    %get3A_3 = arith.constant 0 : index
    %get3A_4 = vector.load %arg2[%get3A_2, %get3A_3] : memref<2000x1xf32, #tpu.memory_space<vmem>>, vector<2000x1xf32>
    %max3A = arith.constant 1.000000e+00 : f32
    %max3A_5 = vector.broadcast %max3A : f32 to vector<2000x1xf32>
    %max3A_6 = arith.maximumf %get3A_4, %max3A_5 : vector<2000x1xf32>
    %div3A = vector.broadcast %max3A_6 : vector<2000x1xf32> to vector<2000x128xf32>
    %div3A_7 = arith.divf %get3A_1, %div3A : vector<2000x128xf32>
    %get3A_8 = arith.constant 0 : index
    %get3A_9 = arith.constant 0 : index
    %get3A_10 = vector.load %arg4[%get3A_8, %get3A_9] : memref<128x128xf32, #tpu.memory_space<vmem>>, vector<128x128xf32>
    %dot_general3A = arith.constant dense<0.000000e+00> : vector<2000x128xf32>
    %dot_general3A_11 = tpu.matmul %div3A_7, %get3A_10, %dot_general3A {dimension_numbers = #tpu.dot_dimension_numbers<[1], [0], [0], [1], [0, 0, 1, 1], [], []>, transpose_lhs_hint = false} : vector<2000x128xf32>, vector<128x128xf32>, vector<2000x128xf32> -> vector<2000x128xf32>
    %get3A_12 = arith.constant 0 : index
    %get3A_13 = arith.constant 0 : index
    %get3A_14 = vector.load %arg5[%get3A_12, %get3A_13] : memref<1x128xf32, #tpu.memory_space<vmem>>, vector<1x128xf32>
    %add3A = vector.broadcast %get3A_14 : vector<1x128xf32> to vector<2000x128xf32>
    %add3A_15 = arith.addf %dot_general3A_11, %add3A : vector<2000x128xf32>
    %get3A_16 = arith.constant 0 : index
    %get3A_17 = arith.constant 0 : index
    %get3A_18 = vector.load %arg3[%get3A_16, %get3A_17] : memref<2000x128xf32, #tpu.memory_space<vmem>>, vector<2000x128xf32>
    %get3A_19 = arith.constant 0 : index
    %get3A_20 = arith.constant 0 : index
    %get3A_21 = vector.load %arg6[%get3A_19, %get3A_20] : memref<128x128xf32, #tpu.memory_space<vmem>>, vector<128x128xf32>
    %dot_general3A_22 = arith.constant dense<0.000000e+00> : vector<2000x128xf32>
    %dot_general3A_23 = tpu.matmul %get3A_18, %get3A_21, %dot_general3A_22 {dimension_numbers = #tpu.dot_dimension_numbers<[1], [0], [0], [1], [0, 0, 1, 1], [], []>, transpose_lhs_hint = false} : vector<2000x128xf32>, vector<128x128xf32>, vector<2000x128xf32> -> vector<2000x128xf32>
    %add3A_24 = arith.addf %add3A_15, %dot_general3A_23 : vector<2000x128xf32>
    %max3A_25 = arith.constant 0.000000e+00 : f32
    %max3A_26 = vector.broadcast %max3A_25 : f32 to vector<2000x128xf32>
    %max3A_27 = arith.maximumf %add3A_24, %max3A_26 : vector<2000x128xf32>
    %swap3A = arith.constant 0 : index
    %swap3A_28 = arith.constant 0 : index
    %swap3A_29 = vector.load %arg7[%swap3A, %swap3A_28] : memref<2000x128xf32, #tpu.memory_space<vmem>>, vector<2000x128xf32>
    tpu.vector_store %arg7[%swap3A, %swap3A_28], %max3A_27 {strides = array<i32>} : memref<2000x128xf32, #tpu.memory_space<vmem>>, vector<2000x128xf32>,
    return
  }
  func.func @transform_0(%arg0: i32) -> (i32, i32) {
    %c0_i32 = arith.constant 0 : i32
    %c0_i32_0 = arith.constant 0 : i32
    return %arg0, %c0_i32 : i32, i32
  }
  func.func @transform_1(%arg0: i32) -> (i32, i32) {
    %c0_i32 = arith.constant 0 : i32
    %c0_i32_0 = arith.constant 0 : i32
    return %arg0, %c0_i32 : i32, i32
  }
  func.func @transform_2(%arg0: i32) -> (i32, i32) {
    %c0_i32 = arith.constant 0 : i32
    %c0_i32_0 = arith.constant 0 : i32
    return %arg0, %c0_i32 : i32, i32
  }
  func.func @transform_3(%arg0: i32) -> (i32, i32) {
    %c0_i32 = arith.constant 0 : i32
    %c0_i32_0 = arith.constant 0 : i32
    %c0_i32_1 = arith.constant 0 : i32
    return %c0_i32, %c0_i32_0 : i32, i32
  }
  func.func @transform_4(%arg0: i32) -> (i32, i32) {
    %c0_i32 = arith.constant 0 : i32
    %c0_i32_0 = arith.constant 0 : i32
    %c0_i32_1 = arith.constant 0 : i32
    return %c0_i32, %c0_i32_0 : i32, i32
  }
  func.func @transform_5(%arg0: i32) -> (i32, i32) {
    %c0_i32 = arith.constant 0 : i32
    %c0_i32_0 = arith.constant 0 : i32
    %c0_i32_1 = arith.constant 0 : i32
    return %c0_i32, %c0_i32_0 : i32, i32
  }
  func.func @transform_6(%arg0: i32) -> (i32, i32) {
    %c0_i32 = arith.constant 0 : i32
    %c0_i32_0 = arith.constant 0 : i32
    return %arg0, %c0_i32 : i32, i32
  }
}

module attributes {stable_mosaic.version = 14 : i64} {
  func.func @_update_final_body(%arg0: i32, %arg1: memref<2000x128xf32, #tpu.memory_space<vmem>>, %arg2: memref<2000x1xf32, #tpu.memory_space<vmem>>, %arg3: memref<2000x128xf32, #tpu.memory_space<vmem>>, %arg4: memref<128x128xf32, #tpu.memory_space<vmem>>, %arg5: memref<1x128xf32, #tpu.memory_space<vmem>>, %arg6: memref<128x128xf32, #tpu.memory_space<vmem>>, %arg7: memref<128x128xf32, #tpu.memory_space<vmem>>, %arg8: memref<1x128xf32, #tpu.memory_space<vmem>>, %arg9: memref<2000x128xf32, #tpu.memory_space<vmem>>) attributes {dimension_semantics = [#tpu.dimension_semantics<arbitrary>], iteration_bounds = array<i64: 5>, scalar_prefetch = 0 : i64, scratch_operands = 0 : i64, tpu.core_type = #tpu.core_type<tc>, window_params = [{transform_indices = @transform_0, window_bounds = array<i64: 2000, 128>}, {transform_indices = @transform_1, window_bounds = array<i64: 2000, 1>}, {transform_indices = @transform_2, window_bounds = array<i64: 2000, 128>}, {pipeline_mode = #tpu.pipeline_mode<synchronous>, transform_indices = @transform_3, window_bounds = array<i64: 128, 128>}, {pipeline_mode = #tpu.pipeline_mode<synchronous>, transform_indices = @transform_4, window_bounds = array<i64: 1, 128>}, {pipeline_mode = #tpu.pipeline_mode<synchronous>, transform_indices = @transform_5, window_bounds = array<i64: 128, 128>}, {pipeline_mode = #tpu.pipeline_mode<synchronous>, transform_indices = @transform_6, window_bounds = array<i64: 128, 128>}, {pipeline_mode = #tpu.pipeline_mode<synchronous>, transform_indices = @transform_7, window_bounds = array<i64: 1, 128>}, {transform_indices = @transform_8, window_bounds = array<i64: 2000, 128>}]} {
    %get3A = arith.constant 0 : index
    %get3A_0 = arith.constant 0 : index
    %get3A_1 = vector.load %arg1[%get3A, %get3A_0] : memref<2000x128xf32, #tpu.memory_space<vmem>>, vector<2000x128xf32>
    %get3A_2 = arith.constant 0 : index
    %get3A_3 = arith.constant 0 : index
    %get3A_4 = vector.load %arg2[%get3A_2, %get3A_3] : memref<2000x1xf32, #tpu.memory_space<vmem>>, vector<2000x1xf32>
    %max3A = arith.constant 1.000000e+00 : f32
    %max3A_5 = vector.broadcast %max3A : f32 to vector<2000x1xf32>
    %max3A_6 = arith.maximumf %get3A_4, %max3A_5 : vector<2000x1xf32>
    %div3A = vector.broadcast %max3A_6 : vector<2000x1xf32> to vector<2000x128xf32>
    %div3A_7 = arith.divf %get3A_1, %div3A : vector<2000x128xf32>
    %get3A_8 = arith.constant 0 : index
    %get3A_9 = arith.constant 0 : index
    %get3A_10 = vector.load %arg4[%get3A_8, %get3A_9] : memref<128x128xf32, #tpu.memory_space<vmem>>, vector<128x128xf32>
    %dot_general3A = arith.constant dense<0.000000e+00> : vector<2000x128xf32>
    %dot_general3A_11 = tpu.matmul %div3A_7, %get3A_10, %dot_general3A {dimension_numbers = #tpu.dot_dimension_numbers<[1], [0], [0], [1], [0, 0, 1, 1], [], []>, transpose_lhs_hint = false} : vector<2000x128xf32>, vector<128x128xf32>, vector<2000x128xf32> -> vector<2000x128xf32>
    %get3A_12 = arith.constant 0 : index
    %get3A_13 = arith.constant 0 : index
    %get3A_14 = vector.load %arg5[%get3A_12, %get3A_13] : memref<1x128xf32, #tpu.memory_space<vmem>>, vector<1x128xf32>
    %add3A = vector.broadcast %get3A_14 : vector<1x128xf32> to vector<2000x128xf32>
    %add3A_15 = arith.addf %dot_general3A_11, %add3A : vector<2000x128xf32>
    %get3A_16 = arith.constant 0 : index
    %get3A_17 = arith.constant 0 : index
    %get3A_18 = vector.load %arg3[%get3A_16, %get3A_17] : memref<2000x128xf32, #tpu.memory_space<vmem>>, vector<2000x128xf32>
    %get3A_19 = arith.constant 0 : index
    %get3A_20 = arith.constant 0 : index
    %get3A_21 = vector.load %arg6[%get3A_19, %get3A_20] : memref<128x128xf32, #tpu.memory_space<vmem>>, vector<128x128xf32>
    %dot_general3A_22 = arith.constant dense<0.000000e+00> : vector<2000x128xf32>
    %dot_general3A_23 = tpu.matmul %get3A_18, %get3A_21, %dot_general3A_22 {dimension_numbers = #tpu.dot_dimension_numbers<[1], [0], [0], [1], [0, 0, 1, 1], [], []>, transpose_lhs_hint = false} : vector<2000x128xf32>, vector<128x128xf32>, vector<2000x128xf32> -> vector<2000x128xf32>
    %add3A_24 = arith.addf %add3A_15, %dot_general3A_23 : vector<2000x128xf32>
    %max3A_25 = arith.constant 0.000000e+00 : f32
    %max3A_26 = vector.broadcast %max3A_25 : f32 to vector<2000x128xf32>
    %max3A_27 = arith.maximumf %add3A_24, %max3A_26 : vector<2000x128xf32>
    %get3A_28 = arith.constant 0 : index
    %get3A_29 = arith.constant 0 : index
    %get3A_30 = vector.load %arg7[%get3A_28, %get3A_29] : memref<128x128xf32, #tpu.memory_space<vmem>>, vector<128x128xf32>
    %dot_general3A_31 = arith.constant dense<0.000000e+00> : vector<2000x128xf32>
    %dot_general3A_32 = tpu.matmul %max3A_27, %get3A_30, %dot_general3A_31 {dimension_numbers = #tpu.dot_dimension_numbers<[1], [0], [0], [1], [0, 0, 1, 1], [], []>, transpose_lhs_hint = false} : vector<2000x128xf32>, vector<128x128xf32>, vector<2000x128xf32> -> vector<2000x128xf32>
    %get3A_33 = arith.constant 0 : index
    %get3A_34 = arith.constant 0 : index
    %get3A_35 = vector.load %arg8[%get3A_33, %get3A_34] : memref<1x128xf32, #tpu.memory_space<vmem>>, vector<1x128xf32>
    %add3A_36 = vector.broadcast %get3A_35 : vector<1x128xf32> to vector<2000x128xf32>
    %add3A_37 = arith.addf %dot_general3A_32, %add3A_36 : vector<2000x128xf32>
    %swap3A = arith.constant 0 : index
    %swap3A_38 = arith.constant 0 : index
    %swap3A_39 = vector.load %arg9[%swap3A, %swap3A_38] : memref<2000x128xf32, #tpu.memory_space<vmem>>, vector<2000x128xf32>
    tpu.vector_store %arg9[%swap3A, %swap3A_38], %add3A_37 {strides = array<i32>} : memref<2000x128xf32, #tpu.memory_space<vmem>>, vector<2000x128xf32>,
    return
  }
  func.func @transform_0(%arg0: i32) -> (i32, i32) {
    %c0_i32 = arith.constant 0 : i32
    %c0_i32_0 = arith.constant 0 : i32
    return %arg0, %c0_i32 : i32, i32
  }
  func.func @transform_1(%arg0: i32) -> (i32, i32) {
    %c0_i32 = arith.constant 0 : i32
    %c0_i32_0 = arith.constant 0 : i32
    return %arg0, %c0_i32 : i32, i32
  }
  func.func @transform_2(%arg0: i32) -> (i32, i32) {
    %c0_i32 = arith.constant 0 : i32
    %c0_i32_0 = arith.constant 0 : i32
    return %arg0, %c0_i32 : i32, i32
  }
  func.func @transform_3(%arg0: i32) -> (i32, i32) {
    %c0_i32 = arith.constant 0 : i32
    %c0_i32_0 = arith.constant 0 : i32
    %c0_i32_1 = arith.constant 0 : i32
    return %c0_i32, %c0_i32_0 : i32, i32
  }
  func.func @transform_4(%arg0: i32) -> (i32, i32) {
    %c0_i32 = arith.constant 0 : i32
    %c0_i32_0 = arith.constant 0 : i32
    %c0_i32_1 = arith.constant 0 : i32
    return %c0_i32, %c0_i32_0 : i32, i32
  }
  func.func @transform_5(%arg0: i32) -> (i32, i32) {
    %c0_i32 = arith.constant 0 : i32
    %c0_i32_0 = arith.constant 0 : i32
    %c0_i32_1 = arith.constant 0 : i32
    return %c0_i32, %c0_i32_0 : i32, i32
  }
  func.func @transform_6(%arg0: i32) -> (i32, i32) {
    %c0_i32 = arith.constant 0 : i32
    %c0_i32_0 = arith.constant 0 : i32
    %c0_i32_1 = arith.constant 0 : i32
    return %c0_i32, %c0_i32_0 : i32, i32
  }
  func.func @transform_7(%arg0: i32) -> (i32, i32) {
    %c0_i32 = arith.constant 0 : i32
    %c0_i32_0 = arith.constant 0 : i32
    %c0_i32_1 = arith.constant 0 : i32
    return %c0_i32, %c0_i32_0 : i32, i32
  }
  func.func @transform_8(%arg0: i32) -> (i32, i32) {
    %c0_i32 = arith.constant 0 : i32
    %c0_i32_0 = arith.constant 0 : i32
    return %arg0, %c0_i32 : i32, i32
  }
}

</mosaic_0001>

<sc_bundles>
// kernel: kernel.10.cloned.1.call-start
scs
__scs_entry_jumppad:
0x0: {  	(pc) =	sbr.rel $0x88, $3  }
0x1: {  	(tag) =	ssettag $0x0;
	lr =	simm.s32 $0x1  }
0x2: {  	[smem:$0x3F89] =	sst lr;
	_ =	strace $0xD0000000  }
0x3: {  	_ = 	snop  }
0x4: {  	_ = 	snop  }
0x5: {  	_ = 	snop  }
0x6: {  	_ = 	snop  }
0x7: {  	_ = 	snop  }
__scs_overlays_trampoline_lowered:
0x8: {  	[smem:$0x3F98] =	sst s0  }
0x9: {  	[smem:$0x3F99] =	sst s1  }
0xa: {  	[smem:$0x3F9A] =	sst s2  }
0xb: {  	[smem:$0x3F9B] =	sst s3  }
0xc: {  	[smem:$0x3F9C] =	sst s4  }
0xd: {  	[smem:$0x3F9D] =	sst s5  }
0xe: {  	[smem:$0x3F9E] =	sst s6  }
0xf: {  	[smem:$0x3F9F] =	sst s7  }
0x10: {  	[smem:$0x3FA0] =	sst s8  }
0x11: {  	[smem:$0x3FA1] =	sst s9;
	s0 =	simm.s32 @!p0 $0x0  }
0x12: {  	s1 =	sld [smem:$0x3F87];
	s0 =	simm.s32 @p0 $0x1  }
0x13: {  	[smem:$0x3FA2] =	sst s0;
	s0 =	simm.s32 @!p1 $0x0  }
0x14: {  	s2 =	sld [smem:$0x3F86];
	s0 =	simm.s32 @p1 $0x1  }
0x15: {  	[smem:$0x3FA3] =	sst s0;
	s0 =	simm.s32 @!p2 $0x0  }
0x16: {  	s3 =	sld [smem:$0x3FDB];
	s0 =	simm.s32 @p2 $0x1  }
0x17: {  	s4 =	simm.s32 $0x1BF5;
	[smem:$0x3FA5] =	sst s0  }
0x18: {  	s0 =	sld [smem:$0x3F88];
	_ =	swait.ge [sflag:s4], $0x0  }
0x19: {  	s7 =	sld [smem:$0x3F89]  }
0x1a: {  	s8 =	sadd.s32 $0xFFFFE003, lr  }
0x1b: {  	s9 =	sadd.s32 $0xFFFFFEF7, lr;
	s5 =	simm.s32 $0xFFFFFFFF;
	p2 =	slt.u32 s8, $0xFFFFF086  }
0x1c: {  	p1 =	slt.u32 s9, $0xF7A;
	s5 =	simm.s32 @!p2 $0x0  }
0x1d: {  	s5 =	simm.s32 @p1 $0x1;
	p0 =	seq.s32 s7, s2  }
0x1e: {  	s7 =	smul.u32 @!p0 $0xF7A, s2;
	p2 =	seq.s32 @!p0 s5, $0x0  }
0x1f: {  	s9 =	smul.u32 $0xF7A, s1;
	s8 =	simm.s32 @!p0 $0x1BF5;
	p2 =	por !p2, p0  }
0x20: {  	[sflag:s8] =	ssyncset.s32 @!p0 $0xFFFFF086;
	s6 =	sadd.s32 @!p0 s3, s7;
	s7 =	simm.s32 @!p0 $0x108  }
0x21: {  	s3 =	sadd.s32 s3, s9;
	s6 =	sadd.s32 @!p0 $0x88, s6;
	s7 =	simm.s32 @p2 $0x1082  }
0x22: {  	[simem:s7], [sflag:s8] =	dma.local @!p0 [hbm:s6], $0xF7A  }
0x23: {  	s9 =	sor.u32 $0xD0000000, s2;
	s6 =	simm.s32 $0x108;
	_ =	swait.ge @!p0 [sflag:s8], $0x0  }
0x24: {  	s3 =	sadd.s32 $0x88, s3;
	s6 =	simm.s32 @!p1 $0x1082;
	[sflag:s4] =	ssyncset.s32 $0xFFFFF086  }
0x25: {  	[simem:s6], [sflag:s4] =	dma.local [hbm:s3], $0xF7A  }
0x26: {  	[smem:$0x3F89] =	sst s1;
	(tag) =	ssettag s2;
	_ =	strace s9  }
0x27: {  	s1 =	sld [smem:$0x3F99]  }
0x28: {  	s2 =	sld [smem:$0x3F9A]  }
0x29: {  	s4 =	sld [smem:$0x3F9C]  }
0x2a: {  	p0 =	seq.s32 s5, $0x0;
	s5 =	sld [smem:$0x3F9D]  }
0x2b: {  	s6 =	sld [smem:$0x3F9E]  }
0x2c: {  	s7 =	sld [smem:$0x3F9F]  }
0x2d: {  	s3 =	simm.s32 $0x108;
	s8 =	sld [smem:$0x3FA0]  }
0x2e: {  	s3 =	simm.s32 @!p0 $0x1082;
	s9 =	sld [smem:$0x3FA1]  }
0x2f: {  	lr =	sadd.s32 s0, s3;
	s0 =	sld [smem:$0x3F98]  }
0x30: {  	s3 =	sld [smem:$0x3F9B]  }
0x31: {  	[smem:$0x3FA4] =	sst s10  }
0x32: {  	s10 =	sld [smem:$0x3FA2];
	_ =	sdelay $0x3  }
0x33: {  	p0 =	seq.s32 s10, $0x1;
	s10 =	sld [smem:$0x3FA4];
	_ =	sdelay $0x3  }
0x34: {  	[smem:$0x3FA4] =	sst s10  }
0x35: {  	s10 =	sld [smem:$0x3FA3];
	_ =	sdelay $0x3  }
0x36: {  	p1 =	seq.s32 s10, $0x1;
	s10 =	sld [smem:$0x3FA4];
	_ =	sdelay $0x3  }
0x37: {  	[smem:$0x3FA4] =	sst s10  }
0x38: {  	s10 =	sld [smem:$0x3FA5]  }
0x39: {  	_ = 	snop;
	(pc) =	sbr.ind lr, $3  }
0x3a: {  	_ = 	snop  }
0x3b: {  	_ = 	snop  }
0x3c: {  	p2 =	seq.s32 s10, $0x1;
	s10 =	sld [smem:$0x3FA4]  }
0x3d: {  	_ =	shalt  }
0x3e: {  	_ =	shalt  }
0x3f: {  	_ =	shalt  }
0x40: {  	_ =	shalt  }
0x41: {  	_ =	shalt  }
0x42: {  	_ =	shalt  }
0x43: {  	_ =	shalt  }
0x44: {  	_ =	shalt  }
0x45: {  	_ =	shalt  }
0x46: {  	_ =	shalt  }
0x47: {  	_ =	shalt  }
0x48: {  	_ =	shalt  }
0x49: {  	_ =	shalt  }
0x4a: {  	_ =	shalt  }
0x4b: {  	_ =	shalt  }
0x4c: {  	_ =	shalt  }
0x4d: {  	_ =	shalt  }
0x4e: {  	_ =	shalt  }
0x4f: {  	_ =	shalt  }
0x50: {  	_ =	shalt  }
0x51: {  	_ =	shalt  }
0x52: {  	_ =	shalt  }
0x53: {  	_ =	shalt  }
0x54: {  	_ =	shalt  }
0x55: {  	_ =	shalt  }
0x56: {  	_ =	shalt  }
0x57: {  	_ =	shalt  }
0x58: {  	_ =	shalt  }
0x59: {  	_ =	shalt  }
0x5a: {  	_ =	shalt  }
0x5b: {  	_ =	shalt  }
0x5c: {  	_ =	shalt  }
0x5d: {  	_ =	shalt  }
0x5e: {  	_ =	shalt  }
0x5f: {  	_ =	shalt  }
0x60: {  	_ =	shalt  }
0x61: {  	_ =	shalt  }
0x62: {  	_ =	shalt  }
0x63: {  	_ =	shalt  }
0x64: {  	_ =	shalt  }
0x65: {  	_ =	shalt  }
0x66: {  	_ =	shalt  }
0x67: {  	_ =	shalt  }
0x68: {  	_ =	shalt  }
0x69: {  	_ =	shalt  }
0x6a: {  	_ =	shalt  }
0x6b: {  	_ =	shalt  }
0x6c: {  	_ =	shalt  }
0x6d: {  	_ =	shalt  }
0x6e: {  	_ =	shalt  }
0x6f: {  	_ =	shalt  }
0x70: {  	_ =	shalt  }
0x71: {  	_ =	shalt  }
0x72: {  	_ =	shalt  }
0x73: {  	_ =	shalt  }
0x74: {  	_ =	shalt  }
0x75: {  	_ =	shalt  }
0x76: {  	_ =	shalt  }
0x77: {  	_ =	shalt  }
0x78: {  	_ =	shalt  }
0x79: {  	_ =	shalt  }
0x7a: {  	_ =	shalt  }
0x7b: {  	_ =	shalt  }
0x7c: {  	_ =	shalt  }
0x7d: {  	_ =	shalt  }
0x7e: {  	_ =	shalt  }
0x7f: {  	_ =	shalt  }
0x80: {  	_ =	shalt  }
0x81: {  	_ =	shalt  }
0x82: {  	_ =	shalt  }
0x83: {  	_ =	shalt  }
0x84: {  	_ =	shalt  }
0x85: {  	_ =	shalt  }
0x86: {  	_ =	shalt  }
0x87: {  	_ =	shalt  }
.Lfunc_end0:
.L_simem_size_0:
called_computation_lowered:
.L_overlay_start_0:
0x88: {  	s2 =	sld [smem:$0x3FD9]  }
0x89: {  	s3 =	sld [smem:$0x3FFE];
	_ =	sdelay $0x1  }
0x8a: {  	s1 =	srdreg.scid  }
0x8b: {  	s0 =	sand.u32 $0x1, s1  }
0x8c: {  	s14 =	sshll.u32 s0, $0xA;
	s2 =	sadd.s32 s3, s2  }
0x8d: {  	s2 =	sadd.s32 s2, s14  }
0x8e: {  	[smem:$0x3FB0] =	sst s2  }
0x8f: {  	_ = 	snop  }
0x90: {  	s2 =	sld [smem:$0x3FD0];
	_ =	sdelay $0x2  }
0x91: {  	s15 =	simm.s32 $0xA;
	s4 =	simm.s32 $0x10  }
0x92: {  	[smem:s4], [sflag:s15] =	dma.local [hbm:s2], $0x1  }
0x93: {  	_ =	swait.eq [sflag:s15], $0x1  }
0x94: {  	[sflag:s15] =	ssyncset.done $0x0  }
0x95: {  	s16 =	sld [smem:$0x10];
	[sflag:s15] =	ssyncadd.s32 $0xFFFFFFFF  }
0x96: {  	s17 =	sld [smem:$0x11];
	(tm) =	ssettm $0x1  }
0x97: {  	s18 =	sld [smem:$0x3FFB];
	_ =	sdelay $0x3  }
0x98: {  	_ =	strace s18  }
0x99: {  	s4 =	sld [smem:$0x3FFC];
	_ =	sdelay $0x3  }
0x9a: {  	_ =	strace s4  }
0x9b: {  	s4 =	sld [smem:$0x3FFD];
	_ =	sdelay $0x3  }
0x9c: {  	_ =	strace s4  }
0x9d: {  	_ =	strace $0x8FFFFFFF  }
0x9e: {  	s19 =	sld [smem:$0x3FDB];
	_ =	sdelay $0x1  }
0x9f: {  	s5 =	simm.s32 $_scs_section_size  }
0xa0: {  	s6 =	simm.s32 $_size__tile_overlayer_lowered;
	s7 =	simm.s32 $_tile_overlayer_lowered  }
0xa1: {  	s22 =	simm.s32 $0x1BFF;
	s21 =	sshll.u32 s7, $0x1;
	s4 =	sadd.s32 s5, s19  }
0xa2: {  	s8 =	simm.s32 $0x0;
	s20 =	sshll.u32 s6, $0x1;
	s6 =	sadd.s32 s21, s4  }
0xa3: {  	[timem:s8], [sflag:s22] =	dma.local [hbm:s6], s20  }
0xa4: {  	_ =	swait.ge [sflag:s22], s20  }
0xa5: {  	s5 =	ssub.s32 $0x0, s20;
	[sflag:s22] =	ssyncset.done $0x0  }
0xa6: {  	[sflag:s22] =	ssyncadd.s32 s5;
	_ =	sdelay $0x1  }
0xa7: {  	s23 =	simm.s32 $0x1B8B  }
0xa8: {  	_ =	swait.ge [sflag:s23], $0x1  }
0xa9: {  	[sflag:s23] =	ssyncset.done $0x0  }
0xaa: {  	s25 =	simm.s32 $0x1B8E;
	s24 =	sld [smem:$0x3FFE];
	[sflag:s23] =	ssyncadd.s32 $0xFFFFFFFF  }
0xab: {  	s26 =	simm.s32 $execute0_lowered;
	[smem:$0x3FD2] =	sst s25  }
0xac: {  	s6 =	sshll.u32 s26, $0x1;
	_ =	strace $0x80000046;
	[dreg:$0x1] =	wrdreg $0xFFFFFFFF  }
0xad: {  	s28 =	simm.s32 $_size_execute0_lowered;
	s4 =	sadd.s32 s4, s6;
	[dreg:$0x0] =	wrdreg $0x0  }
0xae: {  	s6 =	sshll.u32 s28, $0x1;
	[dreg:$0x2] =	wrdreg s4  }
0xaf: {  	[dreg:$0x3] =	wrdreg s6  }
0xb0: {  	[dreg:$0x4] =	wrdreg $0xC0  }
0xb1: {  	_ =	task [dreg:s8], $0x5FFFF  }
0xb2: {  	[dreg:$0x1] =	wrdreg $0xFFFFFFFF  }
0xb3: {  	[dreg:$0x0] =	wrdreg $0x60  }
0xb4: {  	[dreg:$0x2] =	wrdreg s17  }
0xb5: {  	[dreg:$0x3] =	wrdreg s16  }
0xb6: {  	[dreg:$0x4] =	wrdreg s24  }
0xb7: {  	[dreg:$0x5] =	wrdreg $0x29000  }
0xb8: {  	[dreg:$0x6] =	wrdreg $0x1BB800  }
0xb9: {  	[dreg:$0x7] =	wrdreg $0x9  }
0xba: {  	_ =	task.clear_ibuf [dreg:s8], $0x8FFFF;
	_ =	strace $0x90000046  }
0xbb: {  	s29 =	simm.s32 $0x9;
	_ =	strace $0x80000048  }
0xbc: {  	_ =	swait.ge [sflag:s29], $0x1  }
0xbd: {  	[sflag:s29] =	ssyncadd.s32 $0xFFFFFFFF  }
0xbe: {  	_ =	strace $0x90000048  }
0xbf: {  	_ =	sfence  }
0xc0: {  	s30 =	sld [smem:$0x0];
	_ =	sdelay $0x2  }
0xc1: {  	s31 =	sshll.u32 s1, $0xD;
	s1 =	sshrl.u32 s1, $0x2  }
0xc2: {  	s3 =	sand.u32 $0x4000, s31;
	s1 =	sadd.s32 s1, s30  }
0xc3: {  	s0 =	sor.u32 s3, s0;
	s1 =	sshll.u32 s1, $0x11  }
0xc4: {  	s0 =	sor.u32 s1, s0  }
0xc5: {  	s0 =	sadd.s32 $0x8F2B, s0  }
0xc6: {  	[sflag:s0] =	ssyncadd.remote.s32 $0x1  }
0xc7: {  	_ =	sfence.sel $0xFFFF  }
0xc8: {  	[dreg:$0x0] =	wrdreg $0xFFFFFFFF;
	(pc) =	sbr.abs _section_cstart, $3  }
0xc9: {  	[dreg:$0x1] =	wrdreg $0xFFFFFFFF  }
0xca: {  	_ =	task.clear_ibuf [dreg:s8], $0x2FFFF;
	_ =	strace $0x9FFFFFFF  }
0xcb: {  	(tm) =	ssettm $0x7FFFFFFF  }
tec
execute0_lowered:
.L_overlay_start_1:
0x0: {  	(tag) =	ssettag $0x1  }
0x1: {  	s1 =	rddreg [dreg:$0x0]  }
0x2: {  	s2 =	rddreg [dreg:$0x1]  }
0x3: {  	s0 =	rddreg [dreg:$0x2]  }
0x4: {  	s4 =	rddreg [dreg:$0x3];
	s12 =	stileid.u32  }
0x5: {  	s3 =	rddreg [dreg:$0x4];
	s6 =	smul.u32 $0x1388, s12  }
0x6: {  	s5 =	simm.s32 $0x0;
	s8 =	srdreg.scid;
	s7 =	smul.u32 $0x2800, s12  }
0x7: {  	[smem:$0x7FF] =	sst s5;
	s8 =	sand.u32 $0x1, s8;
	s11 =	smul.u32 $0x50000, s12  }
0x8: {  	s10 =	sadd.s32 $0x7E400, s0;
	s15 =	smul.u32 $0x280, s12;
	s17 =	sshll.u32 s12, $0x6  }
0x9: {  	s12 =	smul.u32 $0xA000, s12;
	_ =	strace $0x80000047;
	s9 =	ssub.s32 $0x2, s8  }
0xa: {  	[dreg:$0x6] =	wrdreg s10;
	p0 =	seq.s32 s8, $0x1;
	s8 =	simm.s32 $0x100  }
0xb: {  	s6 =	sadd.s32 s6, s0;
	s7 =	sadd.s32 s7, s0;
	s13 =	sshrl.u32 s9, $0x1  }
0xc: {  	s0 =	sadd.s32 $0x7DE00, s0;
	s16 =	sshrl.u32 s11, $0x2;
	s19 =	sshrl.u32 s12, $0x2  }
0xd: {  	s11 =	sadd.s32 s15, s3;
	s12 =	simm.s32 $0x16900;
	[dreg:$0x7] =	wrdreg s0  }
0xe: {  	s14 =	ssub.s32 s9, s13;
	s10 =	sadd.s32 s16, s4;
	s18 =	sadd.s32 $0x55E00, s7  }
0xf: {  	s3 =	sadd.s32 s19, s3;
	s20 =	sadd.s32 $0xA6A00, s7;
	s21 =	sadd.s32 $0x2800, s11  }
0x10: {  	s22 =	sadd.s32 $0x5000, s11;
	s23 =	sadd.s32 $0x7800, s11;
	[dreg:$0x8] =	wrdreg s10  }
0x11: {  	s24 =	sadd.s32 $0xA000, s11;
	s25 =	sadd.s32 $0xC800, s11;
	[dreg:$0x9] =	wrdreg s18  }
0x12: {  	s19 =	sadd.s32 $0xF000, s11;
	s26 =	sadd.s32 $0x7EA00, s7;
	[dreg:$0xa] =	wrdreg s3  }
0x13: {  	s28 =	sadd.s32 $0x16800, s11;
	s29 =	sadd.s32 $0x19000, s11;
	[dreg:$0xb] =	wrdreg s20  }
0x14: {  	s30 =	sadd.s32 $0x1B800, s11;
	s31 =	sadd.s32 $0x1E000, s11;
	[dreg:$0xc] =	wrdreg s21  }
0x15: {  	s0 =	sadd.s32 $0x20800, s11;
	s7 =	simm.s32 $0x2;
	[dreg:$0xd] =	wrdreg s22  }
0x16: {  	s13 =	simm.s32 $0x80;
	s9 =	simm.s32 $0x1;
	[dreg:$0xe] =	wrdreg s23  }
.Ltmp0:
0x17: {  	s10 =	sor.u32 $0x1C02, s17;
	[dreg:$0xf] =	wrdreg s24;
	(pc) =	sbr.rel .LBB2_1-.Ltmp0, $4  }
0x18: {  	[dreg:$0x10] =	wrdreg s25;
	s20 =	sadd.s32 $0x11800, s11;
	s21 =	sshrl.u32 s15, $0x3  }
0x19: {  	[dreg:$0x11] =	wrdreg s26;
	s23 =	smax.u32 s14, $0x1;
	s24 =	sadd.s32 $0x7A00, s6  }
0x1a: {  	s25 =	sadd.s32 $0x2EC00, s6;
	s26 =	sadd.s32 $0x14000, s11;
	s3 =	sadd.s32 $0x23000, s11  }
0x1b: {  	v0 =	vimm.s32 $0x0;
	s6 =	sadd.s32 $0x25800, s11;
	s22 =	simm.s32 $0x50;
	s14 =	simm.s32 $0x0  }
.LBB2_7:
0x1c: {  	v2 =	vld [tilespmem:s17+$0x0]  }
0x1d: {  	v3 =	vld [tilespmem:s16+$0x19600]  }
0x1e: {  	v4 =	vld [tilespmem:s16+$0x19880]  }
0x1f: {  	v5 =	vld [tilespmem:s16+$0x19B00]  }
0x20: {  	v6 =	vld [tilespmem:s16+$0x19D80]  }
0x21: {  	v1 =	vadd.s32 v2, v1;
	v2 =	vld [tilespmem:s16+$0x1A000]  }
0x22: {  	v1 =	vadd.s32 v3, v1;
	v3 =	vld [tilespmem:s16+$0x1A280]  }
0x23: {  	v58 =	vld [tilespmem:s16+$0x1A500];
	v1 =	vadd.s32 v4, v1  }
0x24: {  	v59 =	vld [tilespmem:s16+$0x1A780];
	v1 =	vadd.s32 v5, v1  }
0x25: {  	v60 =	vld [tilespmem:s16+$0x1AA00];
	v1 =	vadd.s32 v6, v1  }
0x26: {  	v1 =	vadd.s32 v2, v1;
	v2 =	vld [tilespmem:s16+$0x1AC80]  }
0x27: {  	v1 =	vadd.s32 v3, v1;
	v3 =	vld [tilespmem:s16+$0x1AF00]  }
0x28: {  	v61 =	vld [tilespmem:s16+$0x1B180];
	v1 =	vadd.s32 v58, v1  }
0x29: {  	v62 =	vld [tilespmem:s16+$0x1B400];
	v1 =	vadd.s32 v59, v1  }
0x2a: {  	v63 =	vld [tilespmem:s16+$0x1B680];
	v1 =	vadd.s32 v60, v1  }
0x2b: {  	v1 =	vadd.s32 v2, v1  }
0x2c: {  	v1 =	vadd.s32 v3, v1  }
0x2d: {  	v1 =	vadd.s32 v61, v1  }
0x2e: {  	v1 =	vadd.s32 v62, v1  }
0x2f: {  	v1 =	vadd.s32 v63, v1  }
0x30: {  	v1 =	vcvt.s32.f32 v1  }
0x31: {  	s15 =	sadd.s32 $0x10, s15  }
0x32: {  	[tilespmem:s15+$0x0] =	vst v1;
	s15 =	rddreg [dreg:$0x6]  }
.LBB2_12:
0x33: {  	s14 =	sadd.s32 $0x1, s14  }
0x34: {  	p1 =	sne.s32 s14, s23  }
.Ltmp1:
0x35: {  	s15 =	sadd.s32 s15, s21;
	s16 =	simm.s32 $0x1B900;
	(pc) =	sbr.rel @!p1 .LBB2_13-.Ltmp1, $4  }
0x36: {  	[hbm4b:s15+s5] =	stream.linear.scatter [tilespmem:s16], [sflag:$0x2], $0x280, $0x38;
	[tilespmem:$0x1E380] =	vst v63  }
0x37: {  	_ =	swait.ge [sflag:s7], $0x280  }
0x38: {  	[sflag:s7] =	ssyncset.done $0x0  }
0x39: {  	[sflag:s7] =	ssyncadd.s32 $0xFFFFFD80  }
.LBB2_1:
0x3a: {  	s15 =	rddreg [dreg:$0x8]  }
0x3b: {  	s16 =	rddreg [dreg:$0x9];
	s15 =	sshrl.u32 s15, $0x3  }
0x3c: {  	[spmem:s15], [sflag:s10] =	dma.local [hbm:s16], $0x2800  }
0x3d: {  	_ =	swait.ge [sflag:s7], $0x2800  }
0x3e: {  	[sflag:s7] =	ssyncset.done $0x0  }
0x3f: {  	s17 =	simm.s32 $0x0;
	s16 =	simm.s32 $0x40;
	[sflag:s7] =	ssyncadd.s32 $0xFFFFD800  }
.LBB2_2:
0x40: {  	p1 =	sne.s32 s16, $0x9FC0;
	[tilespmem:s17+$0x16900] =	vst v0;
	s17 =	smov.u32 s16;
	s16 =	sadd.s32 $0x40, s16  }
.Ltmp2:
0x41: {  	(pc) =	sbr.rel @p1 .LBB2_2-.Ltmp2, $2  }
0x42: {  	_ =	sdelay $0x2  }
0x43: {  	s17 =	sshra.s32 s17, $0x2  }
.Ltmp3:
0x44: {  	(pc) =	sbr.rel @!p0 .LBB2_4-.Ltmp3, $4  }
0x45: {  	_ = 	snop  }
0x46: {  	[tilespmem:s17+$0x16900] =	vst v0  }
0x47: {  	[bflag:$0x0] =	sbarrier.arrive $0xFFFF  }
0x48: {  	s16 =	simm.s32 $0x0  }
.LBB2_8:
0x49: {  	s17 =	sadd.s32 s16, s25  }
0x4a: {  	[tilespmem:s5], [sflag:$0x2] =	stream.linear.gather [hbm4b:s17+s5], $0x50, $0x38;
	[tilespmem:$0x1E380] =	vst v63  }
0x4b: {  	_ =	swait.ge [sflag:s7], $0x50  }
0x4c: {  	[sflag:s7] =	ssyncset.done $0x0  }
0x4d: {  	s17 =	sadd.s32 $0x13880, s17;
	[sflag:s7] =	ssyncadd.s32 $0xFFFFFFB0  }
0x4e: {  	[tilespmem:s13], [sflag:$0x2] =	stream.linear.gather [hbm4b:s17+s5], $0x50, $0x38;
	[tilespmem:$0x1E380] =	vst v63  }
0x4f: {  	_ =	swait.ge [sflag:s7], $0x50  }
0x50: {  	[sflag:s7] =	ssyncset.done $0x0  }
0x51: {  	[sflag:s7] =	ssyncadd.s32 $0xFFFFFFB0  }
0x52: {  	[tilespmem:s8], [sflag:$0x1] =	stream.indirect.gather [hbm4b:s2+s22], $0x80, s5, s22, $0xb8;
	[tilespmem:$0x1E380] =	vst v63  }
0x53: {  	_ =	swait.ge [sflag:s9], $0x2800  }
0x54: {  	[sflag:s9] =	ssyncset.done $0x0  }
0x55: {  	[sflag:s9] =	ssyncadd.s32 $0xFFFFD800  }
0x56: {  	[spmem:s4] =	stream.indirect.scatter.add.f32 [tilespmem:s8], [sflag:$0x2], $0x80, s13, s22, $0xb8;
	[tilespmem:$0x1E380] =	vst v63  }
0x57: {  	_ =	swait.ge [sflag:s7], $0x2800  }
0x58: {  	[sflag:s7] =	ssyncset.done $0x0  }
0x59: {  	[sflag:s7] =	ssyncadd.s32 $0xFFFFD800  }
0x5a: {  	v1 =	vld [tilespmem:$0x80];
	_ =	sdelay $0x4  }
0x5b: {  	(xrf1) =	vunique.msk.u32 $0xffff, v1;
	_ =	sdelay $0xd  }
0x5c: {  	_, v2, vm0 =	vpop (xrf1);
	_ =	sdelay $0x5  }
0x5d: {  	[tilespmem:v1+s12+$0x0] =	vst.idx.add.s32.msk vm0, v2  }
0x5e: {  	v1 =	vld [tilespmem:$0x90];
	_ =	sdelay $0x4  }
0x5f: {  	(xrf1) =	vunique.msk.u32 $0xffff, v1;
	_ =	sdelay $0xd  }
0x60: {  	_, v2, vm0 =	vpop (xrf1);
	_ =	sdelay $0x5  }
0x61: {  	[tilespmem:v1+s12+$0x0] =	vst.idx.add.s32.msk vm0, v2  }
0x62: {  	v1 =	vld [tilespmem:$0xA0];
	_ =	sdelay $0x4  }
0x63: {  	(xrf1) =	vunique.msk.u32 $0xffff, v1;
	_ =	sdelay $0xd  }
0x64: {  	_, v2, vm0 =	vpop (xrf1);
	_ =	sdelay $0x5  }
0x65: {  	[tilespmem:v1+s12+$0x0] =	vst.idx.add.s32.msk vm0, v2  }
0x66: {  	v1 =	vld [tilespmem:$0xB0];
	_ =	sdelay $0x4  }
0x67: {  	(xrf1) =	vunique.msk.u32 $0xffff, v1;
	_ =	sdelay $0xd  }
0x68: {  	_, v2, vm0 =	vpop (xrf1);
	_ =	sdelay $0x5  }
0x69: {  	[tilespmem:v1+s12+$0x0] =	vst.idx.add.s32.msk vm0, v2  }
0x6a: {  	v1 =	vld [tilespmem:$0xC0];
	_ =	sdelay $0x4  }
0x6b: {  	(xrf1) =	vunique.msk.u32 $0xffff, v1;
	_ =	sdelay $0xd  }
0x6c: {  	_, v2, vm0 =	vpop (xrf1)  }
0x6d: {  	p1 =	sne.s32 s16, $0x137E  }
.Ltmp4:
0x6e: {  	_ = 	snop;
	(pc) =	sbr.rel @p1 .LBB2_8-.Ltmp4, $2  }
0x6f: {  	_ =	sdelay $0x2  }
0x70: {  	s16 =	sadd.s32 $0xA, s16;
	[tilespmem:v1+s12+$0x0] =	vst.idx.add.s32.msk vm0, v2  }
0x71: {  	s16 =	rddreg [dreg:$0xa]  }
0x72: {  	[spmem:s16] =	stream.linear.scatter [tilespmem:s12], [sflag:$0x2], $0x2800, $0x38;
	[tilespmem:$0x1E380] =	vst v63  }
0x73: {  	_ =	swait.ge [sflag:s7], $0x2800  }
0x74: {  	[sflag:s7] =	ssyncset.done $0x0  }
0x75: {  	[sflag:s7] =	ssyncadd.s32 $0xFFFFD800  }
0x76: {  	[bflag:$0x0] =	sbarrier.arrive $0xFFFF  }
0x77: {  	s17 =	rddreg [dreg:$0x11]  }
0x78: {  	[hbm:s17], [sflag:s10] =	dma.local [spmem:s15], $0x2800  }
0x79: {  	_ =	swait.ge [sflag:s7], $0x2800  }
0x7a: {  	[sflag:s7] =	ssyncset.done $0x0  }
0x7b: {  	s15 =	simm.s32 $0x19100;
	[sflag:s7] =	ssyncadd.s32 $0xFFFFD800  }
0x7c: {  	[tilespmem:s15], [sflag:$0x2] =	stream.linear.gather [spmem:s11], $0x280, $0x38;
	[tilespmem:$0x1E380] =	vst v63  }
0x7d: {  	_ =	swait.ge [sflag:s7], $0x280  }
0x7e: {  	[sflag:s7] =	ssyncset.done $0x0  }
0x7f: {  	s17 =	simm.s32 $0x19380;
	s18 =	rddreg [dreg:$0xc];
	[sflag:s7] =	ssyncadd.s32 $0xFFFFFD80  }
0x80: {  	[tilespmem:s17], [sflag:$0x2] =	stream.linear.gather [spmem:s18], $0x280, $0x38;
	[tilespmem:$0x1E380] =	vst v63  }
0x81: {  	_ =	swait.ge [sflag:s7], $0x280  }
0x82: {  	[sflag:s7] =	ssyncset.done $0x0  }
0x83: {  	s18 =	simm.s32 $0x19600;
	s17 =	rddreg [dreg:$0xd];
	[sflag:s7] =	ssyncadd.s32 $0xFFFFFD80  }
0x84: {  	[tilespmem:s18], [sflag:$0x2] =	stream.linear.gather [spmem:s17], $0x280, $0x38;
	[tilespmem:$0x1E380] =	vst v63  }
0x85: {  	_ =	swait.ge [sflag:s7], $0x280  }
0x86: {  	[sflag:s7] =	ssyncset.done $0x0  }
0x87: {  	s18 =	simm.s32 $0x19880;
	s17 =	rddreg [dreg:$0xe];
	[sflag:s7] =	ssyncadd.s32 $0xFFFFFD80  }
0x88: {  	[tilespmem:s18], [sflag:$0x2] =	stream.linear.gather [spmem:s17], $0x280, $0x38;
	[tilespmem:$0x1E380] =	vst v63  }
0x89: {  	_ =	swait.ge [sflag:s7], $0x280  }
0x8a: {  	[sflag:s7] =	ssyncset.done $0x0  }
0x8b: {  	s18 =	simm.s32 $0x19B00;
	s17 =	rddreg [dreg:$0xf];
	[sflag:s7] =	ssyncadd.s32 $0xFFFFFD80  }
0x8c: {  	[tilespmem:s18], [sflag:$0x2] =	stream.linear.gather [spmem:s17], $0x280, $0x38;
	[tilespmem:$0x1E380] =	vst v63  }
0x8d: {  	_ =	swait.ge [sflag:s7], $0x280  }
0x8e: {  	[sflag:s7] =	ssyncset.done $0x0  }
0x8f: {  	s18 =	simm.s32 $0x19D80;
	s17 =	rddreg [dreg:$0x10];
	[sflag:s7] =	ssyncadd.s32 $0xFFFFFD80  }
0x90: {  	[tilespmem:s18], [sflag:$0x2] =	stream.linear.gather [spmem:s17], $0x280, $0x38;
	[tilespmem:$0x1E380] =	vst v63  }
0x91: {  	_ =	swait.ge [sflag:s7], $0x280  }
0x92: {  	[sflag:s7] =	ssyncset.done $0x0  }
0x93: {  	s17 =	simm.s32 $0x1A000;
	[sflag:s7] =	ssyncadd.s32 $0xFFFFFD80  }
0x94: {  	[tilespmem:s17], [sflag:$0x2] =	stream.linear.gather [spmem:s19], $0x280, $0x38;
	[tilespmem:$0x1E380] =	vst v63  }
0x95: {  	_ =	swait.ge [sflag:s7], $0x280  }
0x96: {  	[sflag:s7] =	ssyncset.done $0x0  }
0x97: {  	s18 =	simm.s32 $0x1A280;
	[sflag:s7] =	ssyncadd.s32 $0xFFFFFD80  }
0x98: {  	[tilespmem:s18], [sflag:$0x2] =	stream.linear.gather [spmem:s20], $0x280, $0x38;
	[tilespmem:$0x1E380] =	vst v63  }
0x99: {  	_ =	swait.ge [sflag:s7], $0x280  }
0x9a: {  	[sflag:s7] =	ssyncset.done $0x0  }
0x9b: {  	s17 =	simm.s32 $0x1A500;
	[sflag:s7] =	ssyncadd.s32 $0xFFFFFD80  }
0x9c: {  	[tilespmem:s17], [sflag:$0x2] =	stream.linear.gather [spmem:s26], $0x280, $0x38;
	[tilespmem:$0x1E380] =	vst v63  }
0x9d: {  	_ =	swait.ge [sflag:s7], $0x280  }
0x9e: {  	[sflag:s7] =	ssyncset.done $0x0  }
0x9f: {  	s18 =	simm.s32 $0x1A780;
	[sflag:s7] =	ssyncadd.s32 $0xFFFFFD80  }
0xa0: {  	[tilespmem:s18], [sflag:$0x2] =	stream.linear.gather [spmem:s28], $0x280, $0x38;
	[tilespmem:$0x1E380] =	vst v63  }
0xa1: {  	_ =	swait.ge [sflag:s7], $0x280  }
0xa2: {  	[sflag:s7] =	ssyncset.done $0x0  }
0xa3: {  	s17 =	simm.s32 $0x1AA00;
	[sflag:s7] =	ssyncadd.s32 $0xFFFFFD80  }
0xa4: {  	[tilespmem:s17], [sflag:$0x2] =	stream.linear.gather [spmem:s29], $0x280, $0x38;
	[tilespmem:$0x1E380] =	vst v63  }
0xa5: {  	_ =	swait.ge [sflag:s7], $0x280  }
0xa6: {  	[sflag:s7] =	ssyncset.done $0x0  }
0xa7: {  	s18 =	simm.s32 $0x1AC80;
	[sflag:s7] =	ssyncadd.s32 $0xFFFFFD80  }
0xa8: {  	[tilespmem:s18], [sflag:$0x2] =	stream.linear.gather [spmem:s30], $0x280, $0x38;
	[tilespmem:$0x1E380] =	vst v63  }
0xa9: {  	_ =	swait.ge [sflag:s7], $0x280  }
0xaa: {  	[sflag:s7] =	ssyncset.done $0x0  }
0xab: {  	s17 =	simm.s32 $0x1AF00;
	[sflag:s7] =	ssyncadd.s32 $0xFFFFFD80  }
0xac: {  	[tilespmem:s17], [sflag:$0x2] =	stream.linear.gather [spmem:s31], $0x280, $0x38;
	[tilespmem:$0x1E380] =	vst v63  }
0xad: {  	_ =	swait.ge [sflag:s7], $0x280  }
0xae: {  	[sflag:s7] =	ssyncset.done $0x0  }
0xaf: {  	s18 =	simm.s32 $0x1B180;
	[sflag:s7] =	ssyncadd.s32 $0xFFFFFD80  }
0xb0: {  	[tilespmem:s18], [sflag:$0x2] =	stream.linear.gather [spmem:s0], $0x280, $0x38;
	[tilespmem:$0x1E380] =	vst v63  }
0xb1: {  	_ =	swait.ge [sflag:s7], $0x280  }
0xb2: {  	[sflag:s7] =	ssyncset.done $0x0  }
0xb3: {  	s17 =	simm.s32 $0x1B400;
	[sflag:s7] =	ssyncadd.s32 $0xFFFFFD80  }
0xb4: {  	[tilespmem:s17], [sflag:$0x2] =	stream.linear.gather [spmem:s3], $0x280, $0x38;
	[tilespmem:$0x1E380] =	vst v63  }
0xb5: {  	_ =	swait.ge [sflag:s7], $0x280  }
0xb6: {  	[sflag:s7] =	ssyncset.done $0x0  }
0xb7: {  	s18 =	simm.s32 $0x1B680;
	[sflag:s7] =	ssyncadd.s32 $0xFFFFFD80  }
0xb8: {  	[tilespmem:s18], [sflag:$0x2] =	stream.linear.gather [spmem:s6], $0x280, $0x38;
	[tilespmem:$0x1E380] =	vst v63  }
0xb9: {  	_ =	swait.ge [sflag:s7], $0x280  }
0xba: {  	s17 =	simm.s32 $0x0;
	[sflag:s7] =	ssyncset.done $0x0  }
0xbb: {  	s16 =	sand.u32 $0x3F0, s17;
	[sflag:s7] =	ssyncadd.s32 $0xFFFFFD80  }
0xbc: {  	v1 =	vld [tilespmem:s16+$0x19380]  }
0xbd: {  	v2 =	vld [tilespmem:s15+$0x0]  }
0xbe: {  	v3 =	vld [tilespmem:s16+$0x19600]  }
0xbf: {  	v4 =	vld [tilespmem:s16+$0x19880]  }
0xc0: {  	v5 =	vld [tilespmem:s16+$0x19B00]  }
0xc1: {  	v6 =	vld [tilespmem:s16+$0x19D80]  }
0xc2: {  	v1 =	vadd.s32 v2, v1;
	v2 =	vld [tilespmem:s16+$0x1A000]  }
0xc3: {  	v1 =	vadd.s32 v3, v1;
	v3 =	vld [tilespmem:s16+$0x1A280]  }
0xc4: {  	v58 =	vld [tilespmem:s16+$0x1A500];
	v1 =	vadd.s32 v4, v1  }
0xc5: {  	v59 =	vld [tilespmem:s16+$0x1A780];
	v1 =	vadd.s32 v5, v1  }
0xc6: {  	v60 =	vld [tilespmem:s16+$0x1AA00];
	v1 =	vadd.s32 v6, v1  }
0xc7: {  	v1 =	vadd.s32 v2, v1;
	v2 =	vld [tilespmem:s16+$0x1AC80]  }
0xc8: {  	v1 =	vadd.s32 v3, v1;
	v3 =	vld [tilespmem:s16+$0x1AF00]  }
0xc9: {  	v61 =	vld [tilespmem:s16+$0x1B180];
	v1 =	vadd.s32 v58, v1  }
0xca: {  	v62 =	vld [tilespmem:s16+$0x1B400];
	v1 =	vadd.s32 v59, v1  }
0xcb: {  	v63 =	vld [tilespmem:s16+$0x1B680];
	v1 =	vadd.s32 v60, v1  }
0xcc: {  	v1 =	vadd.s32 v2, v1  }
0xcd: {  	v1 =	vadd.s32 v3, v1  }
0xce: {  	v1 =	vadd.s32 v61, v1  }
0xcf: {  	v1 =	vadd.s32 v62, v1  }
0xd0: {  	v1 =	vadd.s32 v63, v1  }
0xd1: {  	v1 =	vcvt.s32.f32 v1  }
0xd2: {  	s18 =	simm.s32 $0x10;
	s15 =	simm.s32 $0x1B900  }
0xd3: {  	s16 =	sand.u32 $0x3F0, s18;
	[tilespmem:s15+$0x0] =	vst v1  }
0xd4: {  	s17 =	simm.s32 $0x19110;
	s18 =	simm.s32 $0x20;
	v1 =	vld [tilespmem:s16+$0x19380]  }
.LBB2_10:
0xd5: {  	p1 =	sne.s32 s18, $0x270;
	v2 =	vld [tilespmem:s17+$0x0]  }
0xd6: {  	v3 =	vld [tilespmem:s16+$0x19600]  }
0xd7: {  	v4 =	vld [tilespmem:s16+$0x19880]  }
0xd8: {  	v5 =	vld [tilespmem:s16+$0x19B00]  }
0xd9: {  	v6 =	vld [tilespmem:s16+$0x19D80]  }
0xda: {  	v1 =	vadd.s32 v2, v1;
	v2 =	vld [tilespmem:s16+$0x1A000]  }
0xdb: {  	v1 =	vadd.s32 v3, v1;
	v3 =	vld [tilespmem:s16+$0x1A280]  }
0xdc: {  	v1 =	vadd.s32 v4, v1;
	v4 =	vld [tilespmem:s16+$0x1A500]  }
0xdd: {  	v1 =	vadd.s32 v5, v1;
	v5 =	vld [tilespmem:s16+$0x1A780]  }
0xde: {  	v1 =	vadd.s32 v6, v1;
	v6 =	vld [tilespmem:s16+$0x1AA00]  }
0xdf: {  	v1 =	vadd.s32 v2, v1;
	v2 =	vld [tilespmem:s16+$0x1AC80]  }
0xe0: {  	v1 =	vadd.s32 v3, v1;
	v3 =	vld [tilespmem:s16+$0x1AF00]  }
0xe1: {  	v1 =	vadd.s32 v4, v1;
	v4 =	vld [tilespmem:s16+$0x1B180]  }
0xe2: {  	v1 =	vadd.s32 v5, v1;
	v5 =	vld [tilespmem:s16+$0x1B400]  }
0xe3: {  	v1 =	vadd.s32 v6, v1;
	v6 =	vld [tilespmem:s16+$0x1B680]  }
0xe4: {  	v1 =	vadd.s32 v2, v1  }
0xe5: {  	v1 =	vadd.s32 v3, v1  }
0xe6: {  	v1 =	vadd.s32 v4, v1  }
0xe7: {  	v1 =	vadd.s32 v5, v1  }
.Ltmp5:
0xe8: {  	v1 =	vadd.s32 v6, v1;
	(pc) =	sbr.rel @p1 .LBB2_10-.Ltmp5, $4  }
0xe9: {  	v1 =	vcvt.s32.f32 v1  }
0xea: {  	s15 =	sadd.s32 $0x10, s15  }
0xeb: {  	s16 =	sand.u32 $0x3F0, s18;
	[tilespmem:s15+$0x0] =	vst v1  }
0xec: {  	s17 =	sadd.s32 $0x10, s17;
	s18 =	sadd.s32 $0x10, s18;
	v1 =	vld [tilespmem:s16+$0x19380]  }
0xed: {  	v2 =	vld [tilespmem:s17+$0x0]  }
0xee: {  	v3 =	vld [tilespmem:s16+$0x19600]  }
0xef: {  	v4 =	vld [tilespmem:s16+$0x19880]  }
0xf0: {  	v5 =	vld [tilespmem:s16+$0x19B00]  }
0xf1: {  	v6 =	vld [tilespmem:s16+$0x19D80]  }
0xf2: {  	v1 =	vadd.s32 v2, v1;
	v2 =	vld [tilespmem:s16+$0x1A000]  }
0xf3: {  	v1 =	vadd.s32 v3, v1;
	v3 =	vld [tilespmem:s16+$0x1A280]  }
0xf4: {  	v58 =	vld [tilespmem:s16+$0x1A500];
	v1 =	vadd.s32 v4, v1  }
0xf5: {  	v59 =	vld [tilespmem:s16+$0x1A780];
	v1 =	vadd.s32 v5, v1  }
0xf6: {  	v60 =	vld [tilespmem:s16+$0x1AA00];
	v1 =	vadd.s32 v6, v1  }
0xf7: {  	v1 =	vadd.s32 v2, v1;
	v2 =	vld [tilespmem:s16+$0x1AC80]  }
0xf8: {  	v1 =	vadd.s32 v3, v1;
	v3 =	vld [tilespmem:s16+$0x1AF00]  }
0xf9: {  	v61 =	vld [tilespmem:s16+$0x1B180];
	v1 =	vadd.s32 v58, v1  }
0xfa: {  	v62 =	vld [tilespmem:s16+$0x1B400];
	v1 =	vadd.s32 v59, v1  }
0xfb: {  	v63 =	vld [tilespmem:s16+$0x1B680];
	v1 =	vadd.s32 v60, v1  }
0xfc: {  	v1 =	vadd.s32 v2, v1  }
0xfd: {  	v1 =	vadd.s32 v3, v1  }
0xfe: {  	v1 =	vadd.s32 v61, v1  }
.Ltmp6:
0xff: {  	v1 =	vadd.s32 v62, v1;
	(pc) =	sbr.rel .LBB2_12-.Ltmp6, $4  }
0x100: {  	v1 =	vadd.s32 v63, v1  }
0x101: {  	v1 =	vcvt.s32.f32 v1  }
0x102: {  	s15 =	sadd.s32 $0x10, s15  }
0x103: {  	[tilespmem:s15+$0x0] =	vst v1;
	s15 =	rddreg [dreg:$0x7]  }
.LBB2_4:
0x104: {  	s17 =	sadd.s32 s16, s24  }
0x105: {  	[tilespmem:s5], [sflag:$0x2] =	stream.linear.gather [hbm4b:s17+s5], $0x50, $0x38;
	[tilespmem:$0x1E380] =	vst v63  }
0x106: {  	_ =	swait.ge [sflag:s7], $0x50  }
0x107: {  	[sflag:s7] =	ssyncset.done $0x0  }
0x108: {  	s17 =	sadd.s32 $0x13880, s17;
	[sflag:s7] =	ssyncadd.s32 $0xFFFFFFB0  }
0x109: {  	[tilespmem:s13], [sflag:$0x2] =	stream.linear.gather [hbm4b:s17+s5], $0x50, $0x38;
	[tilespmem:$0x1E380] =	vst v63  }
0x10a: {  	_ =	swait.ge [sflag:s7], $0x50  }
0x10b: {  	[sflag:s7] =	ssyncset.done $0x0  }
0x10c: {  	[sflag:s7] =	ssyncadd.s32 $0xFFFFFFB0  }
0x10d: {  	[tilespmem:s8], [sflag:$0x1] =	stream.indirect.gather [hbm4b:s1+s22], $0x80, s5, s22, $0xb8;
	[tilespmem:$0x1E380] =	vst v63  }
0x10e: {  	_ =	swait.ge [sflag:s9], $0x2800  }
0x10f: {  	[sflag:s9] =	ssyncset.done $0x0  }
0x110: {  	[sflag:s9] =	ssyncadd.s32 $0xFFFFD800  }
0x111: {  	[spmem:s4] =	stream.indirect.scatter.add.f32 [tilespmem:s8], [sflag:$0x2], $0x80, s13, s22, $0xb8;
	[tilespmem:$0x1E380] =	vst v63  }
0x112: {  	_ =	swait.ge [sflag:s7], $0x2800  }
0x113: {  	[sflag:s7] =	ssyncset.done $0x0  }
0x114: {  	[sflag:s7] =	ssyncadd.s32 $0xFFFFD800  }
0x115: {  	v1 =	vld [tilespmem:$0x80];
	_ =	sdelay $0x4  }
0x116: {  	(xrf1) =	vunique.msk.u32 $0xffff, v1;
	_ =	sdelay $0xd  }
0x117: {  	_, v2, vm0 =	vpop (xrf1);
	_ =	sdelay $0x5  }
0x118: {  	[tilespmem:v1+s12+$0x0] =	vst.idx.add.s32.msk vm0, v2  }
0x119: {  	v1 =	vld [tilespmem:$0x90];
	_ =	sdelay $0x4  }
0x11a: {  	(xrf1) =	vunique.msk.u32 $0xffff, v1;
	_ =	sdelay $0xd  }
0x11b: {  	_, v2, vm0 =	vpop (xrf1);
	_ =	sdelay $0x5  }
0x11c: {  	[tilespmem:v1+s12+$0x0] =	vst.idx.add.s32.msk vm0, v2  }
0x11d: {  	v1 =	vld [tilespmem:$0xA0];
	_ =	sdelay $0x4  }
0x11e: {  	(xrf1) =	vunique.msk.u32 $0xffff, v1;
	_ =	sdelay $0xd  }
0x11f: {  	_, v2, vm0 =	vpop (xrf1);
	_ =	sdelay $0x5  }
0x120: {  	[tilespmem:v1+s12+$0x0] =	vst.idx.add.s32.msk vm0, v2  }
0x121: {  	v1 =	vld [tilespmem:$0xB0];
	_ =	sdelay $0x4  }
0x122: {  	(xrf1) =	vunique.msk.u32 $0xffff, v1;
	_ =	sdelay $0xd  }
0x123: {  	_, v2, vm0 =	vpop (xrf1);
	_ =	sdelay $0x5  }
0x124: {  	[tilespmem:v1+s12+$0x0] =	vst.idx.add.s32.msk vm0, v2  }
0x125: {  	v1 =	vld [tilespmem:$0xC0];
	_ =	sdelay $0x4  }
0x126: {  	(xrf1) =	vunique.msk.u32 $0xffff, v1;
	_ =	sdelay $0xd  }
0x127: {  	_, v2, vm0 =	vpop (xrf1)  }
0x128: {  	p1 =	sne.s32 s16, $0x137E  }
.Ltmp7:
0x129: {  	_ = 	snop;
	(pc) =	sbr.rel @p1 .LBB2_4-.Ltmp7, $2  }
0x12a: {  	_ =	sdelay $0x2  }
0x12b: {  	s16 =	sadd.s32 $0xA, s16;
	[tilespmem:v1+s12+$0x0] =	vst.idx.add.s32.msk vm0, v2  }
0x12c: {  	s16 =	rddreg [dreg:$0xa]  }
0x12d: {  	[spmem:s16] =	stream.linear.scatter [tilespmem:s12], [sflag:$0x2], $0x2800, $0x38;
	[tilespmem:$0x1E380] =	vst v63  }
0x12e: {  	_ =	swait.ge [sflag:s7], $0x2800  }
0x12f: {  	[sflag:s7] =	ssyncset.done $0x0  }
0x130: {  	[sflag:s7] =	ssyncadd.s32 $0xFFFFD800  }
0x131: {  	[bflag:$0x0] =	sbarrier.arrive $0xFFFF  }
0x132: {  	s17 =	rddreg [dreg:$0xb]  }
0x133: {  	[hbm:s17], [sflag:s10] =	dma.local [spmem:s15], $0x2800  }
0x134: {  	_ =	swait.ge [sflag:s7], $0x2800  }
0x135: {  	[sflag:s7] =	ssyncset.done $0x0  }
0x136: {  	s15 =	simm.s32 $0x19100;
	[sflag:s7] =	ssyncadd.s32 $0xFFFFD800  }
0x137: {  	[tilespmem:s15], [sflag:$0x2] =	stream.linear.gather [spmem:s11], $0x280, $0x38;
	[tilespmem:$0x1E380] =	vst v63  }
0x138: {  	_ =	swait.ge [sflag:s7], $0x280  }
0x139: {  	[sflag:s7] =	ssyncset.done $0x0  }
0x13a: {  	s17 =	simm.s32 $0x19380;
	s18 =	rddreg [dreg:$0xc];
	[sflag:s7] =	ssyncadd.s32 $0xFFFFFD80  }
0x13b: {  	[tilespmem:s17], [sflag:$0x2] =	stream.linear.gather [spmem:s18], $0x280, $0x38;
	[tilespmem:$0x1E380] =	vst v63  }
0x13c: {  	_ =	swait.ge [sflag:s7], $0x280  }
0x13d: {  	[sflag:s7] =	ssyncset.done $0x0  }
0x13e: {  	s18 =	simm.s32 $0x19600;
	s17 =	rddreg [dreg:$0xd];
	[sflag:s7] =	ssyncadd.s32 $0xFFFFFD80  }
0x13f: {  	[tilespmem:s18], [sflag:$0x2] =	stream.linear.gather [spmem:s17], $0x280, $0x38;
	[tilespmem:$0x1E380] =	vst v63  }
0x140: {  	_ =	swait.ge [sflag:s7], $0x280  }
0x141: {  	[sflag:s7] =	ssyncset.done $0x0  }
0x142: {  	s18 =	simm.s32 $0x19880;
	s17 =	rddreg [dreg:$0xe];
	[sflag:s7] =	ssyncadd.s32 $0xFFFFFD80  }
0x143: {  	[tilespmem:s18], [sflag:$0x2] =	stream.linear.gather [spmem:s17], $0x280, $0x38;
	[tilespmem:$0x1E380] =	vst v63  }
0x144: {  	_ =	swait.ge [sflag:s7], $0x280  }
0x145: {  	[sflag:s7] =	ssyncset.done $0x0  }
0x146: {  	s18 =	simm.s32 $0x19B00;
	s17 =	rddreg [dreg:$0xf];
	[sflag:s7] =	ssyncadd.s32 $0xFFFFFD80  }
0x147: {  	[tilespmem:s18], [sflag:$0x2] =	stream.linear.gather [spmem:s17], $0x280, $0x38;
	[tilespmem:$0x1E380] =	vst v63  }
0x148: {  	_ =	swait.ge [sflag:s7], $0x280  }
0x149: {  	[sflag:s7] =	ssyncset.done $0x0  }
0x14a: {  	s18 =	simm.s32 $0x19D80;
	s17 =	rddreg [dreg:$0x10];
	[sflag:s7] =	ssyncadd.s32 $0xFFFFFD80  }
0x14b: {  	[tilespmem:s18], [sflag:$0x2] =	stream.linear.gather [spmem:s17], $0x280, $0x38;
	[tilespmem:$0x1E380] =	vst v63  }
0x14c: {  	_ =	swait.ge [sflag:s7], $0x280  }
0x14d: {  	[sflag:s7] =	ssyncset.done $0x0  }
0x14e: {  	s17 =	simm.s32 $0x1A000;
	[sflag:s7] =	ssyncadd.s32 $0xFFFFFD80  }
0x14f: {  	[tilespmem:s17], [sflag:$0x2] =	stream.linear.gather [spmem:s19], $0x280, $0x38;
	[tilespmem:$0x1E380] =	vst v63  }
0x150: {  	_ =	swait.ge [sflag:s7], $0x280  }
0x151: {  	[sflag:s7] =	ssyncset.done $0x0  }
0x152: {  	s18 =	simm.s32 $0x1A280;
	[sflag:s7] =	ssyncadd.s32 $0xFFFFFD80  }
0x153: {  	[tilespmem:s18], [sflag:$0x2] =	stream.linear.gather [spmem:s20], $0x280, $0x38;
	[tilespmem:$0x1E380] =	vst v63  }
0x154: {  	_ =	swait.ge [sflag:s7], $0x280  }
0x155: {  	[sflag:s7] =	ssyncset.done $0x0  }
0x156: {  	s17 =	simm.s32 $0x1A500;
	[sflag:s7] =	ssyncadd.s32 $0xFFFFFD80  }
0x157: {  	[tilespmem:s17], [sflag:$0x2] =	stream.linear.gather [spmem:s26], $0x280, $0x38;
	[tilespmem:$0x1E380] =	vst v63  }
0x158: {  	_ =	swait.ge [sflag:s7], $0x280  }
0x159: {  	[sflag:s7] =	ssyncset.done $0x0  }
0x15a: {  	s18 =	simm.s32 $0x1A780;
	[sflag:s7] =	ssyncadd.s32 $0xFFFFFD80  }
0x15b: {  	[tilespmem:s18], [sflag:$0x2] =	stream.linear.gather [spmem:s28], $0x280, $0x38;
	[tilespmem:$0x1E380] =	vst v63  }
0x15c: {  	_ =	swait.ge [sflag:s7], $0x280  }
0x15d: {  	[sflag:s7] =	ssyncset.done $0x0  }
0x15e: {  	s17 =	simm.s32 $0x1AA00;
	[sflag:s7] =	ssyncadd.s32 $0xFFFFFD80  }
0x15f: {  	[tilespmem:s17], [sflag:$0x2] =	stream.linear.gather [spmem:s29], $0x280, $0x38;
	[tilespmem:$0x1E380] =	vst v63  }
0x160: {  	_ =	swait.ge [sflag:s7], $0x280  }
0x161: {  	[sflag:s7] =	ssyncset.done $0x0  }
0x162: {  	s18 =	simm.s32 $0x1AC80;
	[sflag:s7] =	ssyncadd.s32 $0xFFFFFD80  }
0x163: {  	[tilespmem:s18], [sflag:$0x2] =	stream.linear.gather [spmem:s30], $0x280, $0x38;
	[tilespmem:$0x1E380] =	vst v63  }
0x164: {  	_ =	swait.ge [sflag:s7], $0x280  }
0x165: {  	[sflag:s7] =	ssyncset.done $0x0  }
0x166: {  	s17 =	simm.s32 $0x1AF00;
	[sflag:s7] =	ssyncadd.s32 $0xFFFFFD80  }
0x167: {  	[tilespmem:s17], [sflag:$0x2] =	stream.linear.gather [spmem:s31], $0x280, $0x38;
	[tilespmem:$0x1E380] =	vst v63  }
0x168: {  	_ =	swait.ge [sflag:s7], $0x280  }
0x169: {  	[sflag:s7] =	ssyncset.done $0x0  }
0x16a: {  	s18 =	simm.s32 $0x1B180;
	[sflag:s7] =	ssyncadd.s32 $0xFFFFFD80  }
0x16b: {  	[tilespmem:s18], [sflag:$0x2] =	stream.linear.gather [spmem:s0], $0x280, $0x38;
	[tilespmem:$0x1E380] =	vst v63  }
0x16c: {  	_ =	swait.ge [sflag:s7], $0x280  }
0x16d: {  	[sflag:s7] =	ssyncset.done $0x0  }
0x16e: {  	s17 =	simm.s32 $0x1B400;
	[sflag:s7] =	ssyncadd.s32 $0xFFFFFD80  }
0x16f: {  	[tilespmem:s17], [sflag:$0x2] =	stream.linear.gather [spmem:s3], $0x280, $0x38;
	[tilespmem:$0x1E380] =	vst v63  }
0x170: {  	_ =	swait.ge [sflag:s7], $0x280  }
0x171: {  	[sflag:s7] =	ssyncset.done $0x0  }
0x172: {  	s18 =	simm.s32 $0x1B680;
	[sflag:s7] =	ssyncadd.s32 $0xFFFFFD80  }
0x173: {  	[tilespmem:s18], [sflag:$0x2] =	stream.linear.gather [spmem:s6], $0x280, $0x38;
	[tilespmem:$0x1E380] =	vst v63  }
0x174: {  	_ =	swait.ge [sflag:s7], $0x280  }
0x175: {  	s17 =	simm.s32 $0x0;
	[sflag:s7] =	ssyncset.done $0x0  }
0x176: {  	s16 =	sand.u32 $0x3F0, s17;
	[sflag:s7] =	ssyncadd.s32 $0xFFFFFD80  }
0x177: {  	v1 =	vld [tilespmem:s16+$0x19380]  }
0x178: {  	v2 =	vld [tilespmem:s15+$0x0]  }
0x179: {  	v3 =	vld [tilespmem:s16+$0x19600]  }
0x17a: {  	v4 =	vld [tilespmem:s16+$0x19880]  }
0x17b: {  	v5 =	vld [tilespmem:s16+$0x19B00]  }
0x17c: {  	v6 =	vld [tilespmem:s16+$0x19D80]  }
0x17d: {  	v1 =	vadd.s32 v2, v1;
	v2 =	vld [tilespmem:s16+$0x1A000]  }
0x17e: {  	v1 =	vadd.s32 v3, v1;
	v3 =	vld [tilespmem:s16+$0x1A280]  }
0x17f: {  	v58 =	vld [tilespmem:s16+$0x1A500];
	v1 =	vadd.s32 v4, v1  }
0x180: {  	v59 =	vld [tilespmem:s16+$0x1A780];
	v1 =	vadd.s32 v5, v1  }
0x181: {  	v60 =	vld [tilespmem:s16+$0x1AA00];
	v1 =	vadd.s32 v6, v1  }
0x182: {  	v1 =	vadd.s32 v2, v1;
	v2 =	vld [tilespmem:s16+$0x1AC80]  }
0x183: {  	v1 =	vadd.s32 v3, v1;
	v3 =	vld [tilespmem:s16+$0x1AF00]  }
0x184: {  	v61 =	vld [tilespmem:s16+$0x1B180];
	v1 =	vadd.s32 v58, v1  }
0x185: {  	v62 =	vld [tilespmem:s16+$0x1B400];
	v1 =	vadd.s32 v59, v1  }
0x186: {  	v63 =	vld [tilespmem:s16+$0x1B680];
	v1 =	vadd.s32 v60, v1  }
0x187: {  	v1 =	vadd.s32 v2, v1  }
0x188: {  	v1 =	vadd.s32 v3, v1  }
0x189: {  	v1 =	vadd.s32 v61, v1  }
0x18a: {  	v1 =	vadd.s32 v62, v1  }
0x18b: {  	v1 =	vadd.s32 v63, v1  }
0x18c: {  	v1 =	vcvt.s32.f32 v1  }
0x18d: {  	s18 =	simm.s32 $0x10;
	s15 =	simm.s32 $0x1B900  }
0x18e: {  	s16 =	sand.u32 $0x3F0, s18;
	[tilespmem:s15+$0x0] =	vst v1  }
0x18f: {  	s17 =	simm.s32 $0x19110;
	s18 =	simm.s32 $0x20;
	v1 =	vld [tilespmem:s16+$0x19380]  }
.LBB2_6:
0x190: {  	p1 =	seq.s32 s18, $0x270;
	v2 =	vld [tilespmem:s17+$0x0]  }
0x191: {  	v3 =	vld [tilespmem:s16+$0x19600]  }
0x192: {  	v4 =	vld [tilespmem:s16+$0x19880]  }
0x193: {  	v5 =	vld [tilespmem:s16+$0x19B00]  }
0x194: {  	v6 =	vld [tilespmem:s16+$0x19D80]  }
0x195: {  	v1 =	vadd.s32 v2, v1;
	v2 =	vld [tilespmem:s16+$0x1A000]  }
0x196: {  	v1 =	vadd.s32 v3, v1;
	v3 =	vld [tilespmem:s16+$0x1A280]  }
0x197: {  	v1 =	vadd.s32 v4, v1;
	v4 =	vld [tilespmem:s16+$0x1A500]  }
0x198: {  	v1 =	vadd.s32 v5, v1;
	v5 =	vld [tilespmem:s16+$0x1A780]  }
0x199: {  	v1 =	vadd.s32 v6, v1;
	v6 =	vld [tilespmem:s16+$0x1AA00]  }
0x19a: {  	v1 =	vadd.s32 v2, v1;
	v2 =	vld [tilespmem:s16+$0x1AC80]  }
0x19b: {  	v1 =	vadd.s32 v3, v1;
	v3 =	vld [tilespmem:s16+$0x1AF00]  }
0x19c: {  	v1 =	vadd.s32 v4, v1;
	v4 =	vld [tilespmem:s16+$0x1B180]  }
0x19d: {  	v1 =	vadd.s32 v5, v1;
	v5 =	vld [tilespmem:s16+$0x1B400]  }
0x19e: {  	v1 =	vadd.s32 v6, v1;
	v6 =	vld [tilespmem:s16+$0x1B680]  }
0x19f: {  	v1 =	vadd.s32 v2, v1  }
0x1a0: {  	v1 =	vadd.s32 v3, v1  }
0x1a1: {  	v1 =	vadd.s32 v4, v1  }
0x1a2: {  	v1 =	vadd.s32 v5, v1  }
.Ltmp8:
0x1a3: {  	v1 =	vadd.s32 v6, v1;
	(pc) =	sbr.rel @!p1 .LBB2_6-.Ltmp8, $4  }
0x1a4: {  	v1 =	vcvt.s32.f32 v1  }
0x1a5: {  	s15 =	sadd.s32 $0x10, s15  }
0x1a6: {  	s16 =	sand.u32 $0x3F0, s18;
	[tilespmem:s15+$0x0] =	vst v1  }
0x1a7: {  	s17 =	sadd.s32 $0x10, s17;
	s18 =	sadd.s32 $0x10, s18;
	v1 =	vld [tilespmem:s16+$0x19380]  }
.Ltmp9:
0x1a8: {  	_ = 	snop;
	(pc) =	sbr.rel .LBB2_7-.Ltmp9, $1  }
0x1a9: {  	_ =	sdelay $0x3  }
.LBB2_13:
0x1aa: {  	_ =	sfence.sel $0x180000  }
0x1ab: {  	[bflag:$0x0] =	sbarrier.arrive $0xFFFF  }
0x1ac: {  	_ =	strace $0x90000047  }
0x1ad: {  	s0 =	stileid.u32;
	[bflag:$0x2] =	sbarrier.arrive $0xFFFF  }
0x1ae: {  	p0 =	sne.s32 s0, $0x0;
	s0 =	rddreg [dreg:$0x5]  }
0x1af: {  	s0 =	sadd.s32 @!p0 $0x100000, s0  }
0x1b0: {  	[sflag:s0] =	ssyncadd.tile.s32 @!p0 $0x1;
	_ =	shalt  }
.Lfunc_end2:
_tile_overlayer_lowered:
.L_overlay_start_2:
0x1b1: {  	(tag) =	ssettag $0x2  }
0x1b2: {  	s0 =	rddreg [dreg:$0x0];
	s2 =	stileid.u32  }
0x1b3: {  	s1 =	rddreg [dreg:$0x1];
	p0 =	sne.s32 s2, $0x0  }
0x1b4: {  	s3 =	rddreg [dreg:$0x2];
	[bflag:$0x3] =	sbarrier.arrive $0xFFFF;
	s2 =	simm.s32 @!p0 $0x1C02  }
0x1b5: {  	[timem:s3], [sflag:s2] =	dma.local @!p0 [hbm:s0], s1  }
0x1b6: {  	s0 =	simm.s32 @!p0 $0x2  }
0x1b7: {  	_ =	swait.ge @!p0 [sflag:s0], s1  }
0x1b8: {  	s1 =	ssub.s32 @!p0 $0x0, s1;
	[sflag:s0] =	ssyncset.done @!p0 $0x0  }
0x1b9: {  	[sflag:s0] =	ssyncadd.s32 @!p0 s1  }
0x1ba: {  	[bflag:$0x3] =	sbarrier.arrive $0xFFFF  }
0x1bb: {  	_ =	shalt  }

// kernel: kernel.13.cloned.1.call-start
scs
__scs_entry_jumppad:
0x0: {  	(pc) =	sbr.rel $0x88, $3  }
0x1: {  	(tag) =	ssettag $0x0;
	lr =	simm.s32 $0x1  }
0x2: {  	[smem:$0x3F89] =	sst lr;
	_ =	strace $0xD0000000  }
0x3: {  	_ = 	snop  }
0x4: {  	_ = 	snop  }
0x5: {  	_ = 	snop  }
0x6: {  	_ = 	snop  }
0x7: {  	_ = 	snop  }
__scs_overlays_trampoline_lowered:
0x8: {  	[smem:$0x3F98] =	sst s0  }
0x9: {  	[smem:$0x3F99] =	sst s1  }
0xa: {  	[smem:$0x3F9A] =	sst s2  }
0xb: {  	[smem:$0x3F9B] =	sst s3  }
0xc: {  	[smem:$0x3F9C] =	sst s4  }
0xd: {  	[smem:$0x3F9D] =	sst s5  }
0xe: {  	[smem:$0x3F9E] =	sst s6  }
0xf: {  	[smem:$0x3F9F] =	sst s7  }
0x10: {  	[smem:$0x3FA0] =	sst s8  }
0x11: {  	[smem:$0x3FA1] =	sst s9;
	s0 =	simm.s32 @!p0 $0x0  }
0x12: {  	s1 =	sld [smem:$0x3F87];
	s0 =	simm.s32 @p0 $0x1  }
0x13: {  	[smem:$0x3FA2] =	sst s0;
	s0 =	simm.s32 @!p1 $0x0  }
0x14: {  	s2 =	sld [smem:$0x3F86];
	s0 =	simm.s32 @p1 $0x1  }
0x15: {  	[smem:$0x3FA3] =	sst s0;
	s0 =	simm.s32 @!p2 $0x0  }
0x16: {  	s3 =	sld [smem:$0x3FDB];
	s0 =	simm.s32 @p2 $0x1  }
0x17: {  	s4 =	simm.s32 $0x1BF5;
	[smem:$0x3FA5] =	sst s0  }
0x18: {  	s0 =	sld [smem:$0x3F88];
	_ =	swait.ge [sflag:s4], $0x0  }
0x19: {  	s7 =	sld [smem:$0x3F89]  }
0x1a: {  	s8 =	sadd.s32 $0xFFFFE003, lr  }
0x1b: {  	s9 =	sadd.s32 $0xFFFFFEF7, lr;
	s5 =	simm.s32 $0xFFFFFFFF;
	p2 =	slt.u32 s8, $0xFFFFF086  }
0x1c: {  	p1 =	slt.u32 s9, $0xF7A;
	s5 =	simm.s32 @!p2 $0x0  }
0x1d: {  	s5 =	simm.s32 @p1 $0x1;
	p0 =	seq.s32 s7, s2  }
0x1e: {  	s7 =	smul.u32 @!p0 $0xF7A, s2;
	p2 =	seq.s32 @!p0 s5, $0x0  }
0x1f: {  	s9 =	smul.u32 $0xF7A, s1;
	s8 =	simm.s32 @!p0 $0x1BF5;
	p2 =	por !p2, p0  }
0x20: {  	[sflag:s8] =	ssyncset.s32 @!p0 $0xFFFFF086;
	s6 =	sadd.s32 @!p0 s3, s7;
	s7 =	simm.s32 @!p0 $0x108  }
0x21: {  	s3 =	sadd.s32 s3, s9;
	s6 =	sadd.s32 @!p0 $0x88, s6;
	s7 =	simm.s32 @p2 $0x1082  }
0x22: {  	[simem:s7], [sflag:s8] =	dma.local @!p0 [hbm:s6], $0xF7A  }
0x23: {  	s9 =	sor.u32 $0xD0000000, s2;
	s6 =	simm.s32 $0x108;
	_ =	swait.ge @!p0 [sflag:s8], $0x0  }
0x24: {  	s3 =	sadd.s32 $0x88, s3;
	s6 =	simm.s32 @!p1 $0x1082;
	[sflag:s4] =	ssyncset.s32 $0xFFFFF086  }
0x25: {  	[simem:s6], [sflag:s4] =	dma.local [hbm:s3], $0xF7A  }
0x26: {  	[smem:$0x3F89] =	sst s1;
	(tag) =	ssettag s2;
	_ =	strace s9  }
0x27: {  	s1 =	sld [smem:$0x3F99]  }
0x28: {  	s2 =	sld [smem:$0x3F9A]  }
0x29: {  	s4 =	sld [smem:$0x3F9C]  }
0x2a: {  	p0 =	seq.s32 s5, $0x0;
	s5 =	sld [smem:$0x3F9D]  }
0x2b: {  	s6 =	sld [smem:$0x3F9E]  }
0x2c: {  	s7 =	sld [smem:$0x3F9F]  }
0x2d: {  	s3 =	simm.s32 $0x108;
	s8 =	sld [smem:$0x3FA0]  }
0x2e: {  	s3 =	simm.s32 @!p0 $0x1082;
	s9 =	sld [smem:$0x3FA1]  }
0x2f: {  	lr =	sadd.s32 s0, s3;
	s0 =	sld [smem:$0x3F98]  }
0x30: {  	s3 =	sld [smem:$0x3F9B]  }
0x31: {  	[smem:$0x3FA4] =	sst s10  }
0x32: {  	s10 =	sld [smem:$0x3FA2];
	_ =	sdelay $0x3  }
0x33: {  	p0 =	seq.s32 s10, $0x1;
	s10 =	sld [smem:$0x3FA4];
	_ =	sdelay $0x3  }
0x34: {  	[smem:$0x3FA4] =	sst s10  }
0x35: {  	s10 =	sld [smem:$0x3FA3];
	_ =	sdelay $0x3  }
0x36: {  	p1 =	seq.s32 s10, $0x1;
	s10 =	sld [smem:$0x3FA4];
	_ =	sdelay $0x3  }
0x37: {  	[smem:$0x3FA4] =	sst s10  }
0x38: {  	s10 =	sld [smem:$0x3FA5]  }
0x39: {  	_ = 	snop;
	(pc) =	sbr.ind lr, $3  }
0x3a: {  	_ = 	snop  }
0x3b: {  	_ = 	snop  }
0x3c: {  	p2 =	seq.s32 s10, $0x1;
	s10 =	sld [smem:$0x3FA4]  }
0x3d: {  	_ =	shalt  }
0x3e: {  	_ =	shalt  }
0x3f: {  	_ =	shalt  }
0x40: {  	_ =	shalt  }
0x41: {  	_ =	shalt  }
0x42: {  	_ =	shalt  }
0x43: {  	_ =	shalt  }
0x44: {  	_ =	shalt  }
0x45: {  	_ =	shalt  }
0x46: {  	_ =	shalt  }
0x47: {  	_ =	shalt  }
0x48: {  	_ =	shalt  }
0x49: {  	_ =	shalt  }
0x4a: {  	_ =	shalt  }
0x4b: {  	_ =	shalt  }
0x4c: {  	_ =	shalt  }
0x4d: {  	_ =	shalt  }
0x4e: {  	_ =	shalt  }
0x4f: {  	_ =	shalt  }
0x50: {  	_ =	shalt  }
0x51: {  	_ =	shalt  }
0x52: {  	_ =	shalt  }
0x53: {  	_ =	shalt  }
0x54: {  	_ =	shalt  }
0x55: {  	_ =	shalt  }
0x56: {  	_ =	shalt  }
0x57: {  	_ =	shalt  }
0x58: {  	_ =	shalt  }
0x59: {  	_ =	shalt  }
0x5a: {  	_ =	shalt  }
0x5b: {  	_ =	shalt  }
0x5c: {  	_ =	shalt  }
0x5d: {  	_ =	shalt  }
0x5e: {  	_ =	shalt  }
0x5f: {  	_ =	shalt  }
0x60: {  	_ =	shalt  }
0x61: {  	_ =	shalt  }
0x62: {  	_ =	shalt  }
0x63: {  	_ =	shalt  }
0x64: {  	_ =	shalt  }
0x65: {  	_ =	shalt  }
0x66: {  	_ =	shalt  }
0x67: {  	_ =	shalt  }
0x68: {  	_ =	shalt  }
0x69: {  	_ =	shalt  }
0x6a: {  	_ =	shalt  }
0x6b: {  	_ =	shalt  }
0x6c: {  	_ =	shalt  }
0x6d: {  	_ =	shalt  }
0x6e: {  	_ =	shalt  }
0x6f: {  	_ =	shalt  }
0x70: {  	_ =	shalt  }
0x71: {  	_ =	shalt  }
0x72: {  	_ =	shalt  }
0x73: {  	_ =	shalt  }
0x74: {  	_ =	shalt  }
0x75: {  	_ =	shalt  }
0x76: {  	_ =	shalt  }
0x77: {  	_ =	shalt  }
0x78: {  	_ =	shalt  }
0x79: {  	_ =	shalt  }
0x7a: {  	_ =	shalt  }
0x7b: {  	_ =	shalt  }
0x7c: {  	_ =	shalt  }
0x7d: {  	_ =	shalt  }
0x7e: {  	_ =	shalt  }
0x7f: {  	_ =	shalt  }
0x80: {  	_ =	shalt  }
0x81: {  	_ =	shalt  }
0x82: {  	_ =	shalt  }
0x83: {  	_ =	shalt  }
0x84: {  	_ =	shalt  }
0x85: {  	_ =	shalt  }
0x86: {  	_ =	shalt  }
0x87: {  	_ =	shalt  }
.Lfunc_end0:
.L_simem_size_0:
called_computation.1_lowered:
.L_overlay_start_0:
0x88: {  	s2 =	sld [smem:$0x3FD9]  }
0x89: {  	s3 =	sld [smem:$0x3FFE];
	_ =	sdelay $0x1  }
0x8a: {  	s1 =	srdreg.scid  }
0x8b: {  	s0 =	sand.u32 $0x1, s1  }
0x8c: {  	s14 =	sshll.u32 s0, $0xA;
	s2 =	sadd.s32 s3, s2  }
0x8d: {  	s2 =	sadd.s32 s2, s14  }
0x8e: {  	[smem:$0x3FB0] =	sst s2  }
0x8f: {  	_ = 	snop  }
0x90: {  	s2 =	sld [smem:$0x3FD0];
	_ =	sdelay $0x2  }
0x91: {  	s15 =	simm.s32 $0xA;
	s4 =	simm.s32 $0x10  }
0x92: {  	[smem:s4], [sflag:s15] =	dma.local [hbm:s2], $0x1  }
0x93: {  	_ =	swait.eq [sflag:s15], $0x1  }
0x94: {  	[sflag:s15] =	ssyncset.done $0x0  }
0x95: {  	[sflag:s15] =	ssyncadd.s32 $0xFFFFFFFF  }
0x96: {  	s16 =	sld [smem:$0x11];
	(tm) =	ssettm $0x1  }
0x97: {  	s17 =	sld [smem:$0x3FFB];
	_ =	sdelay $0x3  }
0x98: {  	_ =	strace s17  }
0x99: {  	s3 =	sld [smem:$0x3FFC];
	_ =	sdelay $0x3  }
0x9a: {  	_ =	strace s3  }
0x9b: {  	s3 =	sld [smem:$0x3FFD];
	_ =	sdelay $0x3  }
0x9c: {  	_ =	strace s3  }
0x9d: {  	_ =	strace $0x8FFFFFFF  }
0x9e: {  	s18 =	sld [smem:$0x3FDB];
	_ =	sdelay $0x1  }
0x9f: {  	s19 =	simm.s32 $_scs_section_size  }
0xa0: {  	s5 =	simm.s32 $_size__tile_overlayer_lowered;
	s6 =	simm.s32 $_tile_overlayer_lowered  }
0xa1: {  	s22 =	simm.s32 $0x1BFF;
	s21 =	sshll.u32 s6, $0x1;
	s3 =	sadd.s32 s19, s18  }
0xa2: {  	s7 =	simm.s32 $0x0;
	s20 =	sshll.u32 s5, $0x1;
	s5 =	sadd.s32 s21, s3  }
0xa3: {  	[timem:s7], [sflag:s22] =	dma.local [hbm:s5], s20  }
0xa4: {  	_ =	swait.ge [sflag:s22], s20  }
0xa5: {  	s4 =	ssub.s32 $0x0, s20;
	[sflag:s22] =	ssyncset.done $0x0  }
0xa6: {  	[sflag:s22] =	ssyncadd.s32 s4;
	_ =	sdelay $0x1  }
0xa7: {  	s23 =	simm.s32 $0x1B8B  }
0xa8: {  	_ =	swait.ge [sflag:s23], $0x1  }
0xa9: {  	[sflag:s23] =	ssyncset.done $0x0  }
0xaa: {  	s25 =	simm.s32 $0x1B8E;
	s24 =	sld [smem:$0x3FFE];
	[sflag:s23] =	ssyncadd.s32 $0xFFFFFFFF  }
0xab: {  	s26 =	simm.s32 $execute0_lowered;
	[smem:$0x3FD2] =	sst s25  }
0xac: {  	s5 =	sshll.u32 s26, $0x1;
	_ =	strace $0x80000049;
	[dreg:$0x1] =	wrdreg $0xFFFFFFFF  }
0xad: {  	s28 =	simm.s32 $_size_execute0_lowered;
	s3 =	sadd.s32 s3, s5;
	[dreg:$0x0] =	wrdreg $0x0  }
0xae: {  	s5 =	sshll.u32 s28, $0x1;
	[dreg:$0x2] =	wrdreg s3  }
0xaf: {  	[dreg:$0x3] =	wrdreg s5  }
0xb0: {  	[dreg:$0x4] =	wrdreg $0xC0  }
0xb1: {  	_ =	task [dreg:s7], $0x5FFFF  }
0xb2: {  	[dreg:$0x1] =	wrdreg $0xFFFFFFFF  }
0xb3: {  	[dreg:$0x0] =	wrdreg $0x60  }
0xb4: {  	[dreg:$0x2] =	wrdreg s24  }
0xb5: {  	[dreg:$0x3] =	wrdreg s16  }
0xb6: {  	[dreg:$0x4] =	wrdreg $0x29000  }
0xb7: {  	[dreg:$0x5] =	wrdreg $0x9  }
0xb8: {  	_ =	task.clear_ibuf [dreg:s7], $0x6FFFF;
	_ =	strace $0x90000049  }
0xb9: {  	s29 =	simm.s32 $0x9;
	_ =	strace $0x8000004B  }
0xba: {  	_ =	swait.ge [sflag:s29], $0x1  }
0xbb: {  	[sflag:s29] =	ssyncadd.s32 $0xFFFFFFFF  }
0xbc: {  	_ =	strace $0x9000004B  }
0xbd: {  	_ =	sfence  }
0xbe: {  	s30 =	sld [smem:$0x0];
	_ =	sdelay $0x2  }
0xbf: {  	s31 =	sshll.u32 s1, $0xD;
	s1 =	sshrl.u32 s1, $0x2  }
0xc0: {  	s3 =	sand.u32 $0x4000, s31;
	s1 =	sadd.s32 s1, s30  }
0xc1: {  	s0 =	sor.u32 s3, s0;
	s1 =	sshll.u32 s1, $0x11  }
0xc2: {  	s0 =	sor.u32 s1, s0  }
0xc3: {  	s0 =	sadd.s32 $0x8F2B, s0  }
0xc4: {  	[sflag:s0] =	ssyncadd.remote.s32 $0x1  }
0xc5: {  	_ =	sfence.sel $0xFFFF  }
0xc6: {  	[dreg:$0x0] =	wrdreg $0xFFFFFFFF;
	(pc) =	sbr.abs _section_cstart, $3  }
0xc7: {  	[dreg:$0x1] =	wrdreg $0xFFFFFFFF  }
0xc8: {  	_ =	task.clear_ibuf [dreg:s7], $0x2FFFF;
	_ =	strace $0x9FFFFFFF  }
0xc9: {  	(tm) =	ssettm $0x7FFFFFFF  }
tec
execute0_lowered:
.L_overlay_start_1:
0x0: {  	(tag) =	ssettag $0x1  }
0x1: {  	s8 =	rddreg [dreg:$0x0]  }
0x2: {  	s1 =	rddreg [dreg:$0x1]  }
0x3: {  	s3 =	rddreg [dreg:$0x2]  }
0x4: {  	s0 =	rddreg [dreg:$0x3];
	s4 =	simm.s32 $0x0  }
0x5: {  	s2 =	stileid.u32;
	s9 =	srdreg.scid;
	s16 =	simm.s32 $0x80  }
0x6: {  	s17 =	simm.s32 $0x50;
	s18 =	simm.s32 $0x100;
	s19 =	simm.s32 $0x1  }
0x7: {  	s20 =	simm.s32 $0x0;
	[smem:$0x7FF] =	sst s4;
	s7 =	smul.u32 $0x1388, s2  }
0x8: {  	s5 =	sadd.s32 $0x7DE00, s8;
	s6 =	smul.u32 $0x2800, s2;
	s11 =	sand.u32 $0x1, s9  }
0x9: {  	s10 =	smul.u32 $0x50000, s2;
	s31 =	sshll.u32 s2, $0x6;
	_ =	strace $0x8000004A  }
0xa: {  	s9 =	ssub.s32 $0x2, s11;
	p0 =	seq.s32 s11, $0x1;
	s13 =	sadd.s32 s7, s8  }
.Ltmp0:
0xb: {  	s12 =	sadd.s32 s6, s8;
	s7 =	sadd.s32 $0xA5000, s8;
	(pc) =	sbr.rel .LBB2_1-.Ltmp0, $4  }
0xc: {  	s14 =	sshrl.u32 s9, $0x1;
	s8 =	sadd.s32 $0xF6A00, s8;
	s30 =	sshrl.u32 s10, $0x2  }
0xd: {  	s10 =	sor.u32 $0x1C02, s31;
	s14 =	ssub.s32 s9, s14;
	s15 =	sadd.s32 s30, s3  }
0xe: {  	s9 =	sadd.s32 $0x55E00, s12;
	s12 =	sadd.s32 $0x7A00, s13;
	s13 =	sadd.s32 $0x2EC00, s13  }
0xf: {  	s11 =	smax.u32 s14, $0x1;
	s14 =	sshrl.u32 s15, $0x3;
	s15 =	simm.s32 $0x2  }
.LBB2_7:
0x10: {  	s21 =	sadd.s32 s21, s13;
	[sflag:s15] =	ssyncadd.s32 $0xFFFFD800  }
0x11: {  	[tilespmem:s4], [sflag:$0x2] =	stream.linear.gather [hbm4b:s21+s4], $0x50, $0x38;
	[tilespmem:$0x16900] =	vst v63  }
0x12: {  	_ =	swait.ge [sflag:s15], $0x50  }
0x13: {  	[sflag:s15] =	ssyncset.done $0x0  }
0x14: {  	s21 =	sadd.s32 $0x13880, s21;
	[sflag:s15] =	ssyncadd.s32 $0xFFFFFFB0  }
0x15: {  	[tilespmem:s16], [sflag:$0x2] =	stream.linear.gather [hbm4b:s21+s4], $0x50, $0x38;
	[tilespmem:$0x16900] =	vst v63  }
0x16: {  	_ =	swait.ge [sflag:s15], $0x50  }
0x17: {  	[sflag:s15] =	ssyncset.done $0x0  }
0x18: {  	[sflag:s15] =	ssyncadd.s32 $0xFFFFFFB0  }
0x19: {  	[tilespmem:s18], [sflag:$0x1] =	stream.indirect.gather [hbm4b:s1+s17], $0x80, s4, s17, $0xb8;
	[tilespmem:$0x16900] =	vst v63  }
0x1a: {  	_ =	swait.ge [sflag:s19], $0x2800  }
0x1b: {  	[sflag:s19] =	ssyncset.done $0x0  }
0x1c: {  	[sflag:s19] =	ssyncadd.s32 $0xFFFFD800  }
0x1d: {  	[spmem:s3] =	stream.indirect.scatter.add.f32 [tilespmem:s18], [sflag:$0x2], $0x80, s16, s17, $0xb8;
	[tilespmem:$0x16900] =	vst v63  }
0x1e: {  	_ =	swait.ge [sflag:s15], $0x2800  }
0x1f: {  	[sflag:s15] =	ssyncset.done $0x0  }
0x20: {  	s21 =	smov.u32 s8;
	[sflag:s15] =	ssyncadd.s32 $0xFFFFD800  }
.LBB2_8:
0x21: {  	s20 =	sadd.s32 $0x1, s20  }
0x22: {  	p1 =	sne.s32 s20, s11  }
.Ltmp1:
0x23: {  	s21 =	sadd.s32 s21, s6;
	[bflag:$0x0] =	sbarrier.arrive $0xFFFF;
	(pc) =	sbr.rel @!p1 .LBB2_9-.Ltmp1, $4  }
0x24: {  	[hbm:s21], [sflag:s10] =	dma.local [spmem:s14], $0x2800  }
0x25: {  	_ =	swait.ge [sflag:s15], $0x2800  }
0x26: {  	[sflag:s15] =	ssyncset.done $0x0  }
0x27: {  	[sflag:s15] =	ssyncadd.s32 $0xFFFFD800  }
.LBB2_1:
0x28: {  	[spmem:s14], [sflag:s10] =	dma.local [hbm:s9], $0x2800  }
.Ltmp2:
0x29: {  	_ =	swait.ge [sflag:s15], $0x2800;
	(pc) =	sbr.rel @!p0 .LBB2_2-.Ltmp2, $3  }
0x2a: {  	[sflag:s15] =	ssyncset.done $0x0  }
0x2b: {  	[sflag:s15] =	ssyncadd.s32 $0xFFFFD800  }
0x2c: {  	[bflag:$0x0] =	sbarrier.arrive $0xFFFF;
	_ =	sdelay $0x1  }
0x2d: {  	s21 =	sadd.s32 $0x0, s13  }
0x2e: {  	[tilespmem:s4], [sflag:$0x2] =	stream.linear.gather [hbm4b:s21+s4], $0x50, $0x38;
	[tilespmem:$0x16900] =	vst v63  }
0x2f: {  	_ =	swait.ge [sflag:s15], $0x50  }
0x30: {  	[sflag:s15] =	ssyncset.done $0x0  }
0x31: {  	s21 =	sadd.s32 $0x13880, s21;
	[sflag:s15] =	ssyncadd.s32 $0xFFFFFFB0  }
0x32: {  	[tilespmem:s16], [sflag:$0x2] =	stream.linear.gather [hbm4b:s21+s4], $0x50, $0x38;
	[tilespmem:$0x16900] =	vst v63  }
0x33: {  	_ =	swait.ge [sflag:s15], $0x50  }
0x34: {  	[sflag:s15] =	ssyncset.done $0x0  }
0x35: {  	[sflag:s15] =	ssyncadd.s32 $0xFFFFFFB0  }
0x36: {  	[tilespmem:s18], [sflag:$0x1] =	stream.indirect.gather [hbm4b:s1+s17], $0x80, s4, s17, $0xb8;
	[tilespmem:$0x16900] =	vst v63  }
0x37: {  	_ =	swait.ge [sflag:s19], $0x2800  }
0x38: {  	[sflag:s19] =	ssyncset.done $0x0  }
0x39: {  	[sflag:s19] =	ssyncadd.s32 $0xFFFFD800  }
0x3a: {  	[spmem:s3] =	stream.indirect.scatter.add.f32 [tilespmem:s18], [sflag:$0x2], $0x80, s16, s17, $0xb8;
	[tilespmem:$0x16900] =	vst v63  }
0x3b: {  	_ =	swait.ge [sflag:s15], $0x2800  }
0x3c: {  	s22 =	simm.s32 $0x14;
	s21 =	simm.s32 $0xA;
	[sflag:s15] =	ssyncset.done $0x0  }
.LBB2_6:
0x3d: {  	s23 =	sadd.s32 s21, s13  }
0x3e: {  	[sflag:s15] =	ssyncadd.s32 $0xFFFFD800;
	s21 =	smov.u32 s22;
	s24 =	sadd.s32 $0xA, s22  }
0x3f: {  	[tilespmem:s4], [sflag:$0x2] =	stream.linear.gather [hbm4b:s23+s4], $0x50, $0x38;
	[tilespmem:$0x16900] =	vst v63  }
0x40: {  	p1 =	sne.s32 s22, $0x137E;
	_ =	swait.ge [sflag:s15], $0x50  }
0x41: {  	[sflag:s15] =	ssyncset.done $0x0  }
0x42: {  	s22 =	sadd.s32 $0x13880, s23;
	[sflag:s15] =	ssyncadd.s32 $0xFFFFFFB0  }
0x43: {  	[tilespmem:s16], [sflag:$0x2] =	stream.linear.gather [hbm4b:s22+s4], $0x50, $0x38;
	[tilespmem:$0x16900] =	vst v63  }
0x44: {  	_ =	swait.ge [sflag:s15], $0x50  }
0x45: {  	[sflag:s15] =	ssyncset.done $0x0  }
0x46: {  	[sflag:s15] =	ssyncadd.s32 $0xFFFFFFB0  }
0x47: {  	[tilespmem:s18], [sflag:$0x1] =	stream.indirect.gather [hbm4b:s1+s17], $0x80, s4, s17, $0xb8;
	[tilespmem:$0x16900] =	vst v63  }
0x48: {  	_ =	swait.ge [sflag:s19], $0x2800  }
.Ltmp3:
0x49: {  	[sflag:s19] =	ssyncset.done $0x0;
	(pc) =	sbr.rel @p1 .LBB2_6-.Ltmp3, $4  }
0x4a: {  	[sflag:s19] =	ssyncadd.s32 $0xFFFFD800  }
0x4b: {  	[spmem:s3] =	stream.indirect.scatter.add.f32 [tilespmem:s18], [sflag:$0x2], $0x80, s16, s17, $0xb8;
	[tilespmem:$0x16900] =	vst v63  }
0x4c: {  	_ =	swait.ge [sflag:s15], $0x2800  }
0x4d: {  	s22 =	smov.u32 s24;
	[sflag:s15] =	ssyncset.done $0x0  }
.Ltmp4:
0x4e: {  	_ = 	snop;
	(pc) =	sbr.rel .LBB2_7-.Ltmp4, $1  }
0x4f: {  	_ =	sdelay $0x3  }
.LBB2_2:
0x50: {  	s21 =	sadd.s32 $0x0, s12  }
0x51: {  	[tilespmem:s4], [sflag:$0x2] =	stream.linear.gather [hbm4b:s21+s4], $0x50, $0x38;
	[tilespmem:$0x16900] =	vst v63  }
0x52: {  	_ =	swait.ge [sflag:s15], $0x50  }
0x53: {  	[sflag:s15] =	ssyncset.done $0x0  }
0x54: {  	s21 =	sadd.s32 $0x13880, s21;
	[sflag:s15] =	ssyncadd.s32 $0xFFFFFFB0  }
0x55: {  	[tilespmem:s16], [sflag:$0x2] =	stream.linear.gather [hbm4b:s21+s4], $0x50, $0x38;
	[tilespmem:$0x16900] =	vst v63  }
0x56: {  	_ =	swait.ge [sflag:s15], $0x50  }
0x57: {  	[sflag:s15] =	ssyncset.done $0x0  }
0x58: {  	[sflag:s15] =	ssyncadd.s32 $0xFFFFFFB0  }
0x59: {  	[tilespmem:s18], [sflag:$0x1] =	stream.indirect.gather [hbm4b:s5+s17], $0x80, s4, s17, $0xb8;
	[tilespmem:$0x16900] =	vst v63  }
0x5a: {  	_ =	swait.ge [sflag:s19], $0x2800  }
0x5b: {  	[sflag:s19] =	ssyncset.done $0x0  }
0x5c: {  	[sflag:s19] =	ssyncadd.s32 $0xFFFFD800  }
0x5d: {  	[spmem:s3] =	stream.indirect.scatter.add.f32 [tilespmem:s18], [sflag:$0x2], $0x80, s16, s17, $0xb8;
	[tilespmem:$0x16900] =	vst v63  }
0x5e: {  	_ =	swait.ge [sflag:s15], $0x2800  }
0x5f: {  	s22 =	simm.s32 $0x14;
	s21 =	simm.s32 $0xA;
	[sflag:s15] =	ssyncset.done $0x0  }
.LBB2_3:
0x60: {  	s23 =	sadd.s32 s21, s12  }
0x61: {  	[sflag:s15] =	ssyncadd.s32 $0xFFFFD800;
	s21 =	smov.u32 s22;
	s24 =	sadd.s32 $0xA, s22  }
0x62: {  	[tilespmem:s4], [sflag:$0x2] =	stream.linear.gather [hbm4b:s23+s4], $0x50, $0x38;
	[tilespmem:$0x16900] =	vst v63  }
0x63: {  	p1 =	seq.s32 s22, $0x137E;
	_ =	swait.ge [sflag:s15], $0x50  }
0x64: {  	[sflag:s15] =	ssyncset.done $0x0  }
0x65: {  	s22 =	sadd.s32 $0x13880, s23;
	[sflag:s15] =	ssyncadd.s32 $0xFFFFFFB0  }
0x66: {  	[tilespmem:s16], [sflag:$0x2] =	stream.linear.gather [hbm4b:s22+s4], $0x50, $0x38;
	[tilespmem:$0x16900] =	vst v63  }
0x67: {  	_ =	swait.ge [sflag:s15], $0x50  }
0x68: {  	[sflag:s15] =	ssyncset.done $0x0  }
0x69: {  	[sflag:s15] =	ssyncadd.s32 $0xFFFFFFB0  }
0x6a: {  	[tilespmem:s18], [sflag:$0x1] =	stream.indirect.gather [hbm4b:s5+s17], $0x80, s4, s17, $0xb8;
	[tilespmem:$0x16900] =	vst v63  }
0x6b: {  	_ =	swait.ge [sflag:s19], $0x2800  }
.Ltmp5:
0x6c: {  	[sflag:s19] =	ssyncset.done $0x0;
	(pc) =	sbr.rel @!p1 .LBB2_3-.Ltmp5, $4  }
0x6d: {  	[sflag:s19] =	ssyncadd.s32 $0xFFFFD800  }
0x6e: {  	[spmem:s3] =	stream.indirect.scatter.add.f32 [tilespmem:s18], [sflag:$0x2], $0x80, s16, s17, $0xb8;
	[tilespmem:$0x16900] =	vst v63  }
0x6f: {  	_ =	swait.ge [sflag:s15], $0x2800  }
0x70: {  	s22 =	smov.u32 s24;
	[sflag:s15] =	ssyncset.done $0x0  }
0x71: {  	s21 =	sadd.s32 s21, s12;
	[sflag:s15] =	ssyncadd.s32 $0xFFFFD800  }
0x72: {  	[tilespmem:s4], [sflag:$0x2] =	stream.linear.gather [hbm4b:s21+s4], $0x50, $0x38;
	[tilespmem:$0x16900] =	vst v63  }
0x73: {  	_ =	swait.ge [sflag:s15], $0x50  }
0x74: {  	[sflag:s15] =	ssyncset.done $0x0  }
0x75: {  	s21 =	sadd.s32 $0x13880, s21;
	[sflag:s15] =	ssyncadd.s32 $0xFFFFFFB0  }
0x76: {  	[tilespmem:s16], [sflag:$0x2] =	stream.linear.gather [hbm4b:s21+s4], $0x50, $0x38;
	[tilespmem:$0x16900] =	vst v63  }
0x77: {  	_ =	swait.ge [sflag:s15], $0x50  }
0x78: {  	[sflag:s15] =	ssyncset.done $0x0  }
0x79: {  	[sflag:s15] =	ssyncadd.s32 $0xFFFFFFB0  }
0x7a: {  	[tilespmem:s18], [sflag:$0x1] =	stream.indirect.gather [hbm4b:s5+s17], $0x80, s4, s17, $0xb8;
	[tilespmem:$0x16900] =	vst v63  }
0x7b: {  	_ =	swait.ge [sflag:s19], $0x2800  }
0x7c: {  	[sflag:s19] =	ssyncset.done $0x0  }
.Ltmp6:
0x7d: {  	[sflag:s19] =	ssyncadd.s32 $0xFFFFD800;
	(pc) =	sbr.rel .LBB2_8-.Ltmp6, $4  }
0x7e: {  	[spmem:s3] =	stream.indirect.scatter.add.f32 [tilespmem:s18], [sflag:$0x2], $0x80, s16, s17, $0xb8;
	[tilespmem:$0x16900] =	vst v63  }
0x7f: {  	_ =	swait.ge [sflag:s15], $0x2800  }
0x80: {  	[sflag:s15] =	ssyncset.done $0x0  }
0x81: {  	s21 =	smov.u32 s7;
	[sflag:s15] =	ssyncadd.s32 $0xFFFFD800  }
.LBB2_9:
0x82: {  	_ =	sfence.sel $0x180000  }
0x83: {  	[bflag:$0x0] =	sbarrier.arrive $0xFFFF  }
0x84: {  	p0 =	sne.s32 s2, $0x0;
	_ =	strace $0x9000004A  }
0x85: {  	s0 =	sadd.s32 @!p0 $0x100000, s0;
	[bflag:$0x2] =	sbarrier.arrive $0xFFFF  }
0x86: {  	[sflag:s0] =	ssyncadd.tile.s32 @!p0 $0x1;
	_ =	shalt  }
.Lfunc_end2:
_tile_overlayer_lowered:
.L_overlay_start_2:
0x87: {  	(tag) =	ssettag $0x2  }
0x88: {  	s0 =	rddreg [dreg:$0x0];
	s2 =	stileid.u32  }
0x89: {  	s1 =	rddreg [dreg:$0x1];
	p0 =	sne.s32 s2, $0x0  }
0x8a: {  	s3 =	rddreg [dreg:$0x2];
	[bflag:$0x3] =	sbarrier.arrive $0xFFFF;
	s2 =	simm.s32 @!p0 $0x1C02  }
0x8b: {  	[timem:s3], [sflag:s2] =	dma.local @!p0 [hbm:s0], s1  }
0x8c: {  	s0 =	simm.s32 @!p0 $0x2  }
0x8d: {  	_ =	swait.ge @!p0 [sflag:s0], s1  }
0x8e: {  	s1 =	ssub.s32 @!p0 $0x0, s1;
	[sflag:s0] =	ssyncset.done @!p0 $0x0  }
0x8f: {  	[sflag:s0] =	ssyncadd.s32 @!p0 s1  }
0x90: {  	[bflag:$0x3] =	sbarrier.arrive $0xFFFF  }
0x91: {  	_ =	shalt  }

</sc_bundles>
